<compile_context>
chip_gen: v7x
topology: tpu7x:2x2x1
jax: 0.10.2.dev20260603
libtpu: 0.0.44.dev20260713+nightly
codegen_flags: <defaults>
</compile_context>

<pallas_src>
import functools

import jax
import jax.numpy as jnp
from jax import lax
from jax.experimental import pallas as pl
from jax.experimental.pallas import tpu as pltpu
from jax.experimental.pallas import tpu_sc as plsc

N = 10000
E = 320000
D = 128
C = 64
G = 64
NOUT = 10

NC = 2
NS = 16
NW = NC * NS
EPW = E // NW
CH = 1000
NCH = EPW // CH
NP = 10240
RPT = NP // NS
NPK = NP // 2

NB = 5
BM = NP // NB
HB = BM // 2



def _edge_body(u_hbm, src_hbm, dst_hbm, zero_hbm, out_hbm,
               src_v, dst_v, rows_a, rows_b, stage_v, acc_sh,
               sem_a, sem_b):
    cid = lax.axis_index("c")
    sid = lax.axis_index("s")
    wid = sid * NC + cid

    pltpu.sync_copy(zero_hbm.at[pl.ds(sid * RPT, RPT)], stage_v)
    pltpu.sync_copy(stage_v, acc_sh.at[pl.ds(sid * RPT, RPT)])

    pltpu.sync_copy(src_hbm.at[wid], src_v)
    pltpu.sync_copy(dst_hbm.at[wid], dst_v)

    pltpu.async_copy(u_hbm.at[src_v.at[0]], rows_a, sem_a)
    plsc.subcore_barrier()

    def body(j, carry):
        c0 = 2 * j
        pltpu.async_copy(u_hbm.at[src_v.at[c0 + 1]], rows_b, sem_b)
        pltpu.make_async_copy(u_hbm.at[src_v.at[c0]], rows_a, sem_a).wait()
        pltpu.sync_copy(rows_a, acc_sh.at[dst_v.at[c0]], add=True)
        pltpu.async_copy(u_hbm.at[src_v.at[c0 + 2]], rows_a, sem_a)
        pltpu.make_async_copy(u_hbm.at[src_v.at[c0 + 1]], rows_b, sem_b).wait()
        pltpu.sync_copy(rows_b, acc_sh.at[dst_v.at[c0 + 1]], add=True)
        return carry

    lax.fori_loop(0, NCH // 2 - 1, body, 0)

    pltpu.async_copy(u_hbm.at[src_v.at[NCH - 1]], rows_b, sem_b)
    pltpu.make_async_copy(u_hbm.at[src_v.at[NCH - 2]], rows_a, sem_a).wait()
    pltpu.sync_copy(rows_a, acc_sh.at[dst_v.at[NCH - 2]], add=True)
    pltpu.make_async_copy(u_hbm.at[src_v.at[NCH - 1]], rows_b, sem_b).wait()
    pltpu.sync_copy(rows_b, acc_sh.at[dst_v.at[NCH - 1]], add=True)

    plsc.subcore_barrier()

    pltpu.sync_copy(acc_sh.at[pl.ds(sid * RPT, RPT)], stage_v)
    pltpu.sync_copy(stage_v, out_hbm.at[cid, pl.ds(sid * RPT, RPT)])


@functools.lru_cache(maxsize=1)
def _build_edge_agg():
    return pl.kernel(
        _edge_body,
        mesh=plsc.VectorSubcoreMesh(core_axis_name="c", subcore_axis_name="s",
                                    num_cores=NC, num_subcores=NS),
        out_type=jax.ShapeDtypeStruct((NC, NP, C), jnp.bfloat16),
        scratch_types=[
            pltpu.VMEM((NCH, CH), jnp.int32),
            pltpu.VMEM((NCH, CH), jnp.int32),
            pltpu.VMEM((CH, C), jnp.bfloat16),
            pltpu.VMEM((CH, C), jnp.bfloat16),
            pltpu.VMEM((RPT, C), jnp.bfloat16),
            pltpu.VMEM_SHARED((NP, C), jnp.bfloat16),
            pltpu.SemaphoreType.DMA,
            pltpu.SemaphoreType.DMA,
        ],
        compiler_params=pltpu.CompilerParams(use_tc_tiling_on_sc=False),
    )


def _edge_agg(ub, srcr, dstr, zeros):
    u_lin = ub.reshape(NP, C)
    return _build_edge_agg()(u_lin, srcr, dstr, zeros).reshape(NC, NPK, D)



def _pack(v):
    return jnp.concatenate([v[:HB], v[HB:]], axis=1)


def _unpack(v):
    return jnp.concatenate([v[:, 0:C], v[:, C:D]], axis=0)


def _proj_body(x_ref, w_ref, us_ref, ub_ref):
    u = jnp.dot(x_ref[...], w_ref[...], preferred_element_type=jnp.float32)
    up = _pack(u)
    us_ref[...] = up
    ub_ref[...] = up.astype(jnp.bfloat16)


def _proj(x, w):
    return pl.pallas_call(
        _proj_body,
        grid=(NB,),
        in_specs=[
            pl.BlockSpec((BM, D), lambda i: (i, 0)),
            pl.BlockSpec(w.shape, lambda i: (0, 0)),
        ],
        out_specs=[pl.BlockSpec((HB, D), lambda i: (i, 0)),
                   pl.BlockSpec((HB, D), lambda i: (i, 0))],
        out_shape=[jax.ShapeDtypeStruct((NPK, D), jnp.float32),
                   jax.ShapeDtypeStruct((NPK, D), jnp.bfloat16)],
    )(x, w)


def _z_block(us_ref, agg_ref, b0):
    a = agg_ref[0].astype(jnp.float32) + agg_ref[1].astype(jnp.float32)
    return _unpack(us_ref[...] + a) + b0


def _mlp(z, w1, b1, w2, b2):
    t = jnp.maximum(z, 0.0)
    t = jnp.maximum(
        jnp.dot(t, w1, preferred_element_type=jnp.float32) + b1, 0.0)
    return jnp.dot(t, w2, preferred_element_type=jnp.float32) + b2


def _mlp_body(us_ref, agg_ref, b0_ref, w1_ref, b1_ref, w2_ref, b2_ref, wn_ref,
              uso_ref, ubo_ref):
    z = _z_block(us_ref, agg_ref, b0_ref[...])
    h = _mlp(z, w1_ref[...], b1_ref[...], w2_ref[...], b2_ref[...])
    un = jnp.dot(h, wn_ref[...], preferred_element_type=jnp.float32)
    unp = _pack(un)
    uso_ref[...] = unp
    ubo_ref[...] = unp.astype(jnp.bfloat16)


def _mlp_proj(us, aggp, b0, w1, b1, w2, b2, wn):
    full = lambda a: pl.BlockSpec(a.shape, lambda i: (0,) * a.ndim)
    return pl.pallas_call(
        _mlp_body,
        grid=(NB,),
        in_specs=[
            pl.BlockSpec((HB, D), lambda i: (i, 0)),
            pl.BlockSpec((NC, HB, D), lambda i: (0, i, 0)),
            full(b0), full(w1), full(b1), full(w2), full(b2), full(wn),
        ],
        out_specs=[pl.BlockSpec((HB, D), lambda i: (i, 0)),
                   pl.BlockSpec((HB, D), lambda i: (i, 0))],
        out_shape=[jax.ShapeDtypeStruct((NPK, D), jnp.float32),
                   jax.ShapeDtypeStruct((NPK, D), jnp.bfloat16)],
    )(us, aggp, b0, w1, b1, w2, b2, wn)


def _head_body(us_ref, agg_ref, gid_ref, b0_ref, w1_ref, b1_ref, w2_ref,
               b2_ref, d1w_ref, d1b_ref, d2w_ref, d2b_ref, o_ref,
               pool_acc, cnt_acc):
    i = pl.program_id(0)

    z = _z_block(us_ref, agg_ref, b0_ref[...])
    h = _mlp(z, w1_ref[...], b1_ref[...], w2_ref[...], b2_ref[...])

    ids = gid_ref[0]
    giota = lax.broadcasted_iota(jnp.int32, (1, G), 1)
    oh = jnp.where(ids == giota, 1.0, 0.0)
    h = jnp.where(ids < G, h, 0.0)
    dn = (((0,), (0,)), ((), ()))
    psum = lax.dot_general(oh, h, dn, preferred_element_type=jnp.float32)
    ones = jnp.ones((BM, 1), jnp.float32)
    csum = lax.dot_general(oh, ones, dn, preferred_element_type=jnp.float32)

    @pl.when(i == 0)
    def _():
        pool_acc[...] = psum
        cnt_acc[...] = csum

    @pl.when(i > 0)
    def _():
        pool_acc[...] += psum
        cnt_acc[...] += csum

    @pl.when(i == NB - 1)
    def _():
        pooled = pool_acc[...] / jnp.maximum(cnt_acc[...], 1.0)
        r = jnp.maximum(
            jnp.dot(pooled, d1w_ref[...], preferred_element_type=jnp.float32)
            + d1b_ref[...], 0.0)
        logits = jnp.dot(r, d2w_ref[...],
                         preferred_element_type=jnp.float32) + d2b_ref[...]
        m = jnp.max(logits, axis=-1, keepdims=True)
        e = jnp.exp(logits - m)
        o_ref[...] = e / jnp.sum(e, axis=-1, keepdims=True)


def _mlp_pool_head(us, aggp, gid3, b0, w1, b1, w2, b2, d1w, d1b, d2w, d2b):
    full = lambda a: pl.BlockSpec(a.shape, lambda i: (0,) * a.ndim)
    return pl.pallas_call(
        _head_body,
        grid=(NB,),
        in_specs=[
            pl.BlockSpec((HB, D), lambda i: (i, 0)),
            pl.BlockSpec((NC, HB, D), lambda i: (0, i, 0)),
            pl.BlockSpec((1, BM, 1), lambda i: (i, 0, 0)),
            full(b0), full(w1), full(b1), full(w2), full(b2),
            full(d1w), full(d1b), full(d2w), full(d2b),
        ],
        out_specs=pl.BlockSpec((G, NOUT), lambda i: (0, 0)),
        out_shape=jax.ShapeDtypeStruct((G, NOUT), jnp.float32),
        scratch_shapes=[
            pltpu.VMEM((G, C), jnp.float32),
            pltpu.VMEM((G, 1), jnp.float32),
        ],
    )(us, aggp, gid3, b0, w1, b1, w2, b2, d1w, d1b, d2w, d2b)



def _perm(n):
    return (n & ~jnp.int32(BM - 1)) | ((n & (HB - 1)) << 1) | ((n >> 10) & 1)


def kernel(x, edge_index, graph_ids, params):
    p = params
    srcr = _perm(edge_index[0]).reshape(NW, NCH, CH)
    dstr = _perm(edge_index[1]).reshape(NW, NCH, CH)
    zeros = jnp.zeros((NP, C), jnp.bfloat16)
    gid3 = jnp.concatenate([graph_ids, jnp.full((NP - N,), G, jnp.int32)]
                           ).reshape(NB, BM, 1)

    row = lambda b: b.reshape(1, -1)

    us, ub = _proj(x, p['conv0_W0'])
    for l in range(2):
        aggp = _edge_agg(ub, srcr, dstr, zeros)
        us, ub = _mlp_proj(us, aggp,
                           row(p['conv%d_b0' % l]), p['conv%d_W1' % l],
                           row(p['conv%d_b1' % l]), p['conv%d_W2' % l],
                           row(p['conv%d_b2' % l]), p['conv%d_W0' % (l + 1)])
    aggp = _edge_agg(ub, srcr, dstr, zeros)
    return _mlp_pool_head(us, aggp, gid3,
                          row(p['conv2_b0']), p['conv2_W1'],
                          row(p['conv2_b1']), p['conv2_W2'],
                          row(p['conv2_b2']),
                          p['dense1_W'], row(p['dense1_b']),
                          p['dense2_W'], row(p['dense2_b']))

# --- scband reference (transcript-rebuilt; emitter-appended) ---
"""Pipeline reference for scband-gin0-49692771614760 (READ-ONLY COPY).

The authoritative reference and input builder live on the scoring server;
editing this copy changes nothing except your own understanding.
"""

import jax, jax.numpy as jnp
import numpy as np

N = 10000
E = 320000
D = 128
C = 64
G = 64
NOUT = 10


def _glorot(key, shape):
    lim = np.sqrt(6.0 / (shape[0] + shape[1]))
    return jax.random.uniform(key, shape, minval=-lim, maxval=lim, dtype=jnp.float32)


def setup_inputs(seed: int = 0) -> dict:
    key = jax.random.key(seed)
    ks = jax.random.split(key, 32)
    x = jax.random.normal(ks[0], (N, D), dtype=jnp.float32)
    edge_index = jax.random.randint(ks[1], (2, E), 0, N, dtype=jnp.int32)
    graph_ids = jnp.sort(jax.random.randint(ks[2], (N,), 0, G, dtype=jnp.int32))
    params = {}
    dins = [D, C, C]
    kidx = 3
    for l, din in enumerate(dins):
        dims = [(din, C), (C, C), (C, C)]
        for j, (a, b) in enumerate(dims):
            params['conv%d_W%d' % (l, j)] = _glorot(ks[kidx], (a, b)); kidx += 1
            params['conv%d_b%d' % (l, j)] = jnp.zeros((b,), dtype=jnp.float32)
    params['dense1_W'] = _glorot(ks[kidx], (C, C)); kidx += 1
    params['dense1_b'] = jnp.zeros((C,), dtype=jnp.float32)
    params['dense2_W'] = _glorot(ks[kidx], (C, NOUT)); kidx += 1
    params['dense2_b'] = jnp.zeros((NOUT,), dtype=jnp.float32)
    return {'x': x, 'edge_index': edge_index, 'graph_ids': graph_ids, 'params': params}


def _gin_conv(h, src, dst, p, l):
    # GINConv (spektral), epsilon=0: mlp((1+eps)*x + sum_aggregate(A @ x))
    msgs = jnp.take(h, src, axis=0)                      # gather over edges
    agg = jax.ops.segment_sum(msgs, dst, num_segments=N)  # scatter-add per dst node
    z = h + agg
    z = jax.nn.relu(z @ p['conv%d_W0' % l] + p['conv%d_b0' % l])
    z = jax.nn.relu(z @ p['conv%d_W1' % l] + p['conv%d_b1' % l])
    z = z @ p['conv%d_W2' % l] + p['conv%d_b2' % l]      # final Dense, linear activation
    return z


def reference(x, edge_index, graph_ids, params):
    src = edge_index[0]
    dst = edge_index[1]
    h = x
    for l in range(3):
        h = _gin_conv(h, src, dst, params, l)
    # GlobalAvgPool over graph segment ids (segment mean)
    counts = jax.ops.segment_sum(jnp.ones((N,), dtype=jnp.float32), graph_ids, num_segments=G)
    sums = jax.ops.segment_sum(h, graph_ids, num_segments=G)
    pooled = sums / jnp.clip(counts, 1.0)[:, None]
    h = jax.nn.relu(pooled @ params['dense1_W'] + params['dense1_b'])
    # dropout is identity at inference
    logits = h @ params['dense2_W'] + params['dense2_b']
    return jax.nn.softmax(logits, axis=-1)

if __name__ == "__main__":
    import jax
    _d = setup_inputs()
    print(jax.jit(kernel)(*tuple(_d.values())))

</pallas_src>

<mosaic_0001>
#map = affine_map<(d0, d1) -> (0, 0)>
#map1 = affine_map<(d0, d1) -> (0, 0, 0)>
module attributes {stable_mosaic.version = 14 : i64} {
  func.func @_edge_body(%arg0: i32, %arg1: i32, %arg2: memref<10240x64xbf16, #tpu.memory_space<hbm>>, %arg3: memref<32x10x1000xi32, #tpu.memory_space<hbm>>, %arg4: memref<32x10x1000xi32, #tpu.memory_space<hbm>>, %arg5: memref<10240x64xbf16, #tpu.memory_space<hbm>>, %arg6: memref<2x10240x64xbf16, #tpu.memory_space<hbm>>, %arg7: memref<10x1000xi32, #tpu.memory_space<vmem>>, %arg8: memref<10x1000xi32, #tpu.memory_space<vmem>>, %arg9: memref<1000x64xbf16, #tpu.memory_space<vmem>>, %arg10: memref<1000x64xbf16, #tpu.memory_space<vmem>>, %arg11: memref<640x64xbf16, #tpu.memory_space<vmem>>, %arg12: memref<10240x64xbf16, #tpu.memory_space<vmem_shared>>, %arg13: memref<!tpu.dma_semaphore, #tpu.memory_space<semaphore_mem>>, %arg14: memref<!tpu.dma_semaphore, #tpu.memory_space<semaphore_mem>>) attributes {dimension_semantics = [#tpu.dimension_semantics<core_parallel>, #tpu.dimension_semantics<subcore_parallel>], iteration_bounds = array<i64: 2, 16>, scalar_prefetch = 0 : i64, scratch_operands = 8 : i64, tpu.core_type = #tpu.core_type<sc_vector_subcore>, window_params = [{transform_indices = #map}, {transform_indices = #map1}, {transform_indices = #map1}, {transform_indices = #map}, {transform_indices = #map1}]} {
    %mul3A = arith.constant 2 : i32
    %mul3A_0 = arith.muli %arg1, %mul3A : i32
    %add3A = arith.addi %mul3A_0, %arg0 : i32
    %mul3A_1 = arith.constant 640 : i32
    %mul3A_2 = arith.muli %arg1, %mul3A_1 : i32
    "tpu.region"() ({
      %run_scoped3A_42 = tpu.sem_alloc : memref<!tpu.dma_semaphore, #tpu.memory_space<semaphore_mem>>
      %dma_start3A_43 = arith.constant 0 : i32
      %dma_start3A_44 = tpu.memref_slice %arg5[%mul3A_2, %dma_start3A_43] : memref<10240x64xbf16, #tpu.memory_space<hbm>> -> memref<640x64xbf16, #tpu.memory_space<hbm>>
      %dma_start3A_45 = arith.constant 0 : i32
      %dma_start3A_46 = tpu.memref_slice %arg5[%mul3A_2, %dma_start3A_45] : memref<10240x64xbf16, #tpu.memory_space<hbm>> -> memref<640x64xbf16, #tpu.memory_space<hbm>>
      tpu.enqueue_dma source(%dma_start3A_46 : memref<640x64xbf16, #tpu.memory_space<hbm>>) target(%arg11 : memref<640x64xbf16, #tpu.memory_space<vmem>>) target_semaphore(%run_scoped3A_42 : memref<!tpu.dma_semaphore, #tpu.memory_space<semaphore_mem>>)
      %dma_wait3A_47 = arith.constant 0 : i32
      %dma_wait3A_48 = tpu.memref_slice %arg5[%mul3A_2, %dma_wait3A_47] : memref<10240x64xbf16, #tpu.memory_space<hbm>> -> memref<640x64xbf16, #tpu.memory_space<hbm>>
      %dma_wait3A_49 = arith.constant 0 : i32
      %dma_wait3A_50 = tpu.memref_slice %arg5[%mul3A_2, %dma_wait3A_49] : memref<10240x64xbf16, #tpu.memory_space<hbm>> -> memref<640x64xbf16, #tpu.memory_space<hbm>>
      tpu.wait_dma2 semaphore(%run_scoped3A_42 : memref<!tpu.dma_semaphore, #tpu.memory_space<semaphore_mem>>) src(%dma_wait3A_50 : memref<640x64xbf16, #tpu.memory_space<hbm>>) dst(%arg11 : memref<640x64xbf16, #tpu.memory_space<vmem>>)
      tpu.yield
    }) : () -> ()
    %mul3A_3 = arith.constant 640 : i32
    %mul3A_4 = arith.muli %arg1, %mul3A_3 : i32
    "tpu.region"() ({
      %run_scoped3A_42 = tpu.sem_alloc : memref<!tpu.dma_semaphore, #tpu.memory_space<semaphore_mem>>
      %dma_start3A_43 = arith.constant 0 : i32
      %dma_start3A_44 = tpu.memref_slice %arg12[%mul3A_4, %dma_start3A_43] : memref<10240x64xbf16, #tpu.memory_space<vmem_shared>> -> memref<640x64xbf16, #tpu.memory_space<vmem_shared>>
      %dma_start3A_45 = arith.constant 0 : i32
      %dma_start3A_46 = tpu.memref_slice %arg12[%mul3A_4, %dma_start3A_45] : memref<10240x64xbf16, #tpu.memory_space<vmem_shared>> -> memref<640x64xbf16, #tpu.memory_space<vmem_shared>>
      tpu.enqueue_dma source(%arg11 : memref<640x64xbf16, #tpu.memory_space<vmem>>) target(%dma_start3A_46 : memref<640x64xbf16, #tpu.memory_space<vmem_shared>>) target_semaphore(%run_scoped3A_42 : memref<!tpu.dma_semaphore, #tpu.memory_space<semaphore_mem>>)
      %dma_wait3A_47 = arith.constant 0 : i32
      %dma_wait3A_48 = tpu.memref_slice %arg12[%mul3A_4, %dma_wait3A_47] : memref<10240x64xbf16, #tpu.memory_space<vmem_shared>> -> memref<640x64xbf16, #tpu.memory_space<vmem_shared>>
      %dma_wait3A_49 = arith.constant 0 : i32
      %dma_wait3A_50 = tpu.memref_slice %arg12[%mul3A_4, %dma_wait3A_49] : memref<10240x64xbf16, #tpu.memory_space<vmem_shared>> -> memref<640x64xbf16, #tpu.memory_space<vmem_shared>>
      tpu.wait_dma2 semaphore(%run_scoped3A_42 : memref<!tpu.dma_semaphore, #tpu.memory_space<semaphore_mem>>) src(%arg11 : memref<640x64xbf16, #tpu.memory_space<vmem>>) dst(%dma_wait3A_50 : memref<640x64xbf16, #tpu.memory_space<vmem_shared>>)
      tpu.yield
    }) : () -> ()
    "tpu.region"() ({
      %run_scoped3A_42 = tpu.sem_alloc : memref<!tpu.dma_semaphore, #tpu.memory_space<semaphore_mem>>
      %dma_start3A_43 = arith.constant 0 : i32
      %dma_start3A_44 = arith.constant 0 : i32
      %dma_start3A_45 = tpu.memref_slice %arg3[%add3A, %dma_start3A_43, %dma_start3A_44] : memref<32x10x1000xi32, #tpu.memory_space<hbm>> -> memref<1x10x1000xi32, #tpu.memory_space<hbm>>
      %dma_start3A_46 = tpu.memref_squeeze %dma_start3A_45 : memref<1x10x1000xi32, #tpu.memory_space<hbm>> -> memref<10x1000xi32, #tpu.memory_space<hbm>>
      %dma_start3A_47 = arith.constant 0 : i32
      %dma_start3A_48 = arith.constant 0 : i32
      %dma_start3A_49 = tpu.memref_slice %arg3[%add3A, %dma_start3A_47, %dma_start3A_48] : memref<32x10x1000xi32, #tpu.memory_space<hbm>> -> memref<1x10x1000xi32, #tpu.memory_space<hbm>>
      %dma_start3A_50 = tpu.memref_squeeze %dma_start3A_49 : memref<1x10x1000xi32, #tpu.memory_space<hbm>> -> memref<10x1000xi32, #tpu.memory_space<hbm>>
      tpu.enqueue_dma source(%dma_start3A_50 : memref<10x1000xi32, #tpu.memory_space<hbm>>) target(%arg7 : memref<10x1000xi32, #tpu.memory_space<vmem>>) target_semaphore(%run_scoped3A_42 : memref<!tpu.dma_semaphore, #tpu.memory_space<semaphore_mem>>)
      %dma_wait3A_51 = arith.constant 0 : i32
      %dma_wait3A_52 = arith.constant 0 : i32
      %dma_wait3A_53 = tpu.memref_slice %arg3[%add3A, %dma_wait3A_51, %dma_wait3A_52] : memref<32x10x1000xi32, #tpu.memory_space<hbm>> -> memref<1x10x1000xi32, #tpu.memory_space<hbm>>
      %dma_wait3A_54 = tpu.memref_squeeze %dma_wait3A_53 : memref<1x10x1000xi32, #tpu.memory_space<hbm>> -> memref<10x1000xi32, #tpu.memory_space<hbm>>
      %dma_wait3A_55 = arith.constant 0 : i32
      %dma_wait3A_56 = arith.constant 0 : i32
      %dma_wait3A_57 = tpu.memref_slice %arg3[%add3A, %dma_wait3A_55, %dma_wait3A_56] : memref<32x10x1000xi32, #tpu.memory_space<hbm>> -> memref<1x10x1000xi32, #tpu.memory_space<hbm>>
      %dma_wait3A_58 = tpu.memref_squeeze %dma_wait3A_57 : memref<1x10x1000xi32, #tpu.memory_space<hbm>> -> memref<10x1000xi32, #tpu.memory_space<hbm>>
      tpu.wait_dma2 semaphore(%run_scoped3A_42 : memref<!tpu.dma_semaphore, #tpu.memory_space<semaphore_mem>>) src(%dma_wait3A_58 : memref<10x1000xi32, #tpu.memory_space<hbm>>) dst(%arg7 : memref<10x1000xi32, #tpu.memory_space<vmem>>)
      tpu.yield
    }) : () -> ()
    "tpu.region"() ({
      %run_scoped3A_42 = tpu.sem_alloc : memref<!tpu.dma_semaphore, #tpu.memory_space<semaphore_mem>>
      %dma_start3A_43 = arith.constant 0 : i32
      %dma_start3A_44 = arith.constant 0 : i32
      %dma_start3A_45 = tpu.memref_slice %arg4[%add3A, %dma_start3A_43, %dma_start3A_44] : memref<32x10x1000xi32, #tpu.memory_space<hbm>> -> memref<1x10x1000xi32, #tpu.memory_space<hbm>>
      %dma_start3A_46 = tpu.memref_squeeze %dma_start3A_45 : memref<1x10x1000xi32, #tpu.memory_space<hbm>> -> memref<10x1000xi32, #tpu.memory_space<hbm>>
      %dma_start3A_47 = arith.constant 0 : i32
      %dma_start3A_48 = arith.constant 0 : i32
      %dma_start3A_49 = tpu.memref_slice %arg4[%add3A, %dma_start3A_47, %dma_start3A_48] : memref<32x10x1000xi32, #tpu.memory_space<hbm>> -> memref<1x10x1000xi32, #tpu.memory_space<hbm>>
      %dma_start3A_50 = tpu.memref_squeeze %dma_start3A_49 : memref<1x10x1000xi32, #tpu.memory_space<hbm>> -> memref<10x1000xi32, #tpu.memory_space<hbm>>
      tpu.enqueue_dma source(%dma_start3A_50 : memref<10x1000xi32, #tpu.memory_space<hbm>>) target(%arg8 : memref<10x1000xi32, #tpu.memory_space<vmem>>) target_semaphore(%run_scoped3A_42 : memref<!tpu.dma_semaphore, #tpu.memory_space<semaphore_mem>>)
      %dma_wait3A_51 = arith.constant 0 : i32
      %dma_wait3A_52 = arith.constant 0 : i32
      %dma_wait3A_53 = tpu.memref_slice %arg4[%add3A, %dma_wait3A_51, %dma_wait3A_52] : memref<32x10x1000xi32, #tpu.memory_space<hbm>> -> memref<1x10x1000xi32, #tpu.memory_space<hbm>>
      %dma_wait3A_54 = tpu.memref_squeeze %dma_wait3A_53 : memref<1x10x1000xi32, #tpu.memory_space<hbm>> -> memref<10x1000xi32, #tpu.memory_space<hbm>>
      %dma_wait3A_55 = arith.constant 0 : i32
      %dma_wait3A_56 = arith.constant 0 : i32
      %dma_wait3A_57 = tpu.memref_slice %arg4[%add3A, %dma_wait3A_55, %dma_wait3A_56] : memref<32x10x1000xi32, #tpu.memory_space<hbm>> -> memref<1x10x1000xi32, #tpu.memory_space<hbm>>
      %dma_wait3A_58 = tpu.memref_squeeze %dma_wait3A_57 : memref<1x10x1000xi32, #tpu.memory_space<hbm>> -> memref<10x1000xi32, #tpu.memory_space<hbm>>
      tpu.wait_dma2 semaphore(%run_scoped3A_42 : memref<!tpu.dma_semaphore, #tpu.memory_space<semaphore_mem>>) src(%dma_wait3A_58 : memref<10x1000xi32, #tpu.memory_space<hbm>>) dst(%arg8 : memref<10x1000xi32, #tpu.memory_space<vmem>>)
      tpu.yield
    }) : () -> ()
    %dma_start3A = arith.constant 0 : i32
    %dma_start3A_5 = arith.constant 0 : i32
    %dma_start3A_6 = tpu.memref_slice %arg7[%dma_start3A, %dma_start3A_5] : memref<10x1000xi32, #tpu.memory_space<vmem>> -> memref<1x1000xi32, #tpu.memory_space<vmem>>
    %dma_start3A_7 = tpu.memref_squeeze %dma_start3A_6 : memref<1x1000xi32, #tpu.memory_space<vmem>> -> memref<1000xi32, #tpu.memory_space<vmem>>
    %dma_start3A_8 = arith.constant 0 : i32
    %dma_start3A_9 = arith.constant 0 : i32
    %dma_start3A_10 = tpu.memref_slice %arg2[%dma_start3A_8, %dma_start3A_9] : memref<10240x64xbf16, #tpu.memory_space<hbm>> -> memref<10240x64xbf16, #tpu.memory_space<hbm>>
    tpu.enqueue_indirect_dma source(%dma_start3A_10 : memref<10240x64xbf16, #tpu.memory_space<hbm>>) target(%arg9 : memref<1000x64xbf16, #tpu.memory_space<vmem>>) offsets(%dma_start3A_7 : memref<1000xi32, #tpu.memory_space<vmem>>) semaphore(%arg13 : memref<!tpu.dma_semaphore, #tpu.memory_space<semaphore_mem>>)
    %barrier3A = arith.constant 0 : index
    tpu.barrier barrier_id(%barrier3A)
    %scan3A = arith.constant 0 : i32
    %scan3A_11 = arith.constant 0 : i32
    %scan3A_12 = arith.constant 4 : i32
    %scan3A_13 = arith.addi %scan3A_11, %scan3A_12 : i32
    %scan3A_14 = arith.constant 1 : i32
    scf.for %scan3A_42 = %scan3A_11 to %scan3A_13 step %scan3A_14  : i32 {
      %mul3A_43 = arith.constant 2 : i32
      %mul3A_44 = arith.muli %mul3A_43, %scan3A_42 : i32
      %add3A_45 = arith.constant 1 : i32
      %add3A_46 = arith.addi %mul3A_44, %add3A_45 : i32
      %dma_start3A_47 = arith.constant 0 : i32
      %dma_start3A_48 = tpu.memref_slice %arg7[%add3A_46, %dma_start3A_47] : memref<10x1000xi32, #tpu.memory_space<vmem>> -> memref<1x1000xi32, #tpu.memory_space<vmem>>
      %dma_start3A_49 = tpu.memref_squeeze %dma_start3A_48 : memref<1x1000xi32, #tpu.memory_space<vmem>> -> memref<1000xi32, #tpu.memory_space<vmem>>
      %dma_start3A_50 = arith.constant 0 : i32
      %dma_start3A_51 = arith.constant 0 : i32
      %dma_start3A_52 = tpu.memref_slice %arg2[%dma_start3A_50, %dma_start3A_51] : memref<10240x64xbf16, #tpu.memory_space<hbm>> -> memref<10240x64xbf16, #tpu.memory_space<hbm>>
      tpu.enqueue_indirect_dma source(%dma_start3A_52 : memref<10240x64xbf16, #tpu.memory_space<hbm>>) target(%arg10 : memref<1000x64xbf16, #tpu.memory_space<vmem>>) offsets(%dma_start3A_49 : memref<1000xi32, #tpu.memory_space<vmem>>) semaphore(%arg14 : memref<!tpu.dma_semaphore, #tpu.memory_space<semaphore_mem>>)
      %dma_wait3A_53 = arith.constant 0 : i32
      %dma_wait3A_54 = tpu.memref_slice %arg7[%mul3A_44, %dma_wait3A_53] : memref<10x1000xi32, #tpu.memory_space<vmem>> -> memref<1x1000xi32, #tpu.memory_space<vmem>>
      %dma_wait3A_55 = tpu.memref_squeeze %dma_wait3A_54 : memref<1x1000xi32, #tpu.memory_space<vmem>> -> memref<1000xi32, #tpu.memory_space<vmem>>
      %dma_wait3A_56 = arith.constant 0 : i32
      %dma_wait3A_57 = arith.constant 0 : i32
      %dma_wait3A_58 = tpu.memref_slice %arg2[%dma_wait3A_56, %dma_wait3A_57] : memref<10240x64xbf16, #tpu.memory_space<hbm>> -> memref<10240x64xbf16, #tpu.memory_space<hbm>>
      tpu.wait_indirect_dma semaphore(%arg13 : memref<!tpu.dma_semaphore, #tpu.memory_space<semaphore_mem>>) src(%dma_wait3A_58 : memref<10240x64xbf16, #tpu.memory_space<hbm>>) dst(%arg9 : memref<1000x64xbf16, #tpu.memory_space<vmem>>)
      "tpu.region"() ({
        %run_scoped3A_77 = tpu.sem_alloc : memref<!tpu.dma_semaphore, #tpu.memory_space<semaphore_mem>>
        %dma_start3A_78 = arith.constant 0 : i32
        %dma_start3A_79 = tpu.memref_slice %arg8[%mul3A_44, %dma_start3A_78] : memref<10x1000xi32, #tpu.memory_space<vmem>> -> memref<1x1000xi32, #tpu.memory_space<vmem>>
        %dma_start3A_80 = tpu.memref_squeeze %dma_start3A_79 : memref<1x1000xi32, #tpu.memory_space<vmem>> -> memref<1000xi32, #tpu.memory_space<vmem>>
        %dma_start3A_81 = arith.constant 0 : i32
        %dma_start3A_82 = arith.constant 0 : i32
        %dma_start3A_83 = tpu.memref_slice %arg12[%dma_start3A_81, %dma_start3A_82] : memref<10240x64xbf16, #tpu.memory_space<vmem_shared>> -> memref<10240x64xbf16, #tpu.memory_space<vmem_shared>>
        tpu.enqueue_indirect_dma source(%arg9 : memref<1000x64xbf16, #tpu.memory_space<vmem>>) target(%dma_start3A_83 : memref<10240x64xbf16, #tpu.memory_space<vmem_shared>>) offsets(%dma_start3A_80 : memref<1000xi32, #tpu.memory_space<vmem>>) semaphore(%run_scoped3A_77 : memref<!tpu.dma_semaphore, #tpu.memory_space<semaphore_mem>>) {add = true}
        %dma_wait3A_84 = arith.constant 0 : i32
        %dma_wait3A_85 = tpu.memref_slice %arg8[%mul3A_44, %dma_wait3A_84] : memref<10x1000xi32, #tpu.memory_space<vmem>> -> memref<1x1000xi32, #tpu.memory_space<vmem>>
        %dma_wait3A_86 = tpu.memref_squeeze %dma_wait3A_85 : memref<1x1000xi32, #tpu.memory_space<vmem>> -> memref<1000xi32, #tpu.memory_space<vmem>>
        %dma_wait3A_87 = arith.constant 0 : i32
        %dma_wait3A_88 = arith.constant 0 : i32
        %dma_wait3A_89 = tpu.memref_slice %arg12[%dma_wait3A_87, %dma_wait3A_88] : memref<10240x64xbf16, #tpu.memory_space<vmem_shared>> -> memref<10240x64xbf16, #tpu.memory_space<vmem_shared>>
        tpu.wait_indirect_dma semaphore(%run_scoped3A_77 : memref<!tpu.dma_semaphore, #tpu.memory_space<semaphore_mem>>) src(%arg9 : memref<1000x64xbf16, #tpu.memory_space<vmem>>) dst(%dma_wait3A_89 : memref<10240x64xbf16, #tpu.memory_space<vmem_shared>>)
        tpu.yield
      }) : () -> ()
      %add3A_59 = arith.constant 2 : i32
      %add3A_60 = arith.addi %mul3A_44, %add3A_59 : i32
      %dma_start3A_61 = arith.constant 0 : i32
      %dma_start3A_62 = tpu.memref_slice %arg7[%add3A_60, %dma_start3A_61] : memref<10x1000xi32, #tpu.memory_space<vmem>> -> memref<1x1000xi32, #tpu.memory_space<vmem>>
      %dma_start3A_63 = tpu.memref_squeeze %dma_start3A_62 : memref<1x1000xi32, #tpu.memory_space<vmem>> -> memref<1000xi32, #tpu.memory_space<vmem>>
      %dma_start3A_64 = arith.constant 0 : i32
      %dma_start3A_65 = arith.constant 0 : i32
      %dma_start3A_66 = tpu.memref_slice %arg2[%dma_start3A_64, %dma_start3A_65] : memref<10240x64xbf16, #tpu.memory_space<hbm>> -> memref<10240x64xbf16, #tpu.memory_space<hbm>>
      tpu.enqueue_indirect_dma source(%dma_start3A_66 : memref<10240x64xbf16, #tpu.memory_space<hbm>>) target(%arg9 : memref<1000x64xbf16, #tpu.memory_space<vmem>>) offsets(%dma_start3A_63 : memref<1000xi32, #tpu.memory_space<vmem>>) semaphore(%arg13 : memref<!tpu.dma_semaphore, #tpu.memory_space<semaphore_mem>>)
      %add3A_67 = arith.constant 1 : i32
      %add3A_68 = arith.addi %mul3A_44, %add3A_67 : i32
      %dma_wait3A_69 = arith.constant 0 : i32
      %dma_wait3A_70 = tpu.memref_slice %arg7[%add3A_68, %dma_wait3A_69] : memref<10x1000xi32, #tpu.memory_space<vmem>> -> memref<1x1000xi32, #tpu.memory_space<vmem>>
      %dma_wait3A_71 = tpu.memref_squeeze %dma_wait3A_70 : memref<1x1000xi32, #tpu.memory_space<vmem>> -> memref<1000xi32, #tpu.memory_space<vmem>>
      %dma_wait3A_72 = arith.constant 0 : i32
      %dma_wait3A_73 = arith.constant 0 : i32
      %dma_wait3A_74 = tpu.memref_slice %arg2[%dma_wait3A_72, %dma_wait3A_73] : memref<10240x64xbf16, #tpu.memory_space<hbm>> -> memref<10240x64xbf16, #tpu.memory_space<hbm>>
      tpu.wait_indirect_dma semaphore(%arg14 : memref<!tpu.dma_semaphore, #tpu.memory_space<semaphore_mem>>) src(%dma_wait3A_74 : memref<10240x64xbf16, #tpu.memory_space<hbm>>) dst(%arg10 : memref<1000x64xbf16, #tpu.memory_space<vmem>>)
      %add3A_75 = arith.constant 1 : i32
      %add3A_76 = arith.addi %mul3A_44, %add3A_75 : i32
      "tpu.region"() ({
        %run_scoped3A_77 = tpu.sem_alloc : memref<!tpu.dma_semaphore, #tpu.memory_space<semaphore_mem>>
        %dma_start3A_78 = arith.constant 0 : i32
        %dma_start3A_79 = tpu.memref_slice %arg8[%add3A_76, %dma_start3A_78] : memref<10x1000xi32, #tpu.memory_space<vmem>> -> memref<1x1000xi32, #tpu.memory_space<vmem>>
        %dma_start3A_80 = tpu.memref_squeeze %dma_start3A_79 : memref<1x1000xi32, #tpu.memory_space<vmem>> -> memref<1000xi32, #tpu.memory_space<vmem>>
        %dma_start3A_81 = arith.constant 0 : i32
        %dma_start3A_82 = arith.constant 0 : i32
        %dma_start3A_83 = tpu.memref_slice %arg12[%dma_start3A_81, %dma_start3A_82] : memref<10240x64xbf16, #tpu.memory_space<vmem_shared>> -> memref<10240x64xbf16, #tpu.memory_space<vmem_shared>>
        tpu.enqueue_indirect_dma source(%arg10 : memref<1000x64xbf16, #tpu.memory_space<vmem>>) target(%dma_start3A_83 : memref<10240x64xbf16, #tpu.memory_space<vmem_shared>>) offsets(%dma_start3A_80 : memref<1000xi32, #tpu.memory_space<vmem>>) semaphore(%run_scoped3A_77 : memref<!tpu.dma_semaphore, #tpu.memory_space<semaphore_mem>>) {add = true}
        %dma_wait3A_84 = arith.constant 0 : i32
        %dma_wait3A_85 = tpu.memref_slice %arg8[%add3A_76, %dma_wait3A_84] : memref<10x1000xi32, #tpu.memory_space<vmem>> -> memref<1x1000xi32, #tpu.memory_space<vmem>>
        %dma_wait3A_86 = tpu.memref_squeeze %dma_wait3A_85 : memref<1x1000xi32, #tpu.memory_space<vmem>> -> memref<1000xi32, #tpu.memory_space<vmem>>
        %dma_wait3A_87 = arith.constant 0 : i32
        %dma_wait3A_88 = arith.constant 0 : i32
        %dma_wait3A_89 = tpu.memref_slice %arg12[%dma_wait3A_87, %dma_wait3A_88] : memref<10240x64xbf16, #tpu.memory_space<vmem_shared>> -> memref<10240x64xbf16, #tpu.memory_space<vmem_shared>>
        tpu.wait_indirect_dma semaphore(%run_scoped3A_77 : memref<!tpu.dma_semaphore, #tpu.memory_space<semaphore_mem>>) src(%arg10 : memref<1000x64xbf16, #tpu.memory_space<vmem>>) dst(%dma_wait3A_89 : memref<10240x64xbf16, #tpu.memory_space<vmem_shared>>)
        tpu.yield
      }) : () -> ()
    }
    %scan3A_15 = arith.constant 4 : i32
    %dma_start3A_16 = arith.constant 9 : i32
    %dma_start3A_17 = arith.constant 0 : i32
    %dma_start3A_18 = tpu.memref_slice %arg7[%dma_start3A_16, %dma_start3A_17] : memref<10x1000xi32, #tpu.memory_space<vmem>> -> memref<1x1000xi32, #tpu.memory_space<vmem>>
    %dma_start3A_19 = tpu.memref_squeeze %dma_start3A_18 : memref<1x1000xi32, #tpu.memory_space<vmem>> -> memref<1000xi32, #tpu.memory_space<vmem>>
    %dma_start3A_20 = arith.constant 0 : i32
    %dma_start3A_21 = arith.constant 0 : i32
    %dma_start3A_22 = tpu.memref_slice %arg2[%dma_start3A_20, %dma_start3A_21] : memref<10240x64xbf16, #tpu.memory_space<hbm>> -> memref<10240x64xbf16, #tpu.memory_space<hbm>>
    tpu.enqueue_indirect_dma source(%dma_start3A_22 : memref<10240x64xbf16, #tpu.memory_space<hbm>>) target(%arg10 : memref<1000x64xbf16, #tpu.memory_space<vmem>>) offsets(%dma_start3A_19 : memref<1000xi32, #tpu.memory_space<vmem>>) semaphore(%arg14 : memref<!tpu.dma_semaphore, #tpu.memory_space<semaphore_mem>>)
    %dma_wait3A = arith.constant 8 : i32
    %dma_wait3A_23 = arith.constant 0 : i32
    %dma_wait3A_24 = tpu.memref_slice %arg7[%dma_wait3A, %dma_wait3A_23] : memref<10x1000xi32, #tpu.memory_space<vmem>> -> memref<1x1000xi32, #tpu.memory_space<vmem>>
    %dma_wait3A_25 = tpu.memref_squeeze %dma_wait3A_24 : memref<1x1000xi32, #tpu.memory_space<vmem>> -> memref<1000xi32, #tpu.memory_space<vmem>>
    %dma_wait3A_26 = arith.constant 0 : i32
    %dma_wait3A_27 = arith.constant 0 : i32
    %dma_wait3A_28 = tpu.memref_slice %arg2[%dma_wait3A_26, %dma_wait3A_27] : memref<10240x64xbf16, #tpu.memory_space<hbm>> -> memref<10240x64xbf16, #tpu.memory_space<hbm>>
    tpu.wait_indirect_dma semaphore(%arg13 : memref<!tpu.dma_semaphore, #tpu.memory_space<semaphore_mem>>) src(%dma_wait3A_28 : memref<10240x64xbf16, #tpu.memory_space<hbm>>) dst(%arg9 : memref<1000x64xbf16, #tpu.memory_space<vmem>>)
    %run_scoped3A = arith.constant 8 : i32
    "tpu.region"() ({
      %run_scoped3A_42 = tpu.sem_alloc : memref<!tpu.dma_semaphore, #tpu.memory_space<semaphore_mem>>
      %dma_start3A_43 = arith.constant 0 : i32
      %dma_start3A_44 = tpu.memref_slice %arg8[%run_scoped3A, %dma_start3A_43] : memref<10x1000xi32, #tpu.memory_space<vmem>> -> memref<1x1000xi32, #tpu.memory_space<vmem>>
      %dma_start3A_45 = tpu.memref_squeeze %dma_start3A_44 : memref<1x1000xi32, #tpu.memory_space<vmem>> -> memref<1000xi32, #tpu.memory_space<vmem>>
      %dma_start3A_46 = arith.constant 0 : i32
      %dma_start3A_47 = arith.constant 0 : i32
      %dma_start3A_48 = tpu.memref_slice %arg12[%dma_start3A_46, %dma_start3A_47] : memref<10240x64xbf16, #tpu.memory_space<vmem_shared>> -> memref<10240x64xbf16, #tpu.memory_space<vmem_shared>>
      tpu.enqueue_indirect_dma source(%arg9 : memref<1000x64xbf16, #tpu.memory_space<vmem>>) target(%dma_start3A_48 : memref<10240x64xbf16, #tpu.memory_space<vmem_shared>>) offsets(%dma_start3A_45 : memref<1000xi32, #tpu.memory_space<vmem>>) semaphore(%run_scoped3A_42 : memref<!tpu.dma_semaphore, #tpu.memory_space<semaphore_mem>>) {add = true}
      %dma_wait3A_49 = arith.constant 0 : i32
      %dma_wait3A_50 = tpu.memref_slice %arg8[%run_scoped3A, %dma_wait3A_49] : memref<10x1000xi32, #tpu.memory_space<vmem>> -> memref<1x1000xi32, #tpu.memory_space<vmem>>
      %dma_wait3A_51 = tpu.memref_squeeze %dma_wait3A_50 : memref<1x1000xi32, #tpu.memory_space<vmem>> -> memref<1000xi32, #tpu.memory_space<vmem>>
      %dma_wait3A_52 = arith.constant 0 : i32
      %dma_wait3A_53 = arith.constant 0 : i32
      %dma_wait3A_54 = tpu.memref_slice %arg12[%dma_wait3A_52, %dma_wait3A_53] : memref<10240x64xbf16, #tpu.memory_space<vmem_shared>> -> memref<10240x64xbf16, #tpu.memory_space<vmem_shared>>
      tpu.wait_indirect_dma semaphore(%run_scoped3A_42 : memref<!tpu.dma_semaphore, #tpu.memory_space<semaphore_mem>>) src(%arg9 : memref<1000x64xbf16, #tpu.memory_space<vmem>>) dst(%dma_wait3A_54 : memref<10240x64xbf16, #tpu.memory_space<vmem_shared>>)
      tpu.yield
    }) : () -> ()
    %dma_wait3A_29 = arith.constant 9 : i32
    %dma_wait3A_30 = arith.constant 0 : i32
    %dma_wait3A_31 = tpu.memref_slice %arg7[%dma_wait3A_29, %dma_wait3A_30] : memref<10x1000xi32, #tpu.memory_space<vmem>> -> memref<1x1000xi32, #tpu.memory_space<vmem>>
    %dma_wait3A_32 = tpu.memref_squeeze %dma_wait3A_31 : memref<1x1000xi32, #tpu.memory_space<vmem>> -> memref<1000xi32, #tpu.memory_space<vmem>>
    %dma_wait3A_33 = arith.constant 0 : i32
    %dma_wait3A_34 = arith.constant 0 : i32
    %dma_wait3A_35 = tpu.memref_slice %arg2[%dma_wait3A_33, %dma_wait3A_34] : memref<10240x64xbf16, #tpu.memory_space<hbm>> -> memref<10240x64xbf16, #tpu.memory_space<hbm>>
    tpu.wait_indirect_dma semaphore(%arg14 : memref<!tpu.dma_semaphore, #tpu.memory_space<semaphore_mem>>) src(%dma_wait3A_35 : memref<10240x64xbf16, #tpu.memory_space<hbm>>) dst(%arg10 : memref<1000x64xbf16, #tpu.memory_space<vmem>>)
    %run_scoped3A_36 = arith.constant 9 : i32
    "tpu.region"() ({
      %run_scoped3A_42 = tpu.sem_alloc : memref<!tpu.dma_semaphore, #tpu.memory_space<semaphore_mem>>
      %dma_start3A_43 = arith.constant 0 : i32
      %dma_start3A_44 = tpu.memref_slice %arg8[%run_scoped3A_36, %dma_start3A_43] : memref<10x1000xi32, #tpu.memory_space<vmem>> -> memref<1x1000xi32, #tpu.memory_space<vmem>>
      %dma_start3A_45 = tpu.memref_squeeze %dma_start3A_44 : memref<1x1000xi32, #tpu.memory_space<vmem>> -> memref<1000xi32, #tpu.memory_space<vmem>>
      %dma_start3A_46 = arith.constant 0 : i32
      %dma_start3A_47 = arith.constant 0 : i32
      %dma_start3A_48 = tpu.memref_slice %arg12[%dma_start3A_46, %dma_start3A_47] : memref<10240x64xbf16, #tpu.memory_space<vmem_shared>> -> memref<10240x64xbf16, #tpu.memory_space<vmem_shared>>
      tpu.enqueue_indirect_dma source(%arg10 : memref<1000x64xbf16, #tpu.memory_space<vmem>>) target(%dma_start3A_48 : memref<10240x64xbf16, #tpu.memory_space<vmem_shared>>) offsets(%dma_start3A_45 : memref<1000xi32, #tpu.memory_space<vmem>>) semaphore(%run_scoped3A_42 : memref<!tpu.dma_semaphore, #tpu.memory_space<semaphore_mem>>) {add = true}
      %dma_wait3A_49 = arith.constant 0 : i32
      %dma_wait3A_50 = tpu.memref_slice %arg8[%run_scoped3A_36, %dma_wait3A_49] : memref<10x1000xi32, #tpu.memory_space<vmem>> -> memref<1x1000xi32, #tpu.memory_space<vmem>>
      %dma_wait3A_51 = tpu.memref_squeeze %dma_wait3A_50 : memref<1x1000xi32, #tpu.memory_space<vmem>> -> memref<1000xi32, #tpu.memory_space<vmem>>
      %dma_wait3A_52 = arith.constant 0 : i32
      %dma_wait3A_53 = arith.constant 0 : i32
      %dma_wait3A_54 = tpu.memref_slice %arg12[%dma_wait3A_52, %dma_wait3A_53] : memref<10240x64xbf16, #tpu.memory_space<vmem_shared>> -> memref<10240x64xbf16, #tpu.memory_space<vmem_shared>>
      tpu.wait_indirect_dma semaphore(%run_scoped3A_42 : memref<!tpu.dma_semaphore, #tpu.memory_space<semaphore_mem>>) src(%arg10 : memref<1000x64xbf16, #tpu.memory_space<vmem>>) dst(%dma_wait3A_54 : memref<10240x64xbf16, #tpu.memory_space<vmem_shared>>)
      tpu.yield
    }) : () -> ()
    %barrier3A_37 = arith.constant 0 : index
    tpu.barrier barrier_id(%barrier3A_37)
    %mul3A_38 = arith.constant 640 : i32
    %mul3A_39 = arith.muli %arg1, %mul3A_38 : i32
    "tpu.region"() ({
      %run_scoped3A_42 = tpu.sem_alloc : memref<!tpu.dma_semaphore, #tpu.memory_space<semaphore_mem>>
      %dma_start3A_43 = arith.constant 0 : i32
      %dma_start3A_44 = tpu.memref_slice %arg12[%mul3A_39, %dma_start3A_43] : memref<10240x64xbf16, #tpu.memory_space<vmem_shared>> -> memref<640x64xbf16, #tpu.memory_space<vmem_shared>>
      %dma_start3A_45 = arith.constant 0 : i32
      %dma_start3A_46 = tpu.memref_slice %arg12[%mul3A_39, %dma_start3A_45] : memref<10240x64xbf16, #tpu.memory_space<vmem_shared>> -> memref<640x64xbf16, #tpu.memory_space<vmem_shared>>
      tpu.enqueue_dma source(%dma_start3A_46 : memref<640x64xbf16, #tpu.memory_space<vmem_shared>>) target(%arg11 : memref<640x64xbf16, #tpu.memory_space<vmem>>) target_semaphore(%run_scoped3A_42 : memref<!tpu.dma_semaphore, #tpu.memory_space<semaphore_mem>>)
      %dma_wait3A_47 = arith.constant 0 : i32
      %dma_wait3A_48 = tpu.memref_slice %arg12[%mul3A_39, %dma_wait3A_47] : memref<10240x64xbf16, #tpu.memory_space<vmem_shared>> -> memref<640x64xbf16, #tpu.memory_space<vmem_shared>>
      %dma_wait3A_49 = arith.constant 0 : i32
      %dma_wait3A_50 = tpu.memref_slice %arg12[%mul3A_39, %dma_wait3A_49] : memref<10240x64xbf16, #tpu.memory_space<vmem_shared>> -> memref<640x64xbf16, #tpu.memory_space<vmem_shared>>
      tpu.wait_dma2 semaphore(%run_scoped3A_42 : memref<!tpu.dma_semaphore, #tpu.memory_space<semaphore_mem>>) src(%dma_wait3A_50 : memref<640x64xbf16, #tpu.memory_space<vmem_shared>>) dst(%arg11 : memref<640x64xbf16, #tpu.memory_space<vmem>>)
      tpu.yield
    }) : () -> ()
    %mul3A_40 = arith.constant 640 : i32
    %mul3A_41 = arith.muli %arg1, %mul3A_40 : i32
    "tpu.region"() ({
      %run_scoped3A_42 = tpu.sem_alloc : memref<!tpu.dma_semaphore, #tpu.memory_space<semaphore_mem>>
      %dma_start3A_43 = arith.constant 0 : i32
      %dma_start3A_44 = tpu.memref_slice %arg6[%arg0, %mul3A_41, %dma_start3A_43] : memref<2x10240x64xbf16, #tpu.memory_space<hbm>> -> memref<1x640x64xbf16, #tpu.memory_space<hbm>>
      %dma_start3A_45 = tpu.memref_squeeze %dma_start3A_44 : memref<1x640x64xbf16, #tpu.memory_space<hbm>> -> memref<640x64xbf16, #tpu.memory_space<hbm>>
      %dma_start3A_46 = arith.constant 0 : i32
      %dma_start3A_47 = tpu.memref_slice %arg6[%arg0, %mul3A_41, %dma_start3A_46] : memref<2x10240x64xbf16, #tpu.memory_space<hbm>> -> memref<1x640x64xbf16, #tpu.memory_space<hbm>>
      %dma_start3A_48 = tpu.memref_squeeze %dma_start3A_47 : memref<1x640x64xbf16, #tpu.memory_space<hbm>> -> memref<640x64xbf16, #tpu.memory_space<hbm>>
      tpu.enqueue_dma source(%arg11 : memref<640x64xbf16, #tpu.memory_space<vmem>>) target(%dma_start3A_48 : memref<640x64xbf16, #tpu.memory_space<hbm>>) target_semaphore(%run_scoped3A_42 : memref<!tpu.dma_semaphore, #tpu.memory_space<semaphore_mem>>)
      %dma_wait3A_49 = arith.constant 0 : i32
      %dma_wait3A_50 = tpu.memref_slice %arg6[%arg0, %mul3A_41, %dma_wait3A_49] : memref<2x10240x64xbf16, #tpu.memory_space<hbm>> -> memref<1x640x64xbf16, #tpu.memory_space<hbm>>
      %dma_wait3A_51 = tpu.memref_squeeze %dma_wait3A_50 : memref<1x640x64xbf16, #tpu.memory_space<hbm>> -> memref<640x64xbf16, #tpu.memory_space<hbm>>
      %dma_wait3A_52 = arith.constant 0 : i32
      %dma_wait3A_53 = tpu.memref_slice %arg6[%arg0, %mul3A_41, %dma_wait3A_52] : memref<2x10240x64xbf16, #tpu.memory_space<hbm>> -> memref<1x640x64xbf16, #tpu.memory_space<hbm>>
      %dma_wait3A_54 = tpu.memref_squeeze %dma_wait3A_53 : memref<1x640x64xbf16, #tpu.memory_space<hbm>> -> memref<640x64xbf16, #tpu.memory_space<hbm>>
      tpu.wait_dma2 semaphore(%run_scoped3A_42 : memref<!tpu.dma_semaphore, #tpu.memory_space<semaphore_mem>>) src(%arg11 : memref<640x64xbf16, #tpu.memory_space<vmem>>) dst(%dma_wait3A_54 : memref<640x64xbf16, #tpu.memory_space<hbm>>)
      tpu.yield
    }) : () -> ()
    return
  }
}

#map = affine_map<(d0, d1) -> (0, 0)>
#map1 = affine_map<(d0, d1) -> (0, 0, 0)>
module attributes {stable_mosaic.version = 14 : i64} {
  func.func @_edge_body(%arg0: i32, %arg1: i32, %arg2: memref<10240x64xbf16, #tpu.memory_space<hbm>>, %arg3: memref<32x10x1000xi32, #tpu.memory_space<hbm>>, %arg4: memref<32x10x1000xi32, #tpu.memory_space<hbm>>, %arg5: memref<10240x64xbf16, #tpu.memory_space<hbm>>, %arg6: memref<2x10240x64xbf16, #tpu.memory_space<hbm>>, %arg7: memref<10x1000xi32, #tpu.memory_space<vmem>>, %arg8: memref<10x1000xi32, #tpu.memory_space<vmem>>, %arg9: memref<1000x64xbf16, #tpu.memory_space<vmem>>, %arg10: memref<1000x64xbf16, #tpu.memory_space<vmem>>, %arg11: memref<640x64xbf16, #tpu.memory_space<vmem>>, %arg12: memref<10240x64xbf16, #tpu.memory_space<vmem_shared>>, %arg13: memref<!tpu.dma_semaphore, #tpu.memory_space<semaphore_mem>>, %arg14: memref<!tpu.dma_semaphore, #tpu.memory_space<semaphore_mem>>) attributes {dimension_semantics = [#tpu.dimension_semantics<core_parallel>, #tpu.dimension_semantics<subcore_parallel>], iteration_bounds = array<i64: 2, 16>, scalar_prefetch = 0 : i64, scratch_operands = 8 : i64, tpu.core_type = #tpu.core_type<sc_vector_subcore>, window_params = [{transform_indices = #map}, {transform_indices = #map1}, {transform_indices = #map1}, {transform_indices = #map}, {transform_indices = #map1}]} {
    %mul3A = arith.constant 2 : i32
    %mul3A_0 = arith.muli %arg1, %mul3A : i32
    %add3A = arith.addi %mul3A_0, %arg0 : i32
    %mul3A_1 = arith.constant 640 : i32
    %mul3A_2 = arith.muli %arg1, %mul3A_1 : i32
    "tpu.region"() ({
      %run_scoped3A_42 = tpu.sem_alloc : memref<!tpu.dma_semaphore, #tpu.memory_space<semaphore_mem>>
      %dma_start3A_43 = arith.constant 0 : i32
      %dma_start3A_44 = tpu.memref_slice %arg5[%mul3A_2, %dma_start3A_43] : memref<10240x64xbf16, #tpu.memory_space<hbm>> -> memref<640x64xbf16, #tpu.memory_space<hbm>>
      %dma_start3A_45 = arith.constant 0 : i32
      %dma_start3A_46 = tpu.memref_slice %arg5[%mul3A_2, %dma_start3A_45] : memref<10240x64xbf16, #tpu.memory_space<hbm>> -> memref<640x64xbf16, #tpu.memory_space<hbm>>
      tpu.enqueue_dma source(%dma_start3A_46 : memref<640x64xbf16, #tpu.memory_space<hbm>>) target(%arg11 : memref<640x64xbf16, #tpu.memory_space<vmem>>) target_semaphore(%run_scoped3A_42 : memref<!tpu.dma_semaphore, #tpu.memory_space<semaphore_mem>>)
      %dma_wait3A_47 = arith.constant 0 : i32
      %dma_wait3A_48 = tpu.memref_slice %arg5[%mul3A_2, %dma_wait3A_47] : memref<10240x64xbf16, #tpu.memory_space<hbm>> -> memref<640x64xbf16, #tpu.memory_space<hbm>>
      %dma_wait3A_49 = arith.constant 0 : i32
      %dma_wait3A_50 = tpu.memref_slice %arg5[%mul3A_2, %dma_wait3A_49] : memref<10240x64xbf16, #tpu.memory_space<hbm>> -> memref<640x64xbf16, #tpu.memory_space<hbm>>
      tpu.wait_dma2 semaphore(%run_scoped3A_42 : memref<!tpu.dma_semaphore, #tpu.memory_space<semaphore_mem>>) src(%dma_wait3A_50 : memref<640x64xbf16, #tpu.memory_space<hbm>>) dst(%arg11 : memref<640x64xbf16, #tpu.memory_space<vmem>>)
      tpu.yield
    }) : () -> ()
    %mul3A_3 = arith.constant 640 : i32
    %mul3A_4 = arith.muli %arg1, %mul3A_3 : i32
    "tpu.region"() ({
      %run_scoped3A_42 = tpu.sem_alloc : memref<!tpu.dma_semaphore, #tpu.memory_space<semaphore_mem>>
      %dma_start3A_43 = arith.constant 0 : i32
      %dma_start3A_44 = tpu.memref_slice %arg12[%mul3A_4, %dma_start3A_43] : memref<10240x64xbf16, #tpu.memory_space<vmem_shared>> -> memref<640x64xbf16, #tpu.memory_space<vmem_shared>>
      %dma_start3A_45 = arith.constant 0 : i32
      %dma_start3A_46 = tpu.memref_slice %arg12[%mul3A_4, %dma_start3A_45] : memref<10240x64xbf16, #tpu.memory_space<vmem_shared>> -> memref<640x64xbf16, #tpu.memory_space<vmem_shared>>
      tpu.enqueue_dma source(%arg11 : memref<640x64xbf16, #tpu.memory_space<vmem>>) target(%dma_start3A_46 : memref<640x64xbf16, #tpu.memory_space<vmem_shared>>) target_semaphore(%run_scoped3A_42 : memref<!tpu.dma_semaphore, #tpu.memory_space<semaphore_mem>>)
      %dma_wait3A_47 = arith.constant 0 : i32
      %dma_wait3A_48 = tpu.memref_slice %arg12[%mul3A_4, %dma_wait3A_47] : memref<10240x64xbf16, #tpu.memory_space<vmem_shared>> -> memref<640x64xbf16, #tpu.memory_space<vmem_shared>>
      %dma_wait3A_49 = arith.constant 0 : i32
      %dma_wait3A_50 = tpu.memref_slice %arg12[%mul3A_4, %dma_wait3A_49] : memref<10240x64xbf16, #tpu.memory_space<vmem_shared>> -> memref<640x64xbf16, #tpu.memory_space<vmem_shared>>
      tpu.wait_dma2 semaphore(%run_scoped3A_42 : memref<!tpu.dma_semaphore, #tpu.memory_space<semaphore_mem>>) src(%arg11 : memref<640x64xbf16, #tpu.memory_space<vmem>>) dst(%dma_wait3A_50 : memref<640x64xbf16, #tpu.memory_space<vmem_shared>>)
      tpu.yield
    }) : () -> ()
    "tpu.region"() ({
      %run_scoped3A_42 = tpu.sem_alloc : memref<!tpu.dma_semaphore, #tpu.memory_space<semaphore_mem>>
      %dma_start3A_43 = arith.constant 0 : i32
      %dma_start3A_44 = arith.constant 0 : i32
      %dma_start3A_45 = tpu.memref_slice %arg3[%add3A, %dma_start3A_43, %dma_start3A_44] : memref<32x10x1000xi32, #tpu.memory_space<hbm>> -> memref<1x10x1000xi32, #tpu.memory_space<hbm>>
      %dma_start3A_46 = tpu.memref_squeeze %dma_start3A_45 : memref<1x10x1000xi32, #tpu.memory_space<hbm>> -> memref<10x1000xi32, #tpu.memory_space<hbm>>
      %dma_start3A_47 = arith.constant 0 : i32
      %dma_start3A_48 = arith.constant 0 : i32
      %dma_start3A_49 = tpu.memref_slice %arg3[%add3A, %dma_start3A_47, %dma_start3A_48] : memref<32x10x1000xi32, #tpu.memory_space<hbm>> -> memref<1x10x1000xi32, #tpu.memory_space<hbm>>
      %dma_start3A_50 = tpu.memref_squeeze %dma_start3A_49 : memref<1x10x1000xi32, #tpu.memory_space<hbm>> -> memref<10x1000xi32, #tpu.memory_space<hbm>>
      tpu.enqueue_dma source(%dma_start3A_50 : memref<10x1000xi32, #tpu.memory_space<hbm>>) target(%arg7 : memref<10x1000xi32, #tpu.memory_space<vmem>>) target_semaphore(%run_scoped3A_42 : memref<!tpu.dma_semaphore, #tpu.memory_space<semaphore_mem>>)
      %dma_wait3A_51 = arith.constant 0 : i32
      %dma_wait3A_52 = arith.constant 0 : i32
      %dma_wait3A_53 = tpu.memref_slice %arg3[%add3A, %dma_wait3A_51, %dma_wait3A_52] : memref<32x10x1000xi32, #tpu.memory_space<hbm>> -> memref<1x10x1000xi32, #tpu.memory_space<hbm>>
      %dma_wait3A_54 = tpu.memref_squeeze %dma_wait3A_53 : memref<1x10x1000xi32, #tpu.memory_space<hbm>> -> memref<10x1000xi32, #tpu.memory_space<hbm>>
      %dma_wait3A_55 = arith.constant 0 : i32
      %dma_wait3A_56 = arith.constant 0 : i32
      %dma_wait3A_57 = tpu.memref_slice %arg3[%add3A, %dma_wait3A_55, %dma_wait3A_56] : memref<32x10x1000xi32, #tpu.memory_space<hbm>> -> memref<1x10x1000xi32, #tpu.memory_space<hbm>>
      %dma_wait3A_58 = tpu.memref_squeeze %dma_wait3A_57 : memref<1x10x1000xi32, #tpu.memory_space<hbm>> -> memref<10x1000xi32, #tpu.memory_space<hbm>>
      tpu.wait_dma2 semaphore(%run_scoped3A_42 : memref<!tpu.dma_semaphore, #tpu.memory_space<semaphore_mem>>) src(%dma_wait3A_58 : memref<10x1000xi32, #tpu.memory_space<hbm>>) dst(%arg7 : memref<10x1000xi32, #tpu.memory_space<vmem>>)
      tpu.yield
    }) : () -> ()
    "tpu.region"() ({
      %run_scoped3A_42 = tpu.sem_alloc : memref<!tpu.dma_semaphore, #tpu.memory_space<semaphore_mem>>
      %dma_start3A_43 = arith.constant 0 : i32
      %dma_start3A_44 = arith.constant 0 : i32
      %dma_start3A_45 = tpu.memref_slice %arg4[%add3A, %dma_start3A_43, %dma_start3A_44] : memref<32x10x1000xi32, #tpu.memory_space<hbm>> -> memref<1x10x1000xi32, #tpu.memory_space<hbm>>
      %dma_start3A_46 = tpu.memref_squeeze %dma_start3A_45 : memref<1x10x1000xi32, #tpu.memory_space<hbm>> -> memref<10x1000xi32, #tpu.memory_space<hbm>>
      %dma_start3A_47 = arith.constant 0 : i32
      %dma_start3A_48 = arith.constant 0 : i32
      %dma_start3A_49 = tpu.memref_slice %arg4[%add3A, %dma_start3A_47, %dma_start3A_48] : memref<32x10x1000xi32, #tpu.memory_space<hbm>> -> memref<1x10x1000xi32, #tpu.memory_space<hbm>>
      %dma_start3A_50 = tpu.memref_squeeze %dma_start3A_49 : memref<1x10x1000xi32, #tpu.memory_space<hbm>> -> memref<10x1000xi32, #tpu.memory_space<hbm>>
      tpu.enqueue_dma source(%dma_start3A_50 : memref<10x1000xi32, #tpu.memory_space<hbm>>) target(%arg8 : memref<10x1000xi32, #tpu.memory_space<vmem>>) target_semaphore(%run_scoped3A_42 : memref<!tpu.dma_semaphore, #tpu.memory_space<semaphore_mem>>)
      %dma_wait3A_51 = arith.constant 0 : i32
      %dma_wait3A_52 = arith.constant 0 : i32
      %dma_wait3A_53 = tpu.memref_slice %arg4[%add3A, %dma_wait3A_51, %dma_wait3A_52] : memref<32x10x1000xi32, #tpu.memory_space<hbm>> -> memref<1x10x1000xi32, #tpu.memory_space<hbm>>
      %dma_wait3A_54 = tpu.memref_squeeze %dma_wait3A_53 : memref<1x10x1000xi32, #tpu.memory_space<hbm>> -> memref<10x1000xi32, #tpu.memory_space<hbm>>
      %dma_wait3A_55 = arith.constant 0 : i32
      %dma_wait3A_56 = arith.constant 0 : i32
      %dma_wait3A_57 = tpu.memref_slice %arg4[%add3A, %dma_wait3A_55, %dma_wait3A_56] : memref<32x10x1000xi32, #tpu.memory_space<hbm>> -> memref<1x10x1000xi32, #tpu.memory_space<hbm>>
      %dma_wait3A_58 = tpu.memref_squeeze %dma_wait3A_57 : memref<1x10x1000xi32, #tpu.memory_space<hbm>> -> memref<10x1000xi32, #tpu.memory_space<hbm>>
      tpu.wait_dma2 semaphore(%run_scoped3A_42 : memref<!tpu.dma_semaphore, #tpu.memory_space<semaphore_mem>>) src(%dma_wait3A_58 : memref<10x1000xi32, #tpu.memory_space<hbm>>) dst(%arg8 : memref<10x1000xi32, #tpu.memory_space<vmem>>)
      tpu.yield
    }) : () -> ()
    %dma_start3A = arith.constant 0 : i32
    %dma_start3A_5 = arith.constant 0 : i32
    %dma_start3A_6 = tpu.memref_slice %arg7[%dma_start3A, %dma_start3A_5] : memref<10x1000xi32, #tpu.memory_space<vmem>> -> memref<1x1000xi32, #tpu.memory_space<vmem>>
    %dma_start3A_7 = tpu.memref_squeeze %dma_start3A_6 : memref<1x1000xi32, #tpu.memory_space<vmem>> -> memref<1000xi32, #tpu.memory_space<vmem>>
    %dma_start3A_8 = arith.constant 0 : i32
    %dma_start3A_9 = arith.constant 0 : i32
    %dma_start3A_10 = tpu.memref_slice %arg2[%dma_start3A_8, %dma_start3A_9] : memref<10240x64xbf16, #tpu.memory_space<hbm>> -> memref<10240x64xbf16, #tpu.memory_space<hbm>>
    tpu.enqueue_indirect_dma source(%dma_start3A_10 : memref<10240x64xbf16, #tpu.memory_space<hbm>>) target(%arg9 : memref<1000x64xbf16, #tpu.memory_space<vmem>>) offsets(%dma_start3A_7 : memref<1000xi32, #tpu.memory_space<vmem>>) semaphore(%arg13 : memref<!tpu.dma_semaphore, #tpu.memory_space<semaphore_mem>>)
    %barrier3A = arith.constant 0 : index
    tpu.barrier barrier_id(%barrier3A)
    %scan3A = arith.constant 0 : i32
    %scan3A_11 = arith.constant 0 : i32
    %scan3A_12 = arith.constant 4 : i32
    %scan3A_13 = arith.addi %scan3A_11, %scan3A_12 : i32
    %scan3A_14 = arith.constant 1 : i32
    scf.for %scan3A_42 = %scan3A_11 to %scan3A_13 step %scan3A_14  : i32 {
      %mul3A_43 = arith.constant 2 : i32
      %mul3A_44 = arith.muli %mul3A_43, %scan3A_42 : i32
      %add3A_45 = arith.constant 1 : i32
      %add3A_46 = arith.addi %mul3A_44, %add3A_45 : i32
      %dma_start3A_47 = arith.constant 0 : i32
      %dma_start3A_48 = tpu.memref_slice %arg7[%add3A_46, %dma_start3A_47] : memref<10x1000xi32, #tpu.memory_space<vmem>> -> memref<1x1000xi32, #tpu.memory_space<vmem>>
      %dma_start3A_49 = tpu.memref_squeeze %dma_start3A_48 : memref<1x1000xi32, #tpu.memory_space<vmem>> -> memref<1000xi32, #tpu.memory_space<vmem>>
      %dma_start3A_50 = arith.constant 0 : i32
      %dma_start3A_51 = arith.constant 0 : i32
      %dma_start3A_52 = tpu.memref_slice %arg2[%dma_start3A_50, %dma_start3A_51] : memref<10240x64xbf16, #tpu.memory_space<hbm>> -> memref<10240x64xbf16, #tpu.memory_space<hbm>>
      tpu.enqueue_indirect_dma source(%dma_start3A_52 : memref<10240x64xbf16, #tpu.memory_space<hbm>>) target(%arg10 : memref<1000x64xbf16, #tpu.memory_space<vmem>>) offsets(%dma_start3A_49 : memref<1000xi32, #tpu.memory_space<vmem>>) semaphore(%arg14 : memref<!tpu.dma_semaphore, #tpu.memory_space<semaphore_mem>>)
      %dma_wait3A_53 = arith.constant 0 : i32
      %dma_wait3A_54 = tpu.memref_slice %arg7[%mul3A_44, %dma_wait3A_53] : memref<10x1000xi32, #tpu.memory_space<vmem>> -> memref<1x1000xi32, #tpu.memory_space<vmem>>
      %dma_wait3A_55 = tpu.memref_squeeze %dma_wait3A_54 : memref<1x1000xi32, #tpu.memory_space<vmem>> -> memref<1000xi32, #tpu.memory_space<vmem>>
      %dma_wait3A_56 = arith.constant 0 : i32
      %dma_wait3A_57 = arith.constant 0 : i32
      %dma_wait3A_58 = tpu.memref_slice %arg2[%dma_wait3A_56, %dma_wait3A_57] : memref<10240x64xbf16, #tpu.memory_space<hbm>> -> memref<10240x64xbf16, #tpu.memory_space<hbm>>
      tpu.wait_indirect_dma semaphore(%arg13 : memref<!tpu.dma_semaphore, #tpu.memory_space<semaphore_mem>>) src(%dma_wait3A_58 : memref<10240x64xbf16, #tpu.memory_space<hbm>>) dst(%arg9 : memref<1000x64xbf16, #tpu.memory_space<vmem>>)
      "tpu.region"() ({
        %run_scoped3A_77 = tpu.sem_alloc : memref<!tpu.dma_semaphore, #tpu.memory_space<semaphore_mem>>
        %dma_start3A_78 = arith.constant 0 : i32
        %dma_start3A_79 = tpu.memref_slice %arg8[%mul3A_44, %dma_start3A_78] : memref<10x1000xi32, #tpu.memory_space<vmem>> -> memref<1x1000xi32, #tpu.memory_space<vmem>>
        %dma_start3A_80 = tpu.memref_squeeze %dma_start3A_79 : memref<1x1000xi32, #tpu.memory_space<vmem>> -> memref<1000xi32, #tpu.memory_space<vmem>>
        %dma_start3A_81 = arith.constant 0 : i32
        %dma_start3A_82 = arith.constant 0 : i32
        %dma_start3A_83 = tpu.memref_slice %arg12[%dma_start3A_81, %dma_start3A_82] : memref<10240x64xbf16, #tpu.memory_space<vmem_shared>> -> memref<10240x64xbf16, #tpu.memory_space<vmem_shared>>
        tpu.enqueue_indirect_dma source(%arg9 : memref<1000x64xbf16, #tpu.memory_space<vmem>>) target(%dma_start3A_83 : memref<10240x64xbf16, #tpu.memory_space<vmem_shared>>) offsets(%dma_start3A_80 : memref<1000xi32, #tpu.memory_space<vmem>>) semaphore(%run_scoped3A_77 : memref<!tpu.dma_semaphore, #tpu.memory_space<semaphore_mem>>) {add = true}
        %dma_wait3A_84 = arith.constant 0 : i32
        %dma_wait3A_85 = tpu.memref_slice %arg8[%mul3A_44, %dma_wait3A_84] : memref<10x1000xi32, #tpu.memory_space<vmem>> -> memref<1x1000xi32, #tpu.memory_space<vmem>>
        %dma_wait3A_86 = tpu.memref_squeeze %dma_wait3A_85 : memref<1x1000xi32, #tpu.memory_space<vmem>> -> memref<1000xi32, #tpu.memory_space<vmem>>
        %dma_wait3A_87 = arith.constant 0 : i32
        %dma_wait3A_88 = arith.constant 0 : i32
        %dma_wait3A_89 = tpu.memref_slice %arg12[%dma_wait3A_87, %dma_wait3A_88] : memref<10240x64xbf16, #tpu.memory_space<vmem_shared>> -> memref<10240x64xbf16, #tpu.memory_space<vmem_shared>>
        tpu.wait_indirect_dma semaphore(%run_scoped3A_77 : memref<!tpu.dma_semaphore, #tpu.memory_space<semaphore_mem>>) src(%arg9 : memref<1000x64xbf16, #tpu.memory_space<vmem>>) dst(%dma_wait3A_89 : memref<10240x64xbf16, #tpu.memory_space<vmem_shared>>)
        tpu.yield
      }) : () -> ()
      %add3A_59 = arith.constant 2 : i32
      %add3A_60 = arith.addi %mul3A_44, %add3A_59 : i32
      %dma_start3A_61 = arith.constant 0 : i32
      %dma_start3A_62 = tpu.memref_slice %arg7[%add3A_60, %dma_start3A_61] : memref<10x1000xi32, #tpu.memory_space<vmem>> -> memref<1x1000xi32, #tpu.memory_space<vmem>>
      %dma_start3A_63 = tpu.memref_squeeze %dma_start3A_62 : memref<1x1000xi32, #tpu.memory_space<vmem>> -> memref<1000xi32, #tpu.memory_space<vmem>>
      %dma_start3A_64 = arith.constant 0 : i32
      %dma_start3A_65 = arith.constant 0 : i32
      %dma_start3A_66 = tpu.memref_slice %arg2[%dma_start3A_64, %dma_start3A_65] : memref<10240x64xbf16, #tpu.memory_space<hbm>> -> memref<10240x64xbf16, #tpu.memory_space<hbm>>
      tpu.enqueue_indirect_dma source(%dma_start3A_66 : memref<10240x64xbf16, #tpu.memory_space<hbm>>) target(%arg9 : memref<1000x64xbf16, #tpu.memory_space<vmem>>) offsets(%dma_start3A_63 : memref<1000xi32, #tpu.memory_space<vmem>>) semaphore(%arg13 : memref<!tpu.dma_semaphore, #tpu.memory_space<semaphore_mem>>)
      %add3A_67 = arith.constant 1 : i32
      %add3A_68 = arith.addi %mul3A_44, %add3A_67 : i32
      %dma_wait3A_69 = arith.constant 0 : i32
      %dma_wait3A_70 = tpu.memref_slice %arg7[%add3A_68, %dma_wait3A_69] : memref<10x1000xi32, #tpu.memory_space<vmem>> -> memref<1x1000xi32, #tpu.memory_space<vmem>>
      %dma_wait3A_71 = tpu.memref_squeeze %dma_wait3A_70 : memref<1x1000xi32, #tpu.memory_space<vmem>> -> memref<1000xi32, #tpu.memory_space<vmem>>
      %dma_wait3A_72 = arith.constant 0 : i32
      %dma_wait3A_73 = arith.constant 0 : i32
      %dma_wait3A_74 = tpu.memref_slice %arg2[%dma_wait3A_72, %dma_wait3A_73] : memref<10240x64xbf16, #tpu.memory_space<hbm>> -> memref<10240x64xbf16, #tpu.memory_space<hbm>>
      tpu.wait_indirect_dma semaphore(%arg14 : memref<!tpu.dma_semaphore, #tpu.memory_space<semaphore_mem>>) src(%dma_wait3A_74 : memref<10240x64xbf16, #tpu.memory_space<hbm>>) dst(%arg10 : memref<1000x64xbf16, #tpu.memory_space<vmem>>)
      %add3A_75 = arith.constant 1 : i32
      %add3A_76 = arith.addi %mul3A_44, %add3A_75 : i32
      "tpu.region"() ({
        %run_scoped3A_77 = tpu.sem_alloc : memref<!tpu.dma_semaphore, #tpu.memory_space<semaphore_mem>>
        %dma_start3A_78 = arith.constant 0 : i32
        %dma_start3A_79 = tpu.memref_slice %arg8[%add3A_76, %dma_start3A_78] : memref<10x1000xi32, #tpu.memory_space<vmem>> -> memref<1x1000xi32, #tpu.memory_space<vmem>>
        %dma_start3A_80 = tpu.memref_squeeze %dma_start3A_79 : memref<1x1000xi32, #tpu.memory_space<vmem>> -> memref<1000xi32, #tpu.memory_space<vmem>>
        %dma_start3A_81 = arith.constant 0 : i32
        %dma_start3A_82 = arith.constant 0 : i32
        %dma_start3A_83 = tpu.memref_slice %arg12[%dma_start3A_81, %dma_start3A_82] : memref<10240x64xbf16, #tpu.memory_space<vmem_shared>> -> memref<10240x64xbf16, #tpu.memory_space<vmem_shared>>
        tpu.enqueue_indirect_dma source(%arg10 : memref<1000x64xbf16, #tpu.memory_space<vmem>>) target(%dma_start3A_83 : memref<10240x64xbf16, #tpu.memory_space<vmem_shared>>) offsets(%dma_start3A_80 : memref<1000xi32, #tpu.memory_space<vmem>>) semaphore(%run_scoped3A_77 : memref<!tpu.dma_semaphore, #tpu.memory_space<semaphore_mem>>) {add = true}
        %dma_wait3A_84 = arith.constant 0 : i32
        %dma_wait3A_85 = tpu.memref_slice %arg8[%add3A_76, %dma_wait3A_84] : memref<10x1000xi32, #tpu.memory_space<vmem>> -> memref<1x1000xi32, #tpu.memory_space<vmem>>
        %dma_wait3A_86 = tpu.memref_squeeze %dma_wait3A_85 : memref<1x1000xi32, #tpu.memory_space<vmem>> -> memref<1000xi32, #tpu.memory_space<vmem>>
        %dma_wait3A_87 = arith.constant 0 : i32
        %dma_wait3A_88 = arith.constant 0 : i32
        %dma_wait3A_89 = tpu.memref_slice %arg12[%dma_wait3A_87, %dma_wait3A_88] : memref<10240x64xbf16, #tpu.memory_space<vmem_shared>> -> memref<10240x64xbf16, #tpu.memory_space<vmem_shared>>
        tpu.wait_indirect_dma semaphore(%run_scoped3A_77 : memref<!tpu.dma_semaphore, #tpu.memory_space<semaphore_mem>>) src(%arg10 : memref<1000x64xbf16, #tpu.memory_space<vmem>>) dst(%dma_wait3A_89 : memref<10240x64xbf16, #tpu.memory_space<vmem_shared>>)
        tpu.yield
      }) : () -> ()
    }
    %scan3A_15 = arith.constant 4 : i32
    %dma_start3A_16 = arith.constant 9 : i32
    %dma_start3A_17 = arith.constant 0 : i32
    %dma_start3A_18 = tpu.memref_slice %arg7[%dma_start3A_16, %dma_start3A_17] : memref<10x1000xi32, #tpu.memory_space<vmem>> -> memref<1x1000xi32, #tpu.memory_space<vmem>>
    %dma_start3A_19 = tpu.memref_squeeze %dma_start3A_18 : memref<1x1000xi32, #tpu.memory_space<vmem>> -> memref<1000xi32, #tpu.memory_space<vmem>>
    %dma_start3A_20 = arith.constant 0 : i32
    %dma_start3A_21 = arith.constant 0 : i32
    %dma_start3A_22 = tpu.memref_slice %arg2[%dma_start3A_20, %dma_start3A_21] : memref<10240x64xbf16, #tpu.memory_space<hbm>> -> memref<10240x64xbf16, #tpu.memory_space<hbm>>
    tpu.enqueue_indirect_dma source(%dma_start3A_22 : memref<10240x64xbf16, #tpu.memory_space<hbm>>) target(%arg10 : memref<1000x64xbf16, #tpu.memory_space<vmem>>) offsets(%dma_start3A_19 : memref<1000xi32, #tpu.memory_space<vmem>>) semaphore(%arg14 : memref<!tpu.dma_semaphore, #tpu.memory_space<semaphore_mem>>)
    %dma_wait3A = arith.constant 8 : i32
    %dma_wait3A_23 = arith.constant 0 : i32
    %dma_wait3A_24 = tpu.memref_slice %arg7[%dma_wait3A, %dma_wait3A_23] : memref<10x1000xi32, #tpu.memory_space<vmem>> -> memref<1x1000xi32, #tpu.memory_space<vmem>>
    %dma_wait3A_25 = tpu.memref_squeeze %dma_wait3A_24 : memref<1x1000xi32, #tpu.memory_space<vmem>> -> memref<1000xi32, #tpu.memory_space<vmem>>
    %dma_wait3A_26 = arith.constant 0 : i32
    %dma_wait3A_27 = arith.constant 0 : i32
    %dma_wait3A_28 = tpu.memref_slice %arg2[%dma_wait3A_26, %dma_wait3A_27] : memref<10240x64xbf16, #tpu.memory_space<hbm>> -> memref<10240x64xbf16, #tpu.memory_space<hbm>>
    tpu.wait_indirect_dma semaphore(%arg13 : memref<!tpu.dma_semaphore, #tpu.memory_space<semaphore_mem>>) src(%dma_wait3A_28 : memref<10240x64xbf16, #tpu.memory_space<hbm>>) dst(%arg9 : memref<1000x64xbf16, #tpu.memory_space<vmem>>)
    %run_scoped3A = arith.constant 8 : i32
    "tpu.region"() ({
      %run_scoped3A_42 = tpu.sem_alloc : memref<!tpu.dma_semaphore, #tpu.memory_space<semaphore_mem>>
      %dma_start3A_43 = arith.constant 0 : i32
      %dma_start3A_44 = tpu.memref_slice %arg8[%run_scoped3A, %dma_start3A_43] : memref<10x1000xi32, #tpu.memory_space<vmem>> -> memref<1x1000xi32, #tpu.memory_space<vmem>>
      %dma_start3A_45 = tpu.memref_squeeze %dma_start3A_44 : memref<1x1000xi32, #tpu.memory_space<vmem>> -> memref<1000xi32, #tpu.memory_space<vmem>>
      %dma_start3A_46 = arith.constant 0 : i32
      %dma_start3A_47 = arith.constant 0 : i32
      %dma_start3A_48 = tpu.memref_slice %arg12[%dma_start3A_46, %dma_start3A_47] : memref<10240x64xbf16, #tpu.memory_space<vmem_shared>> -> memref<10240x64xbf16, #tpu.memory_space<vmem_shared>>
      tpu.enqueue_indirect_dma source(%arg9 : memref<1000x64xbf16, #tpu.memory_space<vmem>>) target(%dma_start3A_48 : memref<10240x64xbf16, #tpu.memory_space<vmem_shared>>) offsets(%dma_start3A_45 : memref<1000xi32, #tpu.memory_space<vmem>>) semaphore(%run_scoped3A_42 : memref<!tpu.dma_semaphore, #tpu.memory_space<semaphore_mem>>) {add = true}
      %dma_wait3A_49 = arith.constant 0 : i32
      %dma_wait3A_50 = tpu.memref_slice %arg8[%run_scoped3A, %dma_wait3A_49] : memref<10x1000xi32, #tpu.memory_space<vmem>> -> memref<1x1000xi32, #tpu.memory_space<vmem>>
      %dma_wait3A_51 = tpu.memref_squeeze %dma_wait3A_50 : memref<1x1000xi32, #tpu.memory_space<vmem>> -> memref<1000xi32, #tpu.memory_space<vmem>>
      %dma_wait3A_52 = arith.constant 0 : i32
      %dma_wait3A_53 = arith.constant 0 : i32
      %dma_wait3A_54 = tpu.memref_slice %arg12[%dma_wait3A_52, %dma_wait3A_53] : memref<10240x64xbf16, #tpu.memory_space<vmem_shared>> -> memref<10240x64xbf16, #tpu.memory_space<vmem_shared>>
      tpu.wait_indirect_dma semaphore(%run_scoped3A_42 : memref<!tpu.dma_semaphore, #tpu.memory_space<semaphore_mem>>) src(%arg9 : memref<1000x64xbf16, #tpu.memory_space<vmem>>) dst(%dma_wait3A_54 : memref<10240x64xbf16, #tpu.memory_space<vmem_shared>>)
      tpu.yield
    }) : () -> ()
    %dma_wait3A_29 = arith.constant 9 : i32
    %dma_wait3A_30 = arith.constant 0 : i32
    %dma_wait3A_31 = tpu.memref_slice %arg7[%dma_wait3A_29, %dma_wait3A_30] : memref<10x1000xi32, #tpu.memory_space<vmem>> -> memref<1x1000xi32, #tpu.memory_space<vmem>>
    %dma_wait3A_32 = tpu.memref_squeeze %dma_wait3A_31 : memref<1x1000xi32, #tpu.memory_space<vmem>> -> memref<1000xi32, #tpu.memory_space<vmem>>
    %dma_wait3A_33 = arith.constant 0 : i32
    %dma_wait3A_34 = arith.constant 0 : i32
    %dma_wait3A_35 = tpu.memref_slice %arg2[%dma_wait3A_33, %dma_wait3A_34] : memref<10240x64xbf16, #tpu.memory_space<hbm>> -> memref<10240x64xbf16, #tpu.memory_space<hbm>>
    tpu.wait_indirect_dma semaphore(%arg14 : memref<!tpu.dma_semaphore, #tpu.memory_space<semaphore_mem>>) src(%dma_wait3A_35 : memref<10240x64xbf16, #tpu.memory_space<hbm>>) dst(%arg10 : memref<1000x64xbf16, #tpu.memory_space<vmem>>)
    %run_scoped3A_36 = arith.constant 9 : i32
    "tpu.region"() ({
      %run_scoped3A_42 = tpu.sem_alloc : memref<!tpu.dma_semaphore, #tpu.memory_space<semaphore_mem>>
      %dma_start3A_43 = arith.constant 0 : i32
      %dma_start3A_44 = tpu.memref_slice %arg8[%run_scoped3A_36, %dma_start3A_43] : memref<10x1000xi32, #tpu.memory_space<vmem>> -> memref<1x1000xi32, #tpu.memory_space<vmem>>
      %dma_start3A_45 = tpu.memref_squeeze %dma_start3A_44 : memref<1x1000xi32, #tpu.memory_space<vmem>> -> memref<1000xi32, #tpu.memory_space<vmem>>
      %dma_start3A_46 = arith.constant 0 : i32
      %dma_start3A_47 = arith.constant 0 : i32
      %dma_start3A_48 = tpu.memref_slice %arg12[%dma_start3A_46, %dma_start3A_47] : memref<10240x64xbf16, #tpu.memory_space<vmem_shared>> -> memref<10240x64xbf16, #tpu.memory_space<vmem_shared>>
      tpu.enqueue_indirect_dma source(%arg10 : memref<1000x64xbf16, #tpu.memory_space<vmem>>) target(%dma_start3A_48 : memref<10240x64xbf16, #tpu.memory_space<vmem_shared>>) offsets(%dma_start3A_45 : memref<1000xi32, #tpu.memory_space<vmem>>) semaphore(%run_scoped3A_42 : memref<!tpu.dma_semaphore, #tpu.memory_space<semaphore_mem>>) {add = true}
      %dma_wait3A_49 = arith.constant 0 : i32
      %dma_wait3A_50 = tpu.memref_slice %arg8[%run_scoped3A_36, %dma_wait3A_49] : memref<10x1000xi32, #tpu.memory_space<vmem>> -> memref<1x1000xi32, #tpu.memory_space<vmem>>
      %dma_wait3A_51 = tpu.memref_squeeze %dma_wait3A_50 : memref<1x1000xi32, #tpu.memory_space<vmem>> -> memref<1000xi32, #tpu.memory_space<vmem>>
      %dma_wait3A_52 = arith.constant 0 : i32
      %dma_wait3A_53 = arith.constant 0 : i32
      %dma_wait3A_54 = tpu.memref_slice %arg12[%dma_wait3A_52, %dma_wait3A_53] : memref<10240x64xbf16, #tpu.memory_space<vmem_shared>> -> memref<10240x64xbf16, #tpu.memory_space<vmem_shared>>
      tpu.wait_indirect_dma semaphore(%run_scoped3A_42 : memref<!tpu.dma_semaphore, #tpu.memory_space<semaphore_mem>>) src(%arg10 : memref<1000x64xbf16, #tpu.memory_space<vmem>>) dst(%dma_wait3A_54 : memref<10240x64xbf16, #tpu.memory_space<vmem_shared>>)
      tpu.yield
    }) : () -> ()
    %barrier3A_37 = arith.constant 0 : index
    tpu.barrier barrier_id(%barrier3A_37)
    %mul3A_38 = arith.constant 640 : i32
    %mul3A_39 = arith.muli %arg1, %mul3A_38 : i32
    "tpu.region"() ({
      %run_scoped3A_42 = tpu.sem_alloc : memref<!tpu.dma_semaphore, #tpu.memory_space<semaphore_mem>>
      %dma_start3A_43 = arith.constant 0 : i32
      %dma_start3A_44 = tpu.memref_slice %arg12[%mul3A_39, %dma_start3A_43] : memref<10240x64xbf16, #tpu.memory_space<vmem_shared>> -> memref<640x64xbf16, #tpu.memory_space<vmem_shared>>
      %dma_start3A_45 = arith.constant 0 : i32
      %dma_start3A_46 = tpu.memref_slice %arg12[%mul3A_39, %dma_start3A_45] : memref<10240x64xbf16, #tpu.memory_space<vmem_shared>> -> memref<640x64xbf16, #tpu.memory_space<vmem_shared>>
      tpu.enqueue_dma source(%dma_start3A_46 : memref<640x64xbf16, #tpu.memory_space<vmem_shared>>) target(%arg11 : memref<640x64xbf16, #tpu.memory_space<vmem>>) target_semaphore(%run_scoped3A_42 : memref<!tpu.dma_semaphore, #tpu.memory_space<semaphore_mem>>)
      %dma_wait3A_47 = arith.constant 0 : i32
      %dma_wait3A_48 = tpu.memref_slice %arg12[%mul3A_39, %dma_wait3A_47] : memref<10240x64xbf16, #tpu.memory_space<vmem_shared>> -> memref<640x64xbf16, #tpu.memory_space<vmem_shared>>
      %dma_wait3A_49 = arith.constant 0 : i32
      %dma_wait3A_50 = tpu.memref_slice %arg12[%mul3A_39, %dma_wait3A_49] : memref<10240x64xbf16, #tpu.memory_space<vmem_shared>> -> memref<640x64xbf16, #tpu.memory_space<vmem_shared>>
      tpu.wait_dma2 semaphore(%run_scoped3A_42 : memref<!tpu.dma_semaphore, #tpu.memory_space<semaphore_mem>>) src(%dma_wait3A_50 : memref<640x64xbf16, #tpu.memory_space<vmem_shared>>) dst(%arg11 : memref<640x64xbf16, #tpu.memory_space<vmem>>)
      tpu.yield
    }) : () -> ()
    %mul3A_40 = arith.constant 640 : i32
    %mul3A_41 = arith.muli %arg1, %mul3A_40 : i32
    "tpu.region"() ({
      %run_scoped3A_42 = tpu.sem_alloc : memref<!tpu.dma_semaphore, #tpu.memory_space<semaphore_mem>>
      %dma_start3A_43 = arith.constant 0 : i32
      %dma_start3A_44 = tpu.memref_slice %arg6[%arg0, %mul3A_41, %dma_start3A_43] : memref<2x10240x64xbf16, #tpu.memory_space<hbm>> -> memref<1x640x64xbf16, #tpu.memory_space<hbm>>
      %dma_start3A_45 = tpu.memref_squeeze %dma_start3A_44 : memref<1x640x64xbf16, #tpu.memory_space<hbm>> -> memref<640x64xbf16, #tpu.memory_space<hbm>>
      %dma_start3A_46 = arith.constant 0 : i32
      %dma_start3A_47 = tpu.memref_slice %arg6[%arg0, %mul3A_41, %dma_start3A_46] : memref<2x10240x64xbf16, #tpu.memory_space<hbm>> -> memref<1x640x64xbf16, #tpu.memory_space<hbm>>
      %dma_start3A_48 = tpu.memref_squeeze %dma_start3A_47 : memref<1x640x64xbf16, #tpu.memory_space<hbm>> -> memref<640x64xbf16, #tpu.memory_space<hbm>>
      tpu.enqueue_dma source(%arg11 : memref<640x64xbf16, #tpu.memory_space<vmem>>) target(%dma_start3A_48 : memref<640x64xbf16, #tpu.memory_space<hbm>>) target_semaphore(%run_scoped3A_42 : memref<!tpu.dma_semaphore, #tpu.memory_space<semaphore_mem>>)
      %dma_wait3A_49 = arith.constant 0 : i32
      %dma_wait3A_50 = tpu.memref_slice %arg6[%arg0, %mul3A_41, %dma_wait3A_49] : memref<2x10240x64xbf16, #tpu.memory_space<hbm>> -> memref<1x640x64xbf16, #tpu.memory_space<hbm>>
      %dma_wait3A_51 = tpu.memref_squeeze %dma_wait3A_50 : memref<1x640x64xbf16, #tpu.memory_space<hbm>> -> memref<640x64xbf16, #tpu.memory_space<hbm>>
      %dma_wait3A_52 = arith.constant 0 : i32
      %dma_wait3A_53 = tpu.memref_slice %arg6[%arg0, %mul3A_41, %dma_wait3A_52] : memref<2x10240x64xbf16, #tpu.memory_space<hbm>> -> memref<1x640x64xbf16, #tpu.memory_space<hbm>>
      %dma_wait3A_54 = tpu.memref_squeeze %dma_wait3A_53 : memref<1x640x64xbf16, #tpu.memory_space<hbm>> -> memref<640x64xbf16, #tpu.memory_space<hbm>>
      tpu.wait_dma2 semaphore(%run_scoped3A_42 : memref<!tpu.dma_semaphore, #tpu.memory_space<semaphore_mem>>) src(%arg11 : memref<640x64xbf16, #tpu.memory_space<vmem>>) dst(%dma_wait3A_54 : memref<640x64xbf16, #tpu.memory_space<hbm>>)
      tpu.yield
    }) : () -> ()
    return
  }
}

#map = affine_map<(d0, d1) -> (0, 0)>
#map1 = affine_map<(d0, d1) -> (0, 0, 0)>
module attributes {stable_mosaic.version = 14 : i64} {
  func.func @_edge_body(%arg0: i32, %arg1: i32, %arg2: memref<10240x64xbf16, #tpu.memory_space<hbm>>, %arg3: memref<32x10x1000xi32, #tpu.memory_space<hbm>>, %arg4: memref<32x10x1000xi32, #tpu.memory_space<hbm>>, %arg5: memref<10240x64xbf16, #tpu.memory_space<hbm>>, %arg6: memref<2x10240x64xbf16, #tpu.memory_space<hbm>>, %arg7: memref<10x1000xi32, #tpu.memory_space<vmem>>, %arg8: memref<10x1000xi32, #tpu.memory_space<vmem>>, %arg9: memref<1000x64xbf16, #tpu.memory_space<vmem>>, %arg10: memref<1000x64xbf16, #tpu.memory_space<vmem>>, %arg11: memref<640x64xbf16, #tpu.memory_space<vmem>>, %arg12: memref<10240x64xbf16, #tpu.memory_space<vmem_shared>>, %arg13: memref<!tpu.dma_semaphore, #tpu.memory_space<semaphore_mem>>, %arg14: memref<!tpu.dma_semaphore, #tpu.memory_space<semaphore_mem>>) attributes {dimension_semantics = [#tpu.dimension_semantics<core_parallel>, #tpu.dimension_semantics<subcore_parallel>], iteration_bounds = array<i64: 2, 16>, scalar_prefetch = 0 : i64, scratch_operands = 8 : i64, tpu.core_type = #tpu.core_type<sc_vector_subcore>, window_params = [{transform_indices = #map}, {transform_indices = #map1}, {transform_indices = #map1}, {transform_indices = #map}, {transform_indices = #map1}]} {
    %mul3A = arith.constant 2 : i32
    %mul3A_0 = arith.muli %arg1, %mul3A : i32
    %add3A = arith.addi %mul3A_0, %arg0 : i32
    %mul3A_1 = arith.constant 640 : i32
    %mul3A_2 = arith.muli %arg1, %mul3A_1 : i32
    "tpu.region"() ({
      %run_scoped3A_42 = tpu.sem_alloc : memref<!tpu.dma_semaphore, #tpu.memory_space<semaphore_mem>>
      %dma_start3A_43 = arith.constant 0 : i32
      %dma_start3A_44 = tpu.memref_slice %arg5[%mul3A_2, %dma_start3A_43] : memref<10240x64xbf16, #tpu.memory_space<hbm>> -> memref<640x64xbf16, #tpu.memory_space<hbm>>
      %dma_start3A_45 = arith.constant 0 : i32
      %dma_start3A_46 = tpu.memref_slice %arg5[%mul3A_2, %dma_start3A_45] : memref<10240x64xbf16, #tpu.memory_space<hbm>> -> memref<640x64xbf16, #tpu.memory_space<hbm>>
      tpu.enqueue_dma source(%dma_start3A_46 : memref<640x64xbf16, #tpu.memory_space<hbm>>) target(%arg11 : memref<640x64xbf16, #tpu.memory_space<vmem>>) target_semaphore(%run_scoped3A_42 : memref<!tpu.dma_semaphore, #tpu.memory_space<semaphore_mem>>)
      %dma_wait3A_47 = arith.constant 0 : i32
      %dma_wait3A_48 = tpu.memref_slice %arg5[%mul3A_2, %dma_wait3A_47] : memref<10240x64xbf16, #tpu.memory_space<hbm>> -> memref<640x64xbf16, #tpu.memory_space<hbm>>
      %dma_wait3A_49 = arith.constant 0 : i32
      %dma_wait3A_50 = tpu.memref_slice %arg5[%mul3A_2, %dma_wait3A_49] : memref<10240x64xbf16, #tpu.memory_space<hbm>> -> memref<640x64xbf16, #tpu.memory_space<hbm>>
      tpu.wait_dma2 semaphore(%run_scoped3A_42 : memref<!tpu.dma_semaphore, #tpu.memory_space<semaphore_mem>>) src(%dma_wait3A_50 : memref<640x64xbf16, #tpu.memory_space<hbm>>) dst(%arg11 : memref<640x64xbf16, #tpu.memory_space<vmem>>)
      tpu.yield
    }) : () -> ()
    %mul3A_3 = arith.constant 640 : i32
    %mul3A_4 = arith.muli %arg1, %mul3A_3 : i32
    "tpu.region"() ({
      %run_scoped3A_42 = tpu.sem_alloc : memref<!tpu.dma_semaphore, #tpu.memory_space<semaphore_mem>>
      %dma_start3A_43 = arith.constant 0 : i32
      %dma_start3A_44 = tpu.memref_slice %arg12[%mul3A_4, %dma_start3A_43] : memref<10240x64xbf16, #tpu.memory_space<vmem_shared>> -> memref<640x64xbf16, #tpu.memory_space<vmem_shared>>
      %dma_start3A_45 = arith.constant 0 : i32
      %dma_start3A_46 = tpu.memref_slice %arg12[%mul3A_4, %dma_start3A_45] : memref<10240x64xbf16, #tpu.memory_space<vmem_shared>> -> memref<640x64xbf16, #tpu.memory_space<vmem_shared>>
      tpu.enqueue_dma source(%arg11 : memref<640x64xbf16, #tpu.memory_space<vmem>>) target(%dma_start3A_46 : memref<640x64xbf16, #tpu.memory_space<vmem_shared>>) target_semaphore(%run_scoped3A_42 : memref<!tpu.dma_semaphore, #tpu.memory_space<semaphore_mem>>)
      %dma_wait3A_47 = arith.constant 0 : i32
      %dma_wait3A_48 = tpu.memref_slice %arg12[%mul3A_4, %dma_wait3A_47] : memref<10240x64xbf16, #tpu.memory_space<vmem_shared>> -> memref<640x64xbf16, #tpu.memory_space<vmem_shared>>
      %dma_wait3A_49 = arith.constant 0 : i32
      %dma_wait3A_50 = tpu.memref_slice %arg12[%mul3A_4, %dma_wait3A_49] : memref<10240x64xbf16, #tpu.memory_space<vmem_shared>> -> memref<640x64xbf16, #tpu.memory_space<vmem_shared>>
      tpu.wait_dma2 semaphore(%run_scoped3A_42 : memref<!tpu.dma_semaphore, #tpu.memory_space<semaphore_mem>>) src(%arg11 : memref<640x64xbf16, #tpu.memory_space<vmem>>) dst(%dma_wait3A_50 : memref<640x64xbf16, #tpu.memory_space<vmem_shared>>)
      tpu.yield
    }) : () -> ()
    "tpu.region"() ({
      %run_scoped3A_42 = tpu.sem_alloc : memref<!tpu.dma_semaphore, #tpu.memory_space<semaphore_mem>>
      %dma_start3A_43 = arith.constant 0 : i32
      %dma_start3A_44 = arith.constant 0 : i32
      %dma_start3A_45 = tpu.memref_slice %arg3[%add3A, %dma_start3A_43, %dma_start3A_44] : memref<32x10x1000xi32, #tpu.memory_space<hbm>> -> memref<1x10x1000xi32, #tpu.memory_space<hbm>>
      %dma_start3A_46 = tpu.memref_squeeze %dma_start3A_45 : memref<1x10x1000xi32, #tpu.memory_space<hbm>> -> memref<10x1000xi32, #tpu.memory_space<hbm>>
      %dma_start3A_47 = arith.constant 0 : i32
      %dma_start3A_48 = arith.constant 0 : i32
      %dma_start3A_49 = tpu.memref_slice %arg3[%add3A, %dma_start3A_47, %dma_start3A_48] : memref<32x10x1000xi32, #tpu.memory_space<hbm>> -> memref<1x10x1000xi32, #tpu.memory_space<hbm>>
      %dma_start3A_50 = tpu.memref_squeeze %dma_start3A_49 : memref<1x10x1000xi32, #tpu.memory_space<hbm>> -> memref<10x1000xi32, #tpu.memory_space<hbm>>
      tpu.enqueue_dma source(%dma_start3A_50 : memref<10x1000xi32, #tpu.memory_space<hbm>>) target(%arg7 : memref<10x1000xi32, #tpu.memory_space<vmem>>) target_semaphore(%run_scoped3A_42 : memref<!tpu.dma_semaphore, #tpu.memory_space<semaphore_mem>>)
      %dma_wait3A_51 = arith.constant 0 : i32
      %dma_wait3A_52 = arith.constant 0 : i32
      %dma_wait3A_53 = tpu.memref_slice %arg3[%add3A, %dma_wait3A_51, %dma_wait3A_52] : memref<32x10x1000xi32, #tpu.memory_space<hbm>> -> memref<1x10x1000xi32, #tpu.memory_space<hbm>>
      %dma_wait3A_54 = tpu.memref_squeeze %dma_wait3A_53 : memref<1x10x1000xi32, #tpu.memory_space<hbm>> -> memref<10x1000xi32, #tpu.memory_space<hbm>>
      %dma_wait3A_55 = arith.constant 0 : i32
      %dma_wait3A_56 = arith.constant 0 : i32
      %dma_wait3A_57 = tpu.memref_slice %arg3[%add3A, %dma_wait3A_55, %dma_wait3A_56] : memref<32x10x1000xi32, #tpu.memory_space<hbm>> -> memref<1x10x1000xi32, #tpu.memory_space<hbm>>
      %dma_wait3A_58 = tpu.memref_squeeze %dma_wait3A_57 : memref<1x10x1000xi32, #tpu.memory_space<hbm>> -> memref<10x1000xi32, #tpu.memory_space<hbm>>
      tpu.wait_dma2 semaphore(%run_scoped3A_42 : memref<!tpu.dma_semaphore, #tpu.memory_space<semaphore_mem>>) src(%dma_wait3A_58 : memref<10x1000xi32, #tpu.memory_space<hbm>>) dst(%arg7 : memref<10x1000xi32, #tpu.memory_space<vmem>>)
      tpu.yield
    }) : () -> ()
    "tpu.region"() ({
      %run_scoped3A_42 = tpu.sem_alloc : memref<!tpu.dma_semaphore, #tpu.memory_space<semaphore_mem>>
      %dma_start3A_43 = arith.constant 0 : i32
      %dma_start3A_44 = arith.constant 0 : i32
      %dma_start3A_45 = tpu.memref_slice %arg4[%add3A, %dma_start3A_43, %dma_start3A_44] : memref<32x10x1000xi32, #tpu.memory_space<hbm>> -> memref<1x10x1000xi32, #tpu.memory_space<hbm>>
      %dma_start3A_46 = tpu.memref_squeeze %dma_start3A_45 : memref<1x10x1000xi32, #tpu.memory_space<hbm>> -> memref<10x1000xi32, #tpu.memory_space<hbm>>
      %dma_start3A_47 = arith.constant 0 : i32
      %dma_start3A_48 = arith.constant 0 : i32
      %dma_start3A_49 = tpu.memref_slice %arg4[%add3A, %dma_start3A_47, %dma_start3A_48] : memref<32x10x1000xi32, #tpu.memory_space<hbm>> -> memref<1x10x1000xi32, #tpu.memory_space<hbm>>
      %dma_start3A_50 = tpu.memref_squeeze %dma_start3A_49 : memref<1x10x1000xi32, #tpu.memory_space<hbm>> -> memref<10x1000xi32, #tpu.memory_space<hbm>>
      tpu.enqueue_dma source(%dma_start3A_50 : memref<10x1000xi32, #tpu.memory_space<hbm>>) target(%arg8 : memref<10x1000xi32, #tpu.memory_space<vmem>>) target_semaphore(%run_scoped3A_42 : memref<!tpu.dma_semaphore, #tpu.memory_space<semaphore_mem>>)
      %dma_wait3A_51 = arith.constant 0 : i32
      %dma_wait3A_52 = arith.constant 0 : i32
      %dma_wait3A_53 = tpu.memref_slice %arg4[%add3A, %dma_wait3A_51, %dma_wait3A_52] : memref<32x10x1000xi32, #tpu.memory_space<hbm>> -> memref<1x10x1000xi32, #tpu.memory_space<hbm>>
      %dma_wait3A_54 = tpu.memref_squeeze %dma_wait3A_53 : memref<1x10x1000xi32, #tpu.memory_space<hbm>> -> memref<10x1000xi32, #tpu.memory_space<hbm>>
      %dma_wait3A_55 = arith.constant 0 : i32
      %dma_wait3A_56 = arith.constant 0 : i32
      %dma_wait3A_57 = tpu.memref_slice %arg4[%add3A, %dma_wait3A_55, %dma_wait3A_56] : memref<32x10x1000xi32, #tpu.memory_space<hbm>> -> memref<1x10x1000xi32, #tpu.memory_space<hbm>>
      %dma_wait3A_58 = tpu.memref_squeeze %dma_wait3A_57 : memref<1x10x1000xi32, #tpu.memory_space<hbm>> -> memref<10x1000xi32, #tpu.memory_space<hbm>>
      tpu.wait_dma2 semaphore(%run_scoped3A_42 : memref<!tpu.dma_semaphore, #tpu.memory_space<semaphore_mem>>) src(%dma_wait3A_58 : memref<10x1000xi32, #tpu.memory_space<hbm>>) dst(%arg8 : memref<10x1000xi32, #tpu.memory_space<vmem>>)
      tpu.yield
    }) : () -> ()
    %dma_start3A = arith.constant 0 : i32
    %dma_start3A_5 = arith.constant 0 : i32
    %dma_start3A_6 = tpu.memref_slice %arg7[%dma_start3A, %dma_start3A_5] : memref<10x1000xi32, #tpu.memory_space<vmem>> -> memref<1x1000xi32, #tpu.memory_space<vmem>>
    %dma_start3A_7 = tpu.memref_squeeze %dma_start3A_6 : memref<1x1000xi32, #tpu.memory_space<vmem>> -> memref<1000xi32, #tpu.memory_space<vmem>>
    %dma_start3A_8 = arith.constant 0 : i32
    %dma_start3A_9 = arith.constant 0 : i32
    %dma_start3A_10 = tpu.memref_slice %arg2[%dma_start3A_8, %dma_start3A_9] : memref<10240x64xbf16, #tpu.memory_space<hbm>> -> memref<10240x64xbf16, #tpu.memory_space<hbm>>
    tpu.enqueue_indirect_dma source(%dma_start3A_10 : memref<10240x64xbf16, #tpu.memory_space<hbm>>) target(%arg9 : memref<1000x64xbf16, #tpu.memory_space<vmem>>) offsets(%dma_start3A_7 : memref<1000xi32, #tpu.memory_space<vmem>>) semaphore(%arg13 : memref<!tpu.dma_semaphore, #tpu.memory_space<semaphore_mem>>)
    %barrier3A = arith.constant 0 : index
    tpu.barrier barrier_id(%barrier3A)
    %scan3A = arith.constant 0 : i32
    %scan3A_11 = arith.constant 0 : i32
    %scan3A_12 = arith.constant 4 : i32
    %scan3A_13 = arith.addi %scan3A_11, %scan3A_12 : i32
    %scan3A_14 = arith.constant 1 : i32
    scf.for %scan3A_42 = %scan3A_11 to %scan3A_13 step %scan3A_14  : i32 {
      %mul3A_43 = arith.constant 2 : i32
      %mul3A_44 = arith.muli %mul3A_43, %scan3A_42 : i32
      %add3A_45 = arith.constant 1 : i32
      %add3A_46 = arith.addi %mul3A_44, %add3A_45 : i32
      %dma_start3A_47 = arith.constant 0 : i32
      %dma_start3A_48 = tpu.memref_slice %arg7[%add3A_46, %dma_start3A_47] : memref<10x1000xi32, #tpu.memory_space<vmem>> -> memref<1x1000xi32, #tpu.memory_space<vmem>>
      %dma_start3A_49 = tpu.memref_squeeze %dma_start3A_48 : memref<1x1000xi32, #tpu.memory_space<vmem>> -> memref<1000xi32, #tpu.memory_space<vmem>>
      %dma_start3A_50 = arith.constant 0 : i32
      %dma_start3A_51 = arith.constant 0 : i32
      %dma_start3A_52 = tpu.memref_slice %arg2[%dma_start3A_50, %dma_start3A_51] : memref<10240x64xbf16, #tpu.memory_space<hbm>> -> memref<10240x64xbf16, #tpu.memory_space<hbm>>
      tpu.enqueue_indirect_dma source(%dma_start3A_52 : memref<10240x64xbf16, #tpu.memory_space<hbm>>) target(%arg10 : memref<1000x64xbf16, #tpu.memory_space<vmem>>) offsets(%dma_start3A_49 : memref<1000xi32, #tpu.memory_space<vmem>>) semaphore(%arg14 : memref<!tpu.dma_semaphore, #tpu.memory_space<semaphore_mem>>)
      %dma_wait3A_53 = arith.constant 0 : i32
      %dma_wait3A_54 = tpu.memref_slice %arg7[%mul3A_44, %dma_wait3A_53] : memref<10x1000xi32, #tpu.memory_space<vmem>> -> memref<1x1000xi32, #tpu.memory_space<vmem>>
      %dma_wait3A_55 = tpu.memref_squeeze %dma_wait3A_54 : memref<1x1000xi32, #tpu.memory_space<vmem>> -> memref<1000xi32, #tpu.memory_space<vmem>>
      %dma_wait3A_56 = arith.constant 0 : i32
      %dma_wait3A_57 = arith.constant 0 : i32
      %dma_wait3A_58 = tpu.memref_slice %arg2[%dma_wait3A_56, %dma_wait3A_57] : memref<10240x64xbf16, #tpu.memory_space<hbm>> -> memref<10240x64xbf16, #tpu.memory_space<hbm>>
      tpu.wait_indirect_dma semaphore(%arg13 : memref<!tpu.dma_semaphore, #tpu.memory_space<semaphore_mem>>) src(%dma_wait3A_58 : memref<10240x64xbf16, #tpu.memory_space<hbm>>) dst(%arg9 : memref<1000x64xbf16, #tpu.memory_space<vmem>>)
      "tpu.region"() ({
        %run_scoped3A_77 = tpu.sem_alloc : memref<!tpu.dma_semaphore, #tpu.memory_space<semaphore_mem>>
        %dma_start3A_78 = arith.constant 0 : i32
        %dma_start3A_79 = tpu.memref_slice %arg8[%mul3A_44, %dma_start3A_78] : memref<10x1000xi32, #tpu.memory_space<vmem>> -> memref<1x1000xi32, #tpu.memory_space<vmem>>
        %dma_start3A_80 = tpu.memref_squeeze %dma_start3A_79 : memref<1x1000xi32, #tpu.memory_space<vmem>> -> memref<1000xi32, #tpu.memory_space<vmem>>
        %dma_start3A_81 = arith.constant 0 : i32
        %dma_start3A_82 = arith.constant 0 : i32
        %dma_start3A_83 = tpu.memref_slice %arg12[%dma_start3A_81, %dma_start3A_82] : memref<10240x64xbf16, #tpu.memory_space<vmem_shared>> -> memref<10240x64xbf16, #tpu.memory_space<vmem_shared>>
        tpu.enqueue_indirect_dma source(%arg9 : memref<1000x64xbf16, #tpu.memory_space<vmem>>) target(%dma_start3A_83 : memref<10240x64xbf16, #tpu.memory_space<vmem_shared>>) offsets(%dma_start3A_80 : memref<1000xi32, #tpu.memory_space<vmem>>) semaphore(%run_scoped3A_77 : memref<!tpu.dma_semaphore, #tpu.memory_space<semaphore_mem>>) {add = true}
        %dma_wait3A_84 = arith.constant 0 : i32
        %dma_wait3A_85 = tpu.memref_slice %arg8[%mul3A_44, %dma_wait3A_84] : memref<10x1000xi32, #tpu.memory_space<vmem>> -> memref<1x1000xi32, #tpu.memory_space<vmem>>
        %dma_wait3A_86 = tpu.memref_squeeze %dma_wait3A_85 : memref<1x1000xi32, #tpu.memory_space<vmem>> -> memref<1000xi32, #tpu.memory_space<vmem>>
        %dma_wait3A_87 = arith.constant 0 : i32
        %dma_wait3A_88 = arith.constant 0 : i32
        %dma_wait3A_89 = tpu.memref_slice %arg12[%dma_wait3A_87, %dma_wait3A_88] : memref<10240x64xbf16, #tpu.memory_space<vmem_shared>> -> memref<10240x64xbf16, #tpu.memory_space<vmem_shared>>
        tpu.wait_indirect_dma semaphore(%run_scoped3A_77 : memref<!tpu.dma_semaphore, #tpu.memory_space<semaphore_mem>>) src(%arg9 : memref<1000x64xbf16, #tpu.memory_space<vmem>>) dst(%dma_wait3A_89 : memref<10240x64xbf16, #tpu.memory_space<vmem_shared>>)
        tpu.yield
      }) : () -> ()
      %add3A_59 = arith.constant 2 : i32
      %add3A_60 = arith.addi %mul3A_44, %add3A_59 : i32
      %dma_start3A_61 = arith.constant 0 : i32
      %dma_start3A_62 = tpu.memref_slice %arg7[%add3A_60, %dma_start3A_61] : memref<10x1000xi32, #tpu.memory_space<vmem>> -> memref<1x1000xi32, #tpu.memory_space<vmem>>
      %dma_start3A_63 = tpu.memref_squeeze %dma_start3A_62 : memref<1x1000xi32, #tpu.memory_space<vmem>> -> memref<1000xi32, #tpu.memory_space<vmem>>
      %dma_start3A_64 = arith.constant 0 : i32
      %dma_start3A_65 = arith.constant 0 : i32
      %dma_start3A_66 = tpu.memref_slice %arg2[%dma_start3A_64, %dma_start3A_65] : memref<10240x64xbf16, #tpu.memory_space<hbm>> -> memref<10240x64xbf16, #tpu.memory_space<hbm>>
      tpu.enqueue_indirect_dma source(%dma_start3A_66 : memref<10240x64xbf16, #tpu.memory_space<hbm>>) target(%arg9 : memref<1000x64xbf16, #tpu.memory_space<vmem>>) offsets(%dma_start3A_63 : memref<1000xi32, #tpu.memory_space<vmem>>) semaphore(%arg13 : memref<!tpu.dma_semaphore, #tpu.memory_space<semaphore_mem>>)
      %add3A_67 = arith.constant 1 : i32
      %add3A_68 = arith.addi %mul3A_44, %add3A_67 : i32
      %dma_wait3A_69 = arith.constant 0 : i32
      %dma_wait3A_70 = tpu.memref_slice %arg7[%add3A_68, %dma_wait3A_69] : memref<10x1000xi32, #tpu.memory_space<vmem>> -> memref<1x1000xi32, #tpu.memory_space<vmem>>
      %dma_wait3A_71 = tpu.memref_squeeze %dma_wait3A_70 : memref<1x1000xi32, #tpu.memory_space<vmem>> -> memref<1000xi32, #tpu.memory_space<vmem>>
      %dma_wait3A_72 = arith.constant 0 : i32
      %dma_wait3A_73 = arith.constant 0 : i32
      %dma_wait3A_74 = tpu.memref_slice %arg2[%dma_wait3A_72, %dma_wait3A_73] : memref<10240x64xbf16, #tpu.memory_space<hbm>> -> memref<10240x64xbf16, #tpu.memory_space<hbm>>
      tpu.wait_indirect_dma semaphore(%arg14 : memref<!tpu.dma_semaphore, #tpu.memory_space<semaphore_mem>>) src(%dma_wait3A_74 : memref<10240x64xbf16, #tpu.memory_space<hbm>>) dst(%arg10 : memref<1000x64xbf16, #tpu.memory_space<vmem>>)
      %add3A_75 = arith.constant 1 : i32
      %add3A_76 = arith.addi %mul3A_44, %add3A_75 : i32
      "tpu.region"() ({
        %run_scoped3A_77 = tpu.sem_alloc : memref<!tpu.dma_semaphore, #tpu.memory_space<semaphore_mem>>
        %dma_start3A_78 = arith.constant 0 : i32
        %dma_start3A_79 = tpu.memref_slice %arg8[%add3A_76, %dma_start3A_78] : memref<10x1000xi32, #tpu.memory_space<vmem>> -> memref<1x1000xi32, #tpu.memory_space<vmem>>
        %dma_start3A_80 = tpu.memref_squeeze %dma_start3A_79 : memref<1x1000xi32, #tpu.memory_space<vmem>> -> memref<1000xi32, #tpu.memory_space<vmem>>
        %dma_start3A_81 = arith.constant 0 : i32
        %dma_start3A_82 = arith.constant 0 : i32
        %dma_start3A_83 = tpu.memref_slice %arg12[%dma_start3A_81, %dma_start3A_82] : memref<10240x64xbf16, #tpu.memory_space<vmem_shared>> -> memref<10240x64xbf16, #tpu.memory_space<vmem_shared>>
        tpu.enqueue_indirect_dma source(%arg10 : memref<1000x64xbf16, #tpu.memory_space<vmem>>) target(%dma_start3A_83 : memref<10240x64xbf16, #tpu.memory_space<vmem_shared>>) offsets(%dma_start3A_80 : memref<1000xi32, #tpu.memory_space<vmem>>) semaphore(%run_scoped3A_77 : memref<!tpu.dma_semaphore, #tpu.memory_space<semaphore_mem>>) {add = true}
        %dma_wait3A_84 = arith.constant 0 : i32
        %dma_wait3A_85 = tpu.memref_slice %arg8[%add3A_76, %dma_wait3A_84] : memref<10x1000xi32, #tpu.memory_space<vmem>> -> memref<1x1000xi32, #tpu.memory_space<vmem>>
        %dma_wait3A_86 = tpu.memref_squeeze %dma_wait3A_85 : memref<1x1000xi32, #tpu.memory_space<vmem>> -> memref<1000xi32, #tpu.memory_space<vmem>>
        %dma_wait3A_87 = arith.constant 0 : i32
        %dma_wait3A_88 = arith.constant 0 : i32
        %dma_wait3A_89 = tpu.memref_slice %arg12[%dma_wait3A_87, %dma_wait3A_88] : memref<10240x64xbf16, #tpu.memory_space<vmem_shared>> -> memref<10240x64xbf16, #tpu.memory_space<vmem_shared>>
        tpu.wait_indirect_dma semaphore(%run_scoped3A_77 : memref<!tpu.dma_semaphore, #tpu.memory_space<semaphore_mem>>) src(%arg10 : memref<1000x64xbf16, #tpu.memory_space<vmem>>) dst(%dma_wait3A_89 : memref<10240x64xbf16, #tpu.memory_space<vmem_shared>>)
        tpu.yield
      }) : () -> ()
    }
    %scan3A_15 = arith.constant 4 : i32
    %dma_start3A_16 = arith.constant 9 : i32
    %dma_start3A_17 = arith.constant 0 : i32
    %dma_start3A_18 = tpu.memref_slice %arg7[%dma_start3A_16, %dma_start3A_17] : memref<10x1000xi32, #tpu.memory_space<vmem>> -> memref<1x1000xi32, #tpu.memory_space<vmem>>
    %dma_start3A_19 = tpu.memref_squeeze %dma_start3A_18 : memref<1x1000xi32, #tpu.memory_space<vmem>> -> memref<1000xi32, #tpu.memory_space<vmem>>
    %dma_start3A_20 = arith.constant 0 : i32
    %dma_start3A_21 = arith.constant 0 : i32
    %dma_start3A_22 = tpu.memref_slice %arg2[%dma_start3A_20, %dma_start3A_21] : memref<10240x64xbf16, #tpu.memory_space<hbm>> -> memref<10240x64xbf16, #tpu.memory_space<hbm>>
    tpu.enqueue_indirect_dma source(%dma_start3A_22 : memref<10240x64xbf16, #tpu.memory_space<hbm>>) target(%arg10 : memref<1000x64xbf16, #tpu.memory_space<vmem>>) offsets(%dma_start3A_19 : memref<1000xi32, #tpu.memory_space<vmem>>) semaphore(%arg14 : memref<!tpu.dma_semaphore, #tpu.memory_space<semaphore_mem>>)
    %dma_wait3A = arith.constant 8 : i32
    %dma_wait3A_23 = arith.constant 0 : i32
    %dma_wait3A_24 = tpu.memref_slice %arg7[%dma_wait3A, %dma_wait3A_23] : memref<10x1000xi32, #tpu.memory_space<vmem>> -> memref<1x1000xi32, #tpu.memory_space<vmem>>
    %dma_wait3A_25 = tpu.memref_squeeze %dma_wait3A_24 : memref<1x1000xi32, #tpu.memory_space<vmem>> -> memref<1000xi32, #tpu.memory_space<vmem>>
    %dma_wait3A_26 = arith.constant 0 : i32
    %dma_wait3A_27 = arith.constant 0 : i32
    %dma_wait3A_28 = tpu.memref_slice %arg2[%dma_wait3A_26, %dma_wait3A_27] : memref<10240x64xbf16, #tpu.memory_space<hbm>> -> memref<10240x64xbf16, #tpu.memory_space<hbm>>
    tpu.wait_indirect_dma semaphore(%arg13 : memref<!tpu.dma_semaphore, #tpu.memory_space<semaphore_mem>>) src(%dma_wait3A_28 : memref<10240x64xbf16, #tpu.memory_space<hbm>>) dst(%arg9 : memref<1000x64xbf16, #tpu.memory_space<vmem>>)
    %run_scoped3A = arith.constant 8 : i32
    "tpu.region"() ({
      %run_scoped3A_42 = tpu.sem_alloc : memref<!tpu.dma_semaphore, #tpu.memory_space<semaphore_mem>>
      %dma_start3A_43 = arith.constant 0 : i32
      %dma_start3A_44 = tpu.memref_slice %arg8[%run_scoped3A, %dma_start3A_43] : memref<10x1000xi32, #tpu.memory_space<vmem>> -> memref<1x1000xi32, #tpu.memory_space<vmem>>
      %dma_start3A_45 = tpu.memref_squeeze %dma_start3A_44 : memref<1x1000xi32, #tpu.memory_space<vmem>> -> memref<1000xi32, #tpu.memory_space<vmem>>
      %dma_start3A_46 = arith.constant 0 : i32
      %dma_start3A_47 = arith.constant 0 : i32
      %dma_start3A_48 = tpu.memref_slice %arg12[%dma_start3A_46, %dma_start3A_47] : memref<10240x64xbf16, #tpu.memory_space<vmem_shared>> -> memref<10240x64xbf16, #tpu.memory_space<vmem_shared>>
      tpu.enqueue_indirect_dma source(%arg9 : memref<1000x64xbf16, #tpu.memory_space<vmem>>) target(%dma_start3A_48 : memref<10240x64xbf16, #tpu.memory_space<vmem_shared>>) offsets(%dma_start3A_45 : memref<1000xi32, #tpu.memory_space<vmem>>) semaphore(%run_scoped3A_42 : memref<!tpu.dma_semaphore, #tpu.memory_space<semaphore_mem>>) {add = true}
      %dma_wait3A_49 = arith.constant 0 : i32
      %dma_wait3A_50 = tpu.memref_slice %arg8[%run_scoped3A, %dma_wait3A_49] : memref<10x1000xi32, #tpu.memory_space<vmem>> -> memref<1x1000xi32, #tpu.memory_space<vmem>>
      %dma_wait3A_51 = tpu.memref_squeeze %dma_wait3A_50 : memref<1x1000xi32, #tpu.memory_space<vmem>> -> memref<1000xi32, #tpu.memory_space<vmem>>
      %dma_wait3A_52 = arith.constant 0 : i32
      %dma_wait3A_53 = arith.constant 0 : i32
      %dma_wait3A_54 = tpu.memref_slice %arg12[%dma_wait3A_52, %dma_wait3A_53] : memref<10240x64xbf16, #tpu.memory_space<vmem_shared>> -> memref<10240x64xbf16, #tpu.memory_space<vmem_shared>>
      tpu.wait_indirect_dma semaphore(%run_scoped3A_42 : memref<!tpu.dma_semaphore, #tpu.memory_space<semaphore_mem>>) src(%arg9 : memref<1000x64xbf16, #tpu.memory_space<vmem>>) dst(%dma_wait3A_54 : memref<10240x64xbf16, #tpu.memory_space<vmem_shared>>)
      tpu.yield
    }) : () -> ()
    %dma_wait3A_29 = arith.constant 9 : i32
    %dma_wait3A_30 = arith.constant 0 : i32
    %dma_wait3A_31 = tpu.memref_slice %arg7[%dma_wait3A_29, %dma_wait3A_30] : memref<10x1000xi32, #tpu.memory_space<vmem>> -> memref<1x1000xi32, #tpu.memory_space<vmem>>
    %dma_wait3A_32 = tpu.memref_squeeze %dma_wait3A_31 : memref<1x1000xi32, #tpu.memory_space<vmem>> -> memref<1000xi32, #tpu.memory_space<vmem>>
    %dma_wait3A_33 = arith.constant 0 : i32
    %dma_wait3A_34 = arith.constant 0 : i32
    %dma_wait3A_35 = tpu.memref_slice %arg2[%dma_wait3A_33, %dma_wait3A_34] : memref<10240x64xbf16, #tpu.memory_space<hbm>> -> memref<10240x64xbf16, #tpu.memory_space<hbm>>
    tpu.wait_indirect_dma semaphore(%arg14 : memref<!tpu.dma_semaphore, #tpu.memory_space<semaphore_mem>>) src(%dma_wait3A_35 : memref<10240x64xbf16, #tpu.memory_space<hbm>>) dst(%arg10 : memref<1000x64xbf16, #tpu.memory_space<vmem>>)
    %run_scoped3A_36 = arith.constant 9 : i32
    "tpu.region"() ({
      %run_scoped3A_42 = tpu.sem_alloc : memref<!tpu.dma_semaphore, #tpu.memory_space<semaphore_mem>>
      %dma_start3A_43 = arith.constant 0 : i32
      %dma_start3A_44 = tpu.memref_slice %arg8[%run_scoped3A_36, %dma_start3A_43] : memref<10x1000xi32, #tpu.memory_space<vmem>> -> memref<1x1000xi32, #tpu.memory_space<vmem>>
      %dma_start3A_45 = tpu.memref_squeeze %dma_start3A_44 : memref<1x1000xi32, #tpu.memory_space<vmem>> -> memref<1000xi32, #tpu.memory_space<vmem>>
      %dma_start3A_46 = arith.constant 0 : i32
      %dma_start3A_47 = arith.constant 0 : i32
      %dma_start3A_48 = tpu.memref_slice %arg12[%dma_start3A_46, %dma_start3A_47] : memref<10240x64xbf16, #tpu.memory_space<vmem_shared>> -> memref<10240x64xbf16, #tpu.memory_space<vmem_shared>>
      tpu.enqueue_indirect_dma source(%arg10 : memref<1000x64xbf16, #tpu.memory_space<vmem>>) target(%dma_start3A_48 : memref<10240x64xbf16, #tpu.memory_space<vmem_shared>>) offsets(%dma_start3A_45 : memref<1000xi32, #tpu.memory_space<vmem>>) semaphore(%run_scoped3A_42 : memref<!tpu.dma_semaphore, #tpu.memory_space<semaphore_mem>>) {add = true}
      %dma_wait3A_49 = arith.constant 0 : i32
      %dma_wait3A_50 = tpu.memref_slice %arg8[%run_scoped3A_36, %dma_wait3A_49] : memref<10x1000xi32, #tpu.memory_space<vmem>> -> memref<1x1000xi32, #tpu.memory_space<vmem>>
      %dma_wait3A_51 = tpu.memref_squeeze %dma_wait3A_50 : memref<1x1000xi32, #tpu.memory_space<vmem>> -> memref<1000xi32, #tpu.memory_space<vmem>>
      %dma_wait3A_52 = arith.constant 0 : i32
      %dma_wait3A_53 = arith.constant 0 : i32
      %dma_wait3A_54 = tpu.memref_slice %arg12[%dma_wait3A_52, %dma_wait3A_53] : memref<10240x64xbf16, #tpu.memory_space<vmem_shared>> -> memref<10240x64xbf16, #tpu.memory_space<vmem_shared>>
      tpu.wait_indirect_dma semaphore(%run_scoped3A_42 : memref<!tpu.dma_semaphore, #tpu.memory_space<semaphore_mem>>) src(%arg10 : memref<1000x64xbf16, #tpu.memory_space<vmem>>) dst(%dma_wait3A_54 : memref<10240x64xbf16, #tpu.memory_space<vmem_shared>>)
      tpu.yield
    }) : () -> ()
    %barrier3A_37 = arith.constant 0 : index
    tpu.barrier barrier_id(%barrier3A_37)
    %mul3A_38 = arith.constant 640 : i32
    %mul3A_39 = arith.muli %arg1, %mul3A_38 : i32
    "tpu.region"() ({
      %run_scoped3A_42 = tpu.sem_alloc : memref<!tpu.dma_semaphore, #tpu.memory_space<semaphore_mem>>
      %dma_start3A_43 = arith.constant 0 : i32
      %dma_start3A_44 = tpu.memref_slice %arg12[%mul3A_39, %dma_start3A_43] : memref<10240x64xbf16, #tpu.memory_space<vmem_shared>> -> memref<640x64xbf16, #tpu.memory_space<vmem_shared>>
      %dma_start3A_45 = arith.constant 0 : i32
      %dma_start3A_46 = tpu.memref_slice %arg12[%mul3A_39, %dma_start3A_45] : memref<10240x64xbf16, #tpu.memory_space<vmem_shared>> -> memref<640x64xbf16, #tpu.memory_space<vmem_shared>>
      tpu.enqueue_dma source(%dma_start3A_46 : memref<640x64xbf16, #tpu.memory_space<vmem_shared>>) target(%arg11 : memref<640x64xbf16, #tpu.memory_space<vmem>>) target_semaphore(%run_scoped3A_42 : memref<!tpu.dma_semaphore, #tpu.memory_space<semaphore_mem>>)
      %dma_wait3A_47 = arith.constant 0 : i32
      %dma_wait3A_48 = tpu.memref_slice %arg12[%mul3A_39, %dma_wait3A_47] : memref<10240x64xbf16, #tpu.memory_space<vmem_shared>> -> memref<640x64xbf16, #tpu.memory_space<vmem_shared>>
      %dma_wait3A_49 = arith.constant 0 : i32
      %dma_wait3A_50 = tpu.memref_slice %arg12[%mul3A_39, %dma_wait3A_49] : memref<10240x64xbf16, #tpu.memory_space<vmem_shared>> -> memref<640x64xbf16, #tpu.memory_space<vmem_shared>>
      tpu.wait_dma2 semaphore(%run_scoped3A_42 : memref<!tpu.dma_semaphore, #tpu.memory_space<semaphore_mem>>) src(%dma_wait3A_50 : memref<640x64xbf16, #tpu.memory_space<vmem_shared>>) dst(%arg11 : memref<640x64xbf16, #tpu.memory_space<vmem>>)
      tpu.yield
    }) : () -> ()
    %mul3A_40 = arith.constant 640 : i32
    %mul3A_41 = arith.muli %arg1, %mul3A_40 : i32
    "tpu.region"() ({
      %run_scoped3A_42 = tpu.sem_alloc : memref<!tpu.dma_semaphore, #tpu.memory_space<semaphore_mem>>
      %dma_start3A_43 = arith.constant 0 : i32
      %dma_start3A_44 = tpu.memref_slice %arg6[%arg0, %mul3A_41, %dma_start3A_43] : memref<2x10240x64xbf16, #tpu.memory_space<hbm>> -> memref<1x640x64xbf16, #tpu.memory_space<hbm>>
      %dma_start3A_45 = tpu.memref_squeeze %dma_start3A_44 : memref<1x640x64xbf16, #tpu.memory_space<hbm>> -> memref<640x64xbf16, #tpu.memory_space<hbm>>
      %dma_start3A_46 = arith.constant 0 : i32
      %dma_start3A_47 = tpu.memref_slice %arg6[%arg0, %mul3A_41, %dma_start3A_46] : memref<2x10240x64xbf16, #tpu.memory_space<hbm>> -> memref<1x640x64xbf16, #tpu.memory_space<hbm>>
      %dma_start3A_48 = tpu.memref_squeeze %dma_start3A_47 : memref<1x640x64xbf16, #tpu.memory_space<hbm>> -> memref<640x64xbf16, #tpu.memory_space<hbm>>
      tpu.enqueue_dma source(%arg11 : memref<640x64xbf16, #tpu.memory_space<vmem>>) target(%dma_start3A_48 : memref<640x64xbf16, #tpu.memory_space<hbm>>) target_semaphore(%run_scoped3A_42 : memref<!tpu.dma_semaphore, #tpu.memory_space<semaphore_mem>>)
      %dma_wait3A_49 = arith.constant 0 : i32
      %dma_wait3A_50 = tpu.memref_slice %arg6[%arg0, %mul3A_41, %dma_wait3A_49] : memref<2x10240x64xbf16, #tpu.memory_space<hbm>> -> memref<1x640x64xbf16, #tpu.memory_space<hbm>>
      %dma_wait3A_51 = tpu.memref_squeeze %dma_wait3A_50 : memref<1x640x64xbf16, #tpu.memory_space<hbm>> -> memref<640x64xbf16, #tpu.memory_space<hbm>>
      %dma_wait3A_52 = arith.constant 0 : i32
      %dma_wait3A_53 = tpu.memref_slice %arg6[%arg0, %mul3A_41, %dma_wait3A_52] : memref<2x10240x64xbf16, #tpu.memory_space<hbm>> -> memref<1x640x64xbf16, #tpu.memory_space<hbm>>
      %dma_wait3A_54 = tpu.memref_squeeze %dma_wait3A_53 : memref<1x640x64xbf16, #tpu.memory_space<hbm>> -> memref<640x64xbf16, #tpu.memory_space<hbm>>
      tpu.wait_dma2 semaphore(%run_scoped3A_42 : memref<!tpu.dma_semaphore, #tpu.memory_space<semaphore_mem>>) src(%arg11 : memref<640x64xbf16, #tpu.memory_space<vmem>>) dst(%dma_wait3A_54 : memref<640x64xbf16, #tpu.memory_space<hbm>>)
      tpu.yield
    }) : () -> ()
    return
  }
}

module attributes {stable_mosaic.version = 14 : i64} {
  func.func @_proj_body(%arg0: i32, %arg1: memref<2048x128xf32, #tpu.memory_space<vmem>>, %arg2: memref<128x64xf32, #tpu.memory_space<vmem>>, %arg3: memref<1024x128xf32, #tpu.memory_space<vmem>>, %arg4: memref<1024x128xbf16, #tpu.memory_space<vmem>>) attributes {dimension_semantics = [#tpu.dimension_semantics<arbitrary>], iteration_bounds = array<i64: 5>, scalar_prefetch = 0 : i64, scratch_operands = 0 : i64, tpu.core_type = #tpu.core_type<tc>, window_params = [{transform_indices = @transform_0, window_bounds = array<i64: 2048, 128>}, {pipeline_mode = #tpu.pipeline_mode<synchronous>, transform_indices = @transform_1, window_bounds = array<i64: 128, 64>}, {transform_indices = @transform_2, window_bounds = array<i64: 1024, 128>}, {transform_indices = @transform_3, window_bounds = array<i64: 1024, 128>}]} {
    %get3A = arith.constant 0 : index
    %get3A_0 = arith.constant 0 : index
    %get3A_1 = vector.load %arg1[%get3A, %get3A_0] : memref<2048x128xf32, #tpu.memory_space<vmem>>, vector<2048x128xf32>
    %get3A_2 = arith.constant 0 : index
    %get3A_3 = arith.constant 0 : index
    %get3A_4 = vector.load %arg2[%get3A_2, %get3A_3] : memref<128x64xf32, #tpu.memory_space<vmem>>, vector<128x64xf32>
    %dot_general3A = arith.constant dense<0.000000e+00> : vector<2048x64xf32>
    %dot_general3A_5 = tpu.matmul %get3A_1, %get3A_4, %dot_general3A {dimension_numbers = #tpu.dot_dimension_numbers<[1], [0], [0], [1], [0, 0, 1, 1], [], []>, transpose_lhs_hint = false} : vector<2048x128xf32>, vector<128x64xf32>, vector<2048x64xf32> -> vector<2048x64xf32>
    %slice3A = vector.extract_strided_slice %dot_general3A_5 {offsets = [0, 0], sizes = [1024, 64], strides = [1, 1]} : vector<2048x64xf32> to vector<1024x64xf32>
    %slice3A_6 = vector.extract_strided_slice %dot_general3A_5 {offsets = [1024, 0], sizes = [1024, 64], strides = [1, 1]} : vector<2048x64xf32> to vector<1024x64xf32>
    %concatenate3A = tpu.concatenate %slice3A, %slice3A_6 in 1 : vector<1024x64xf32>, vector<1024x64xf32> -> vector<1024x128xf32>
    %swap3A = arith.constant 0 : index
    %swap3A_7 = arith.constant 0 : index
    %swap3A_8 = vector.load %arg3[%swap3A, %swap3A_7] : memref<1024x128xf32, #tpu.memory_space<vmem>>, vector<1024x128xf32>
    tpu.vector_store %arg3[%swap3A, %swap3A_7], %concatenate3A {strides = array<i32>} : memref<1024x128xf32, #tpu.memory_space<vmem>>, vector<1024x128xf32>,
    %convert_element_type3A = arith.truncf %concatenate3A : vector<1024x128xf32> to vector<1024x128xbf16>
    %swap3A_9 = arith.constant 0 : index
    %swap3A_10 = arith.constant 0 : index
    %swap3A_11 = vector.load %arg4[%swap3A_9, %swap3A_10] : memref<1024x128xbf16, #tpu.memory_space<vmem>>, vector<1024x128xbf16>
    tpu.vector_store %arg4[%swap3A_9, %swap3A_10], %convert_element_type3A {strides = array<i32>} : memref<1024x128xbf16, #tpu.memory_space<vmem>>, vector<1024x128xbf16>,
    return
  }
  func.func @transform_0(%arg0: i32) -> (i32, i32) {
    %c0_i32 = arith.constant 0 : i32
    %c0_i32_0 = arith.constant 0 : i32
    return %arg0, %c0_i32 : i32, i32
  }
  func.func @transform_1(%arg0: i32) -> (i32, i32) {
    %c0_i32 = arith.constant 0 : i32
    %c0_i32_0 = arith.constant 0 : i32
    %c0_i32_1 = arith.constant 0 : i32
    return %c0_i32, %c0_i32_0 : i32, i32
  }
  func.func @transform_2(%arg0: i32) -> (i32, i32) {
    %c0_i32 = arith.constant 0 : i32
    %c0_i32_0 = arith.constant 0 : i32
    return %arg0, %c0_i32 : i32, i32
  }
  func.func @transform_3(%arg0: i32) -> (i32, i32) {
    %c0_i32 = arith.constant 0 : i32
    %c0_i32_0 = arith.constant 0 : i32
    return %arg0, %c0_i32 : i32, i32
  }
}

module attributes {stable_mosaic.version = 14 : i64} {
  func.func @_mlp_body(%arg0: i32, %arg1: memref<1024x128xf32, #tpu.memory_space<vmem>>, %arg2: memref<2x1024x128xbf16, #tpu.memory_space<vmem>>, %arg3: memref<1x64xf32, #tpu.memory_space<vmem>>, %arg4: memref<64x64xf32, #tpu.memory_space<vmem>>, %arg5: memref<1x64xf32, #tpu.memory_space<vmem>>, %arg6: memref<64x64xf32, #tpu.memory_space<vmem>>, %arg7: memref<1x64xf32, #tpu.memory_space<vmem>>, %arg8: memref<64x64xf32, #tpu.memory_space<vmem>>, %arg9: memref<1024x128xf32, #tpu.memory_space<vmem>>, %arg10: memref<1024x128xbf16, #tpu.memory_space<vmem>>) attributes {dimension_semantics = [#tpu.dimension_semantics<arbitrary>], iteration_bounds = array<i64: 5>, scalar_prefetch = 0 : i64, scratch_operands = 0 : i64, tpu.core_type = #tpu.core_type<tc>, window_params = [{transform_indices = @transform_0, window_bounds = array<i64: 1024, 128>}, {transform_indices = @transform_1, window_bounds = array<i64: 2, 1024, 128>}, {pipeline_mode = #tpu.pipeline_mode<synchronous>, transform_indices = @transform_2, window_bounds = array<i64: 1, 64>}, {pipeline_mode = #tpu.pipeline_mode<synchronous>, transform_indices = @transform_3, window_bounds = array<i64: 64, 64>}, {pipeline_mode = #tpu.pipeline_mode<synchronous>, transform_indices = @transform_4, window_bounds = array<i64: 1, 64>}, {pipeline_mode = #tpu.pipeline_mode<synchronous>, transform_indices = @transform_5, window_bounds = array<i64: 64, 64>}, {pipeline_mode = #tpu.pipeline_mode<synchronous>, transform_indices = @transform_6, window_bounds = array<i64: 1, 64>}, {pipeline_mode = #tpu.pipeline_mode<synchronous>, transform_indices = @transform_7, window_bounds = array<i64: 64, 64>}, {transform_indices = @transform_8, window_bounds = array<i64: 1024, 128>}, {transform_indices = @transform_9, window_bounds = array<i64: 1024, 128>}]} {
    %get3A = arith.constant 0 : index
    %get3A_0 = arith.constant 0 : index
    %get3A_1 = vector.load %arg3[%get3A, %get3A_0] : memref<1x64xf32, #tpu.memory_space<vmem>>, vector<1x64xf32>
    %get3A_2 = arith.constant 0 : index
    %get3A_3 = arith.constant 0 : index
    %get3A_4 = arith.constant 0 : index
    %get3A_5 = vector.load %arg2[%get3A_2, %get3A_3, %get3A_4] : memref<2x1024x128xbf16, #tpu.memory_space<vmem>>, vector<1x1024x128xbf16>
    %get3A_6 = vector.shape_cast %get3A_5 : vector<1x1024x128xbf16> to vector<1024x128xbf16>
    %convert_element_type3A = arith.extf %get3A_6 : vector<1024x128xbf16> to vector<1024x128xf32>
    %get3A_7 = arith.constant 1 : index
    %get3A_8 = arith.constant 0 : index
    %get3A_9 = arith.constant 0 : index
    %get3A_10 = vector.load %arg2[%get3A_7, %get3A_8, %get3A_9] : memref<2x1024x128xbf16, #tpu.memory_space<vmem>>, vector<1x1024x128xbf16>
    %get3A_11 = vector.shape_cast %get3A_10 : vector<1x1024x128xbf16> to vector<1024x128xbf16>
    %convert_element_type3A_12 = arith.extf %get3A_11 : vector<1024x128xbf16> to vector<1024x128xf32>
    %add3A = arith.addf %convert_element_type3A, %convert_element_type3A_12 : vector<1024x128xf32>
    %get3A_13 = arith.constant 0 : index
    %get3A_14 = arith.constant 0 : index
    %get3A_15 = vector.load %arg1[%get3A_13, %get3A_14] : memref<1024x128xf32, #tpu.memory_space<vmem>>, vector<1024x128xf32>
    %add3A_16 = arith.addf %get3A_15, %add3A : vector<1024x128xf32>
    %slice3A = vector.extract_strided_slice %add3A_16 {offsets = [0, 0], sizes = [1024, 64], strides = [1, 1]} : vector<1024x128xf32> to vector<1024x64xf32>
    %slice3A_17 = vector.extract_strided_slice %add3A_16 {offsets = [0, 64], sizes = [1024, 64], strides = [1, 1]} : vector<1024x128xf32> to vector<1024x64xf32>
    %concatenate3A = tpu.concatenate %slice3A, %slice3A_17 in 0 : vector<1024x64xf32>, vector<1024x64xf32> -> vector<2048x64xf32>
    %add3A_18 = vector.broadcast %get3A_1 : vector<1x64xf32> to vector<2048x64xf32>
    %add3A_19 = arith.addf %concatenate3A, %add3A_18 : vector<2048x64xf32>
    %get3A_20 = arith.constant 0 : index
    %get3A_21 = arith.constant 0 : index
    %get3A_22 = vector.load %arg4[%get3A_20, %get3A_21] : memref<64x64xf32, #tpu.memory_space<vmem>>, vector<64x64xf32>
    %get3A_23 = arith.constant 0 : index
    %get3A_24 = arith.constant 0 : index
    %get3A_25 = vector.load %arg5[%get3A_23, %get3A_24] : memref<1x64xf32, #tpu.memory_space<vmem>>, vector<1x64xf32>
    %get3A_26 = arith.constant 0 : index
    %get3A_27 = arith.constant 0 : index
    %get3A_28 = vector.load %arg6[%get3A_26, %get3A_27] : memref<64x64xf32, #tpu.memory_space<vmem>>, vector<64x64xf32>
    %get3A_29 = arith.constant 0 : index
    %get3A_30 = arith.constant 0 : index
    %get3A_31 = vector.load %arg7[%get3A_29, %get3A_30] : memref<1x64xf32, #tpu.memory_space<vmem>>, vector<1x64xf32>
    %max3A = arith.constant 0.000000e+00 : f32
    %max3A_32 = vector.broadcast %max3A : f32 to vector<2048x64xf32>
    %max3A_33 = arith.maximumf %add3A_19, %max3A_32 : vector<2048x64xf32>
    %dot_general3A = arith.constant dense<0.000000e+00> : vector<2048x64xf32>
    %dot_general3A_34 = tpu.matmul %max3A_33, %get3A_22, %dot_general3A {dimension_numbers = #tpu.dot_dimension_numbers<[1], [0], [0], [1], [0, 0, 1, 1], [], []>, transpose_lhs_hint = false} : vector<2048x64xf32>, vector<64x64xf32>, vector<2048x64xf32> -> vector<2048x64xf32>
    %add3A_35 = vector.broadcast %get3A_25 : vector<1x64xf32> to vector<2048x64xf32>
    %add3A_36 = arith.addf %dot_general3A_34, %add3A_35 : vector<2048x64xf32>
    %max3A_37 = arith.constant 0.000000e+00 : f32
    %max3A_38 = vector.broadcast %max3A_37 : f32 to vector<2048x64xf32>
    %max3A_39 = arith.maximumf %add3A_36, %max3A_38 : vector<2048x64xf32>
    %dot_general3A_40 = arith.constant dense<0.000000e+00> : vector<2048x64xf32>
    %dot_general3A_41 = tpu.matmul %max3A_39, %get3A_28, %dot_general3A_40 {dimension_numbers = #tpu.dot_dimension_numbers<[1], [0], [0], [1], [0, 0, 1, 1], [], []>, transpose_lhs_hint = false} : vector<2048x64xf32>, vector<64x64xf32>, vector<2048x64xf32> -> vector<2048x64xf32>
    %add3A_42 = vector.broadcast %get3A_31 : vector<1x64xf32> to vector<2048x64xf32>
    %add3A_43 = arith.addf %dot_general3A_41, %add3A_42 : vector<2048x64xf32>
    %get3A_44 = arith.constant 0 : index
    %get3A_45 = arith.constant 0 : index
    %get3A_46 = vector.load %arg8[%get3A_44, %get3A_45] : memref<64x64xf32, #tpu.memory_space<vmem>>, vector<64x64xf32>
    %dot_general3A_47 = arith.constant dense<0.000000e+00> : vector<2048x64xf32>
    %dot_general3A_48 = tpu.matmul %add3A_43, %get3A_46, %dot_general3A_47 {dimension_numbers = #tpu.dot_dimension_numbers<[1], [0], [0], [1], [0, 0, 1, 1], [], []>, transpose_lhs_hint = false} : vector<2048x64xf32>, vector<64x64xf32>, vector<2048x64xf32> -> vector<2048x64xf32>
    %slice3A_49 = vector.extract_strided_slice %dot_general3A_48 {offsets = [0, 0], sizes = [1024, 64], strides = [1, 1]} : vector<2048x64xf32> to vector<1024x64xf32>
    %slice3A_50 = vector.extract_strided_slice %dot_general3A_48 {offsets = [1024, 0], sizes = [1024, 64], strides = [1, 1]} : vector<2048x64xf32> to vector<1024x64xf32>
    %concatenate3A_51 = tpu.concatenate %slice3A_49, %slice3A_50 in 1 : vector<1024x64xf32>, vector<1024x64xf32> -> vector<1024x128xf32>
    %swap3A = arith.constant 0 : index
    %swap3A_52 = arith.constant 0 : index
    %swap3A_53 = vector.load %arg9[%swap3A, %swap3A_52] : memref<1024x128xf32, #tpu.memory_space<vmem>>, vector<1024x128xf32>
    tpu.vector_store %arg9[%swap3A, %swap3A_52], %concatenate3A_51 {strides = array<i32>} : memref<1024x128xf32, #tpu.memory_space<vmem>>, vector<1024x128xf32>,
    %convert_element_type3A_54 = arith.truncf %concatenate3A_51 : vector<1024x128xf32> to vector<1024x128xbf16>
    %swap3A_55 = arith.constant 0 : index
    %swap3A_56 = arith.constant 0 : index
    %swap3A_57 = vector.load %arg10[%swap3A_55, %swap3A_56] : memref<1024x128xbf16, #tpu.memory_space<vmem>>, vector<1024x128xbf16>
    tpu.vector_store %arg10[%swap3A_55, %swap3A_56], %convert_element_type3A_54 {strides = array<i32>} : memref<1024x128xbf16, #tpu.memory_space<vmem>>, vector<1024x128xbf16>,
    return
  }
  func.func @transform_0(%arg0: i32) -> (i32, i32) {
    %c0_i32 = arith.constant 0 : i32
    %c0_i32_0 = arith.constant 0 : i32
    return %arg0, %c0_i32 : i32, i32
  }
  func.func @transform_1(%arg0: i32) -> (i32, i32, i32) {
    %c0_i32 = arith.constant 0 : i32
    %c0_i32_0 = arith.constant 0 : i32
    %c0_i32_1 = arith.constant 0 : i32
    return %c0_i32, %arg0, %c0_i32_0 : i32, i32, i32
  }
  func.func @transform_2(%arg0: i32) -> (i32, i32) {
    %c0_i32 = arith.constant 0 : i32
    %c0_i32_0 = arith.constant 0 : i32
    %c0_i32_1 = arith.constant 0 : i32
    return %c0_i32, %c0_i32_0 : i32, i32
  }
  func.func @transform_3(%arg0: i32) -> (i32, i32) {
    %c0_i32 = arith.constant 0 : i32
    %c0_i32_0 = arith.constant 0 : i32
    %c0_i32_1 = arith.constant 0 : i32
    return %c0_i32, %c0_i32_0 : i32, i32
  }
  func.func @transform_4(%arg0: i32) -> (i32, i32) {
    %c0_i32 = arith.constant 0 : i32
    %c0_i32_0 = arith.constant 0 : i32
    %c0_i32_1 = arith.constant 0 : i32
    return %c0_i32, %c0_i32_0 : i32, i32
  }
  func.func @transform_5(%arg0: i32) -> (i32, i32) {
    %c0_i32 = arith.constant 0 : i32
    %c0_i32_0 = arith.constant 0 : i32
    %c0_i32_1 = arith.constant 0 : i32
    return %c0_i32, %c0_i32_0 : i32, i32
  }
  func.func @transform_6(%arg0: i32) -> (i32, i32) {
    %c0_i32 = arith.constant 0 : i32
    %c0_i32_0 = arith.constant 0 : i32
    %c0_i32_1 = arith.constant 0 : i32
    return %c0_i32, %c0_i32_0 : i32, i32
  }
  func.func @transform_7(%arg0: i32) -> (i32, i32) {
    %c0_i32 = arith.constant 0 : i32
    %c0_i32_0 = arith.constant 0 : i32
    %c0_i32_1 = arith.constant 0 : i32
    return %c0_i32, %c0_i32_0 : i32, i32
  }
  func.func @transform_8(%arg0: i32) -> (i32, i32) {
    %c0_i32 = arith.constant 0 : i32
    %c0_i32_0 = arith.constant 0 : i32
    return %arg0, %c0_i32 : i32, i32
  }
  func.func @transform_9(%arg0: i32) -> (i32, i32) {
    %c0_i32 = arith.constant 0 : i32
    %c0_i32_0 = arith.constant 0 : i32
    return %arg0, %c0_i32 : i32, i32
  }
}

module attributes {stable_mosaic.version = 14 : i64} {
  func.func @_head_body(%arg0: i32, %arg1: memref<1024x128xf32, #tpu.memory_space<vmem>>, %arg2: memref<2x1024x128xbf16, #tpu.memory_space<vmem>>, %arg3: memref<1x2048x1xi32, #tpu.memory_space<vmem>>, %arg4: memref<1x64xf32, #tpu.memory_space<vmem>>, %arg5: memref<64x64xf32, #tpu.memory_space<vmem>>, %arg6: memref<1x64xf32, #tpu.memory_space<vmem>>, %arg7: memref<64x64xf32, #tpu.memory_space<vmem>>, %arg8: memref<1x64xf32, #tpu.memory_space<vmem>>, %arg9: memref<64x64xf32, #tpu.memory_space<vmem>>, %arg10: memref<1x64xf32, #tpu.memory_space<vmem>>, %arg11: memref<64x10xf32, #tpu.memory_space<vmem>>, %arg12: memref<1x10xf32, #tpu.memory_space<vmem>>, %arg13: memref<64x10xf32, #tpu.memory_space<vmem>>, %arg14: memref<64x64xf32, #tpu.memory_space<vmem>>, %arg15: memref<64x1xf32, #tpu.memory_space<vmem>>) attributes {dimension_semantics = [#tpu.dimension_semantics<arbitrary>], iteration_bounds = array<i64: 5>, scalar_prefetch = 0 : i64, scratch_operands = 2 : i64, tpu.core_type = #tpu.core_type<tc>, window_params = [{transform_indices = @transform_0, window_bounds = array<i64: 1024, 128>}, {transform_indices = @transform_1, window_bounds = array<i64: 2, 1024, 128>}, {transform_indices = @transform_2, window_bounds = array<i64: 1, 2048, 1>}, {pipeline_mode = #tpu.pipeline_mode<synchronous>, transform_indices = @transform_3, window_bounds = array<i64: 1, 64>}, {pipeline_mode = #tpu.pipeline_mode<synchronous>, transform_indices = @transform_4, window_bounds = array<i64: 64, 64>}, {pipeline_mode = #tpu.pipeline_mode<synchronous>, transform_indices = @transform_5, window_bounds = array<i64: 1, 64>}, {pipeline_mode = #tpu.pipeline_mode<synchronous>, transform_indices = @transform_6, window_bounds = array<i64: 64, 64>}, {pipeline_mode = #tpu.pipeline_mode<synchronous>, transform_indices = @transform_7, window_bounds = array<i64: 1, 64>}, {pipeline_mode = #tpu.pipeline_mode<synchronous>, transform_indices = @transform_8, window_bounds = array<i64: 64, 64>}, {pipeline_mode = #tpu.pipeline_mode<synchronous>, transform_indices = @transform_9, window_bounds = array<i64: 1, 64>}, {pipeline_mode = #tpu.pipeline_mode<synchronous>, transform_indices = @transform_10, window_bounds = array<i64: 64, 10>}, {pipeline_mode = #tpu.pipeline_mode<synchronous>, transform_indices = @transform_11, window_bounds = array<i64: 1, 10>}, {pipeline_mode = #tpu.pipeline_mode<synchronous>, transform_indices = @transform_12, window_bounds = array<i64: 64, 10>}]} {
    %get3A = arith.constant 0 : index
    %get3A_0 = arith.constant 0 : index
    %get3A_1 = vector.load %arg4[%get3A, %get3A_0] : memref<1x64xf32, #tpu.memory_space<vmem>>, vector<1x64xf32>
    %get3A_2 = arith.constant 0 : index
    %get3A_3 = arith.constant 0 : index
    %get3A_4 = arith.constant 0 : index
    %get3A_5 = vector.load %arg2[%get3A_2, %get3A_3, %get3A_4] : memref<2x1024x128xbf16, #tpu.memory_space<vmem>>, vector<1x1024x128xbf16>
    %get3A_6 = vector.shape_cast %get3A_5 : vector<1x1024x128xbf16> to vector<1024x128xbf16>
    %convert_element_type3A = arith.extf %get3A_6 : vector<1024x128xbf16> to vector<1024x128xf32>
    %get3A_7 = arith.constant 1 : index
    %get3A_8 = arith.constant 0 : index
    %get3A_9 = arith.constant 0 : index
    %get3A_10 = vector.load %arg2[%get3A_7, %get3A_8, %get3A_9] : memref<2x1024x128xbf16, #tpu.memory_space<vmem>>, vector<1x1024x128xbf16>
    %get3A_11 = vector.shape_cast %get3A_10 : vector<1x1024x128xbf16> to vector<1024x128xbf16>
    %convert_element_type3A_12 = arith.extf %get3A_11 : vector<1024x128xbf16> to vector<1024x128xf32>
    %add3A = arith.addf %convert_element_type3A, %convert_element_type3A_12 : vector<1024x128xf32>
    %get3A_13 = arith.constant 0 : index
    %get3A_14 = arith.constant 0 : index
    %get3A_15 = vector.load %arg1[%get3A_13, %get3A_14] : memref<1024x128xf32, #tpu.memory_space<vmem>>, vector<1024x128xf32>
    %add3A_16 = arith.addf %get3A_15, %add3A : vector<1024x128xf32>
    %slice3A = vector.extract_strided_slice %add3A_16 {offsets = [0, 0], sizes = [1024, 64], strides = [1, 1]} : vector<1024x128xf32> to vector<1024x64xf32>
    %slice3A_17 = vector.extract_strided_slice %add3A_16 {offsets = [0, 64], sizes = [1024, 64], strides = [1, 1]} : vector<1024x128xf32> to vector<1024x64xf32>
    %concatenate3A = tpu.concatenate %slice3A, %slice3A_17 in 0 : vector<1024x64xf32>, vector<1024x64xf32> -> vector<2048x64xf32>
    %add3A_18 = vector.broadcast %get3A_1 : vector<1x64xf32> to vector<2048x64xf32>
    %add3A_19 = arith.addf %concatenate3A, %add3A_18 : vector<2048x64xf32>
    %get3A_20 = arith.constant 0 : index
    %get3A_21 = arith.constant 0 : index
    %get3A_22 = vector.load %arg5[%get3A_20, %get3A_21] : memref<64x64xf32, #tpu.memory_space<vmem>>, vector<64x64xf32>
    %get3A_23 = arith.constant 0 : index
    %get3A_24 = arith.constant 0 : index
    %get3A_25 = vector.load %arg6[%get3A_23, %get3A_24] : memref<1x64xf32, #tpu.memory_space<vmem>>, vector<1x64xf32>
    %get3A_26 = arith.constant 0 : index
    %get3A_27 = arith.constant 0 : index
    %get3A_28 = vector.load %arg7[%get3A_26, %get3A_27] : memref<64x64xf32, #tpu.memory_space<vmem>>, vector<64x64xf32>
    %get3A_29 = arith.constant 0 : index
    %get3A_30 = arith.constant 0 : index
    %get3A_31 = vector.load %arg8[%get3A_29, %get3A_30] : memref<1x64xf32, #tpu.memory_space<vmem>>, vector<1x64xf32>
    %max3A = arith.constant 0.000000e+00 : f32
    %max3A_32 = vector.broadcast %max3A : f32 to vector<2048x64xf32>
    %max3A_33 = arith.maximumf %add3A_19, %max3A_32 : vector<2048x64xf32>
    %dot_general3A = arith.constant dense<0.000000e+00> : vector<2048x64xf32>
    %dot_general3A_34 = tpu.matmul %max3A_33, %get3A_22, %dot_general3A {dimension_numbers = #tpu.dot_dimension_numbers<[1], [0], [0], [1], [0, 0, 1, 1], [], []>, transpose_lhs_hint = false} : vector<2048x64xf32>, vector<64x64xf32>, vector<2048x64xf32> -> vector<2048x64xf32>
    %add3A_35 = vector.broadcast %get3A_25 : vector<1x64xf32> to vector<2048x64xf32>
    %add3A_36 = arith.addf %dot_general3A_34, %add3A_35 : vector<2048x64xf32>
    %max3A_37 = arith.constant 0.000000e+00 : f32
    %max3A_38 = vector.broadcast %max3A_37 : f32 to vector<2048x64xf32>
    %max3A_39 = arith.maximumf %add3A_36, %max3A_38 : vector<2048x64xf32>
    %dot_general3A_40 = arith.constant dense<0.000000e+00> : vector<2048x64xf32>
    %dot_general3A_41 = tpu.matmul %max3A_39, %get3A_28, %dot_general3A_40 {dimension_numbers = #tpu.dot_dimension_numbers<[1], [0], [0], [1], [0, 0, 1, 1], [], []>, transpose_lhs_hint = false} : vector<2048x64xf32>, vector<64x64xf32>, vector<2048x64xf32> -> vector<2048x64xf32>
    %add3A_42 = vector.broadcast %get3A_31 : vector<1x64xf32> to vector<2048x64xf32>
    %add3A_43 = arith.addf %dot_general3A_41, %add3A_42 : vector<2048x64xf32>
    %get3A_44 = arith.constant 0 : index
    %get3A_45 = arith.constant 0 : index
    %get3A_46 = arith.constant 0 : index
    %get3A_47 = vector.load %arg3[%get3A_44, %get3A_45, %get3A_46] : memref<1x2048x1xi32, #tpu.memory_space<vmem>>, vector<1x2048x1xi32>
    %get3A_48 = vector.shape_cast %get3A_47 : vector<1x2048x1xi32> to vector<2048x1xi32>
    %iota3A = tpu.iota {dimensions = array<i32: 1>} : vector<1x64xi32>
    %eq3A = vector.broadcast %get3A_48 : vector<2048x1xi32> to vector<2048x64xi32>
    %eq3A_49 = vector.broadcast %iota3A : vector<1x64xi32> to vector<2048x64xi32>
    %eq3A_50 = arith.cmpi eq, %eq3A, %eq3A_49 : vector<2048x64xi32>
    %jit3A = arith.constant 1.000000e+00 : f32
    %jit3A_51 = arith.constant 0.000000e+00 : f32
    %broadcast_in_dim3A = vector.broadcast %jit3A : f32 to vector<2048x64xf32>
    %broadcast_in_dim3A_52 = vector.broadcast %jit3A_51 : f32 to vector<2048x64xf32>
    %select_n3A = arith.select %eq3A_50, %broadcast_in_dim3A, %broadcast_in_dim3A_52 : vector<2048x64xi1>, vector<2048x64xf32>
    %lt3A = arith.constant 64 : i32
    %lt3A_53 = vector.broadcast %lt3A : i32 to vector<2048x1xi32>
    %lt3A_54 = arith.cmpi slt, %get3A_48, %lt3A_53 : vector<2048x1xi32>
    %jit3A_55 = arith.constant 0.000000e+00 : f32
    %broadcast_in_dim3A_56 = vector.shape_cast %lt3A_54 : vector<2048x1xi1> to vector<2048x1xi1>
    %broadcast_in_dim3A_57 = vector.broadcast %broadcast_in_dim3A_56 : vector<2048x1xi1> to vector<2048x64xi1>
    %broadcast_in_dim3A_58 = vector.broadcast %jit3A_55 : f32 to vector<2048x64xf32>
    %select_n3A_59 = arith.select %broadcast_in_dim3A_57, %add3A_43, %broadcast_in_dim3A_58 : vector<2048x64xi1>, vector<2048x64xf32>
    %dot_general3A_60 = arith.constant dense<0.000000e+00> : vector<64x64xf32>
    %dot_general3A_61 = tpu.matmul %select_n3A, %select_n3A_59, %dot_general3A_60 {dimension_numbers = #tpu.dot_dimension_numbers<[0], [0], [1], [1], [0, 1, 1, 1], [], []>, transpose_lhs_hint = false} : vector<2048x64xf32>, vector<2048x64xf32>, vector<64x64xf32> -> vector<64x64xf32>
    %broadcast_in_dim3A_62 = arith.constant 1.000000e+00 : f32
    %broadcast_in_dim3A_63 = vector.broadcast %broadcast_in_dim3A_62 : f32 to vector<2048x1xf32>
    %dot_general3A_64 = arith.constant dense<0.000000e+00> : vector<64x1xf32>
    %dot_general3A_65 = tpu.matmul %select_n3A, %broadcast_in_dim3A_63, %dot_general3A_64 {dimension_numbers = #tpu.dot_dimension_numbers<[0], [0], [1], [1], [0, 1, 1, 1], [], []>, transpose_lhs_hint = false} : vector<2048x64xf32>, vector<2048x1xf32>, vector<64x1xf32> -> vector<64x1xf32>
    %eq3A_66 = arith.constant 0 : i32
    %eq3A_67 = arith.cmpi eq, %arg0, %eq3A_66 : i32
    %convert_element_type3A_68 = arith.extui %eq3A_67 : i1 to i32
    %cond3A = arith.constant 0 : i32
    %cond3A_69 = arith.cmpi ne, %convert_element_type3A_68, %cond3A : i32
    scf.if %cond3A_69 {
      %swap3A = arith.constant 0 : index
      %swap3A_79 = arith.constant 0 : index
      %swap3A_80 = vector.load %arg14[%swap3A, %swap3A_79] : memref<64x64xf32, #tpu.memory_space<vmem>>, vector<64x64xf32>
      tpu.vector_store %arg14[%swap3A, %swap3A_79], %dot_general3A_61 {strides = array<i32>} : memref<64x64xf32, #tpu.memory_space<vmem>>, vector<64x64xf32>,
      %swap3A_81 = arith.constant 0 : index
      %swap3A_82 = arith.constant 0 : index
      %swap3A_83 = vector.load %arg15[%swap3A_81, %swap3A_82] : memref<64x1xf32, #tpu.memory_space<vmem>>, vector<64x1xf32>
      tpu.vector_store %arg15[%swap3A_81, %swap3A_82], %dot_general3A_65 {strides = array<i32>} : memref<64x1xf32, #tpu.memory_space<vmem>>, vector<64x1xf32>,
    } else {
    }
    %gt3A = arith.constant 0 : i32
    %gt3A_70 = arith.cmpi sgt, %arg0, %gt3A : i32
    %convert_element_type3A_71 = arith.extui %gt3A_70 : i1 to i32
    %cond3A_72 = arith.constant 0 : i32
    %cond3A_73 = arith.cmpi ne, %convert_element_type3A_71, %cond3A_72 : i32
    scf.if %cond3A_73 {
      %get3A_79 = arith.constant 0 : index
      %get3A_80 = arith.constant 0 : index
      %get3A_81 = vector.load %arg14[%get3A_79, %get3A_80] : memref<64x64xf32, #tpu.memory_space<vmem>>, vector<64x64xf32>
      %add3A_82 = arith.addf %get3A_81, %dot_general3A_61 : vector<64x64xf32>
      %swap3A = arith.constant 0 : index
      %swap3A_83 = arith.constant 0 : index
      %swap3A_84 = vector.load %arg14[%swap3A, %swap3A_83] : memref<64x64xf32, #tpu.memory_space<vmem>>, vector<64x64xf32>
      tpu.vector_store %arg14[%swap3A, %swap3A_83], %add3A_82 {strides = array<i32>} : memref<64x64xf32, #tpu.memory_space<vmem>>, vector<64x64xf32>,
      %get3A_85 = arith.constant 0 : index
      %get3A_86 = arith.constant 0 : index
      %get3A_87 = vector.load %arg15[%get3A_85, %get3A_86] : memref<64x1xf32, #tpu.memory_space<vmem>>, vector<64x1xf32>
      %add3A_88 = arith.addf %get3A_87, %dot_general3A_65 : vector<64x1xf32>
      %swap3A_89 = arith.constant 0 : index
      %swap3A_90 = arith.constant 0 : index
      %swap3A_91 = vector.load %arg15[%swap3A_89, %swap3A_90] : memref<64x1xf32, #tpu.memory_space<vmem>>, vector<64x1xf32>
      tpu.vector_store %arg15[%swap3A_89, %swap3A_90], %add3A_88 {strides = array<i32>} : memref<64x1xf32, #tpu.memory_space<vmem>>, vector<64x1xf32>,
    } else {
    }
    %eq3A_74 = arith.constant 4 : i32
    %eq3A_75 = arith.cmpi eq, %arg0, %eq3A_74 : i32
    %convert_element_type3A_76 = arith.extui %eq3A_75 : i1 to i32
    %cond3A_77 = arith.constant 0 : i32
    %cond3A_78 = arith.cmpi ne, %convert_element_type3A_76, %cond3A_77 : i32
    scf.if %cond3A_78 {
      %get3A_79 = arith.constant 0 : index
      %get3A_80 = arith.constant 0 : index
      %get3A_81 = vector.load %arg14[%get3A_79, %get3A_80] : memref<64x64xf32, #tpu.memory_space<vmem>>, vector<64x64xf32>
      %get3A_82 = arith.constant 0 : index
      %get3A_83 = arith.constant 0 : index
      %get3A_84 = vector.load %arg15[%get3A_82, %get3A_83] : memref<64x1xf32, #tpu.memory_space<vmem>>, vector<64x1xf32>
      %max3A_85 = arith.constant 1.000000e+00 : f32
      %max3A_86 = vector.broadcast %max3A_85 : f32 to vector<64x1xf32>
      %max3A_87 = arith.maximumf %get3A_84, %max3A_86 : vector<64x1xf32>
      %div3A = vector.broadcast %max3A_87 : vector<64x1xf32> to vector<64x64xf32>
      %div3A_88 = arith.divf %get3A_81, %div3A : vector<64x64xf32>
      %get3A_89 = arith.constant 0 : index
      %get3A_90 = arith.constant 0 : index
      %get3A_91 = vector.load %arg9[%get3A_89, %get3A_90] : memref<64x64xf32, #tpu.memory_space<vmem>>, vector<64x64xf32>
      %dot_general3A_92 = arith.constant dense<0.000000e+00> : vector<64x64xf32>
      %dot_general3A_93 = tpu.matmul %div3A_88, %get3A_91, %dot_general3A_92 {dimension_numbers = #tpu.dot_dimension_numbers<[1], [0], [0], [1], [0, 0, 1, 1], [], []>, transpose_lhs_hint = false} : vector<64x64xf32>, vector<64x64xf32>, vector<64x64xf32> -> vector<64x64xf32>
      %get3A_94 = arith.constant 0 : index
      %get3A_95 = arith.constant 0 : index
      %get3A_96 = vector.load %arg10[%get3A_94, %get3A_95] : memref<1x64xf32, #tpu.memory_space<vmem>>, vector<1x64xf32>
      %add3A_97 = vector.broadcast %get3A_96 : vector<1x64xf32> to vector<64x64xf32>
      %add3A_98 = arith.addf %dot_general3A_93, %add3A_97 : vector<64x64xf32>
      %max3A_99 = arith.constant 0.000000e+00 : f32
      %max3A_100 = vector.broadcast %max3A_99 : f32 to vector<64x64xf32>
      %max3A_101 = arith.maximumf %add3A_98, %max3A_100 : vector<64x64xf32>
      %get3A_102 = arith.constant 0 : index
      %get3A_103 = arith.constant 0 : index
      %get3A_104 = vector.load %arg11[%get3A_102, %get3A_103] : memref<64x10xf32, #tpu.memory_space<vmem>>, vector<64x10xf32>
      %dot_general3A_105 = arith.constant dense<0.000000e+00> : vector<64x10xf32>
      %dot_general3A_106 = tpu.matmul %max3A_101, %get3A_104, %dot_general3A_105 {dimension_numbers = #tpu.dot_dimension_numbers<[1], [0], [0], [1], [0, 0, 1, 1], [], []>, transpose_lhs_hint = false} : vector<64x64xf32>, vector<64x10xf32>, vector<64x10xf32> -> vector<64x10xf32>
      %get3A_107 = arith.constant 0 : index
      %get3A_108 = arith.constant 0 : index
      %get3A_109 = vector.load %arg12[%get3A_107, %get3A_108] : memref<1x10xf32, #tpu.memory_space<vmem>>, vector<1x10xf32>
      %add3A_110 = vector.broadcast %get3A_109 : vector<1x10xf32> to vector<64x10xf32>
      %add3A_111 = arith.addf %dot_general3A_106, %add3A_110 : vector<64x10xf32>
      %reduce_max3A = arith.constant dense<0xFF800000> : vector<64xf32>
      %reduce_max3A_112 = vector.multi_reduction <maximumf>, %add3A_111, %reduce_max3A [1] : vector<64x10xf32> to vector<64xf32>
      %broadcast_in_dim3A_113 = vector.shape_cast %reduce_max3A_112 : vector<64xf32> to vector<64x1xf32>
      %sub3A = vector.broadcast %broadcast_in_dim3A_113 : vector<64x1xf32> to vector<64x10xf32>
      %sub3A_114 = arith.subf %add3A_111, %sub3A : vector<64x10xf32>
      %exp3A = math.exp %sub3A_114 : vector<64x10xf32>
      %reduce_sum3A = arith.constant dense<0.000000e+00> : vector<64xf32>
      %reduce_sum3A_115 = vector.multi_reduction <add>, %exp3A, %reduce_sum3A [1] : vector<64x10xf32> to vector<64xf32>
      %broadcast_in_dim3A_116 = vector.shape_cast %reduce_sum3A_115 : vector<64xf32> to vector<64x1xf32>
      %div3A_117 = vector.broadcast %broadcast_in_dim3A_116 : vector<64x1xf32> to vector<64x10xf32>
      %div3A_118 = arith.divf %exp3A, %div3A_117 : vector<64x10xf32>
      %swap3A = arith.constant 0 : index
      %swap3A_119 = arith.constant 0 : index
      %swap3A_120 = vector.load %arg13[%swap3A, %swap3A_119] : memref<64x10xf32, #tpu.memory_space<vmem>>, vector<64x10xf32>
      tpu.vector_store %arg13[%swap3A, %swap3A_119], %div3A_118 {strides = array<i32>} : memref<64x10xf32, #tpu.memory_space<vmem>>, vector<64x10xf32>,
    } else {
    }
    return
  }
  func.func @transform_0(%arg0: i32) -> (i32, i32) {
    %c0_i32 = arith.constant 0 : i32
    %c0_i32_0 = arith.constant 0 : i32
    return %arg0, %c0_i32 : i32, i32
  }
  func.func @transform_1(%arg0: i32) -> (i32, i32, i32) {
    %c0_i32 = arith.constant 0 : i32
    %c0_i32_0 = arith.constant 0 : i32
    %c0_i32_1 = arith.constant 0 : i32
    return %c0_i32, %arg0, %c0_i32_0 : i32, i32, i32
  }
  func.func @transform_2(%arg0: i32) -> (i32, i32, i32) {
    %c0_i32 = arith.constant 0 : i32
    %c0_i32_0 = arith.constant 0 : i32
    %c0_i32_1 = arith.constant 0 : i32
    return %arg0, %c0_i32, %c0_i32_0 : i32, i32, i32
  }
  func.func @transform_3(%arg0: i32) -> (i32, i32) {
    %c0_i32 = arith.constant 0 : i32
    %c0_i32_0 = arith.constant 0 : i32
    %c0_i32_1 = arith.constant 0 : i32
    return %c0_i32, %c0_i32_0 : i32, i32
  }
  func.func @transform_4(%arg0: i32) -> (i32, i32) {
    %c0_i32 = arith.constant 0 : i32
    %c0_i32_0 = arith.constant 0 : i32
    %c0_i32_1 = arith.constant 0 : i32
    return %c0_i32, %c0_i32_0 : i32, i32
  }
  func.func @transform_5(%arg0: i32) -> (i32, i32) {
    %c0_i32 = arith.constant 0 : i32
    %c0_i32_0 = arith.constant 0 : i32
    %c0_i32_1 = arith.constant 0 : i32
    return %c0_i32, %c0_i32_0 : i32, i32
  }
  func.func @transform_6(%arg0: i32) -> (i32, i32) {
    %c0_i32 = arith.constant 0 : i32
    %c0_i32_0 = arith.constant 0 : i32
    %c0_i32_1 = arith.constant 0 : i32
    return %c0_i32, %c0_i32_0 : i32, i32
  }
  func.func @transform_7(%arg0: i32) -> (i32, i32) {
    %c0_i32 = arith.constant 0 : i32
    %c0_i32_0 = arith.constant 0 : i32
    %c0_i32_1 = arith.constant 0 : i32
    return %c0_i32, %c0_i32_0 : i32, i32
  }
  func.func @transform_8(%arg0: i32) -> (i32, i32) {
    %c0_i32 = arith.constant 0 : i32
    %c0_i32_0 = arith.constant 0 : i32
    %c0_i32_1 = arith.constant 0 : i32
    return %c0_i32, %c0_i32_0 : i32, i32
  }
  func.func @transform_9(%arg0: i32) -> (i32, i32) {
    %c0_i32 = arith.constant 0 : i32
    %c0_i32_0 = arith.constant 0 : i32
    %c0_i32_1 = arith.constant 0 : i32
    return %c0_i32, %c0_i32_0 : i32, i32
  }
  func.func @transform_10(%arg0: i32) -> (i32, i32) {
    %c0_i32 = arith.constant 0 : i32
    %c0_i32_0 = arith.constant 0 : i32
    %c0_i32_1 = arith.constant 0 : i32
    return %c0_i32, %c0_i32_0 : i32, i32
  }
  func.func @transform_11(%arg0: i32) -> (i32, i32) {
    %c0_i32 = arith.constant 0 : i32
    %c0_i32_0 = arith.constant 0 : i32
    %c0_i32_1 = arith.constant 0 : i32
    return %c0_i32, %c0_i32_0 : i32, i32
  }
  func.func @transform_12(%arg0: i32) -> (i32, i32) {
    %c0_i32 = arith.constant 0 : i32
    %c0_i32_0 = arith.constant 0 : i32
    %c0_i32_1 = arith.constant 0 : i32
    return %c0_i32, %c0_i32_0 : i32, i32
  }
}

</mosaic_0001>

<sc_bundles>
// kernel: kernel.12.cloned.1.call-start
scs
__scs_entry_jumppad:
0x0: {  	(pc) =	sbr.rel $0x88, $3  }
0x1: {  	(tag) =	ssettag $0x0;
	lr =	simm.s32 $0x1  }
0x2: {  	[smem:$0x3F88] =	sst lr;
	_ =	strace $0xD0000000  }
0x3: {  	_ = 	snop  }
0x4: {  	_ = 	snop  }
0x5: {  	_ = 	snop  }
0x6: {  	_ = 	snop  }
0x7: {  	_ = 	snop  }
__scs_overlays_trampoline_lowered:
0x8: {  	[smem:$0x3F97] =	sst s0  }
0x9: {  	[smem:$0x3F98] =	sst s1  }
0xa: {  	[smem:$0x3F99] =	sst s2  }
0xb: {  	[smem:$0x3F9A] =	sst s3  }
0xc: {  	[smem:$0x3F9B] =	sst s4  }
0xd: {  	[smem:$0x3F9C] =	sst s5  }
0xe: {  	[smem:$0x3F9D] =	sst s6  }
0xf: {  	[smem:$0x3F9E] =	sst s7  }
0x10: {  	[smem:$0x3F9F] =	sst s8  }
0x11: {  	[smem:$0x3FA0] =	sst s9;
	s0 =	simm.s32 @!p0 $0x0  }
0x12: {  	s1 =	sld [smem:$0x3F86];
	s0 =	simm.s32 @p0 $0x1  }
0x13: {  	[smem:$0x3FA1] =	sst s0;
	s0 =	simm.s32 @!p1 $0x0  }
0x14: {  	s2 =	sld [smem:$0x3F85];
	s0 =	simm.s32 @p1 $0x1  }
0x15: {  	[smem:$0x3FA2] =	sst s0;
	s0 =	simm.s32 @!p2 $0x0  }
0x16: {  	s3 =	sld [smem:$0x3FDB];
	s0 =	simm.s32 @p2 $0x1  }
0x17: {  	s4 =	simm.s32 $0x1BF5;
	[smem:$0x3FA4] =	sst s0  }
0x18: {  	s0 =	sld [smem:$0x3F87];
	_ =	swait.ge [sflag:s4], $0x0  }
0x19: {  	s7 =	sld [smem:$0x3F88]  }
0x1a: {  	s8 =	sadd.s32 $0xFFFFE003, lr  }
0x1b: {  	s9 =	sadd.s32 $0xFFFFFEF7, lr;
	s5 =	simm.s32 $0xFFFFFFFF;
	p2 =	slt.u32 s8, $0xFFFFF086  }
0x1c: {  	p1 =	slt.u32 s9, $0xF7A;
	s5 =	simm.s32 @!p2 $0x0  }
0x1d: {  	s5 =	simm.s32 @p1 $0x1;
	p0 =	seq.s32 s7, s2  }
0x1e: {  	s7 =	smul.u32 @!p0 $0xF7A, s2;
	p2 =	seq.s32 @!p0 s5, $0x0  }
0x1f: {  	s9 =	smul.u32 $0xF7A, s1;
	s8 =	simm.s32 @!p0 $0x1BF5;
	p2 =	por !p2, p0  }
0x20: {  	[sflag:s8] =	ssyncset.s32 @!p0 $0xFFFFF086;
	s6 =	sadd.s32 @!p0 s3, s7;
	s7 =	simm.s32 @!p0 $0x108  }
0x21: {  	s3 =	sadd.s32 s3, s9;
	s6 =	sadd.s32 @!p0 $0x88, s6;
	s7 =	simm.s32 @p2 $0x1082  }
0x22: {  	[simem:s7], [sflag:s8] =	dma.local @!p0 [hbm:s6], $0xF7A  }
0x23: {  	s9 =	sor.u32 $0xD0000000, s2;
	s6 =	simm.s32 $0x108;
	_ =	swait.ge @!p0 [sflag:s8], $0x0  }
0x24: {  	s3 =	sadd.s32 $0x88, s3;
	s6 =	simm.s32 @!p1 $0x1082;
	[sflag:s4] =	ssyncset.s32 $0xFFFFF086  }
0x25: {  	[simem:s6], [sflag:s4] =	dma.local [hbm:s3], $0xF7A  }
0x26: {  	[smem:$0x3F88] =	sst s1;
	(tag) =	ssettag s2;
	_ =	strace s9  }
0x27: {  	s1 =	sld [smem:$0x3F98]  }
0x28: {  	s2 =	sld [smem:$0x3F99]  }
0x29: {  	s4 =	sld [smem:$0x3F9B]  }
0x2a: {  	p0 =	seq.s32 s5, $0x0;
	s5 =	sld [smem:$0x3F9C]  }
0x2b: {  	s6 =	sld [smem:$0x3F9D]  }
0x2c: {  	s7 =	sld [smem:$0x3F9E]  }
0x2d: {  	s3 =	simm.s32 $0x108;
	s8 =	sld [smem:$0x3F9F]  }
0x2e: {  	s3 =	simm.s32 @!p0 $0x1082;
	s9 =	sld [smem:$0x3FA0]  }
0x2f: {  	lr =	sadd.s32 s0, s3;
	s0 =	sld [smem:$0x3F97]  }
0x30: {  	s3 =	sld [smem:$0x3F9A]  }
0x31: {  	[smem:$0x3FA3] =	sst s10  }
0x32: {  	s10 =	sld [smem:$0x3FA1];
	_ =	sdelay $0x3  }
0x33: {  	p0 =	seq.s32 s10, $0x1;
	s10 =	sld [smem:$0x3FA3];
	_ =	sdelay $0x3  }
0x34: {  	[smem:$0x3FA3] =	sst s10  }
0x35: {  	s10 =	sld [smem:$0x3FA2];
	_ =	sdelay $0x3  }
0x36: {  	p1 =	seq.s32 s10, $0x1;
	s10 =	sld [smem:$0x3FA3];
	_ =	sdelay $0x3  }
0x37: {  	[smem:$0x3FA3] =	sst s10  }
0x38: {  	s10 =	sld [smem:$0x3FA4]  }
0x39: {  	_ = 	snop;
	(pc) =	sbr.ind lr, $3  }
0x3a: {  	_ = 	snop  }
0x3b: {  	_ = 	snop  }
0x3c: {  	p2 =	seq.s32 s10, $0x1;
	s10 =	sld [smem:$0x3FA3]  }
0x3d: {  	_ =	shalt  }
0x3e: {  	_ =	shalt  }
0x3f: {  	_ =	shalt  }
0x40: {  	_ =	shalt  }
0x41: {  	_ =	shalt  }
0x42: {  	_ =	shalt  }
0x43: {  	_ =	shalt  }
0x44: {  	_ =	shalt  }
0x45: {  	_ =	shalt  }
0x46: {  	_ =	shalt  }
0x47: {  	_ =	shalt  }
0x48: {  	_ =	shalt  }
0x49: {  	_ =	shalt  }
0x4a: {  	_ =	shalt  }
0x4b: {  	_ =	shalt  }
0x4c: {  	_ =	shalt  }
0x4d: {  	_ =	shalt  }
0x4e: {  	_ =	shalt  }
0x4f: {  	_ =	shalt  }
0x50: {  	_ =	shalt  }
0x51: {  	_ =	shalt  }
0x52: {  	_ =	shalt  }
0x53: {  	_ =	shalt  }
0x54: {  	_ =	shalt  }
0x55: {  	_ =	shalt  }
0x56: {  	_ =	shalt  }
0x57: {  	_ =	shalt  }
0x58: {  	_ =	shalt  }
0x59: {  	_ =	shalt  }
0x5a: {  	_ =	shalt  }
0x5b: {  	_ =	shalt  }
0x5c: {  	_ =	shalt  }
0x5d: {  	_ =	shalt  }
0x5e: {  	_ =	shalt  }
0x5f: {  	_ =	shalt  }
0x60: {  	_ =	shalt  }
0x61: {  	_ =	shalt  }
0x62: {  	_ =	shalt  }
0x63: {  	_ =	shalt  }
0x64: {  	_ =	shalt  }
0x65: {  	_ =	shalt  }
0x66: {  	_ =	shalt  }
0x67: {  	_ =	shalt  }
0x68: {  	_ =	shalt  }
0x69: {  	_ =	shalt  }
0x6a: {  	_ =	shalt  }
0x6b: {  	_ =	shalt  }
0x6c: {  	_ =	shalt  }
0x6d: {  	_ =	shalt  }
0x6e: {  	_ =	shalt  }
0x6f: {  	_ =	shalt  }
0x70: {  	_ =	shalt  }
0x71: {  	_ =	shalt  }
0x72: {  	_ =	shalt  }
0x73: {  	_ =	shalt  }
0x74: {  	_ =	shalt  }
0x75: {  	_ =	shalt  }
0x76: {  	_ =	shalt  }
0x77: {  	_ =	shalt  }
0x78: {  	_ =	shalt  }
0x79: {  	_ =	shalt  }
0x7a: {  	_ =	shalt  }
0x7b: {  	_ =	shalt  }
0x7c: {  	_ =	shalt  }
0x7d: {  	_ =	shalt  }
0x7e: {  	_ =	shalt  }
0x7f: {  	_ =	shalt  }
0x80: {  	_ =	shalt  }
0x81: {  	_ =	shalt  }
0x82: {  	_ =	shalt  }
0x83: {  	_ =	shalt  }
0x84: {  	_ =	shalt  }
0x85: {  	_ =	shalt  }
0x86: {  	_ =	shalt  }
0x87: {  	_ =	shalt  }
.Lfunc_end0:
.L_simem_size_0:
called_computation.1_lowered:
.L_overlay_start_0:
0x88: {  	s2 =	sld [smem:$0x3FD9]  }
0x89: {  	s3 =	sld [smem:$0x3FFE];
	_ =	sdelay $0x1  }
0x8a: {  	s1 =	srdreg.scid  }
0x8b: {  	s0 =	sand.u32 $0x1, s1  }
0x8c: {  	s16 =	sshll.u32 s0, $0xA;
	s2 =	sadd.s32 s3, s2  }
0x8d: {  	s2 =	sadd.s32 s2, s16  }
0x8e: {  	[smem:$0x3FAF] =	sst s2  }
0x8f: {  	_ = 	snop  }
0x90: {  	(tm) =	ssettm $0x1  }
0x91: {  	s17 =	sld [smem:$0x3FFB];
	_ =	sdelay $0x3  }
0x92: {  	_ =	strace s17  }
0x93: {  	s2 =	sld [smem:$0x3FFC];
	_ =	sdelay $0x3  }
0x94: {  	_ =	strace s2  }
0x95: {  	s2 =	sld [smem:$0x3FFD];
	_ =	sdelay $0x3  }
0x96: {  	_ =	strace s2  }
0x97: {  	_ =	strace $0x8FFFFFFF  }
0x98: {  	s18 =	sld [smem:$0x3FDB];
	_ =	sdelay $0x1  }
0x99: {  	s19 =	simm.s32 $_scs_section_size  }
0x9a: {  	s4 =	simm.s32 $_size__tile_overlayer_lowered;
	s5 =	simm.s32 $_tile_overlayer_lowered  }
0x9b: {  	s22 =	simm.s32 $0x1BFF;
	s21 =	sshll.u32 s5, $0x1;
	s2 =	sadd.s32 s19, s18  }
0x9c: {  	s6 =	simm.s32 $0x0;
	s20 =	sshll.u32 s4, $0x1;
	s4 =	sadd.s32 s21, s2  }
0x9d: {  	[timem:s6], [sflag:s22] =	dma.local [hbm:s4], s20  }
0x9e: {  	_ =	swait.ge [sflag:s22], s20  }
0x9f: {  	s3 =	ssub.s32 $0x0, s20;
	[sflag:s22] =	ssyncset.done $0x0  }
0xa0: {  	[sflag:s22] =	ssyncadd.s32 s3;
	_ =	sdelay $0x1  }
0xa1: {  	s23 =	simm.s32 $0x1B8B  }
0xa2: {  	_ =	swait.ge [sflag:s23], $0x1  }
0xa3: {  	[sflag:s23] =	ssyncset.done $0x0  }
0xa4: {  	s25 =	simm.s32 $0x1B8E;
	s24 =	sld [smem:$0x3FFE];
	[sflag:s23] =	ssyncadd.s32 $0xFFFFFFFF  }
0xa5: {  	s26 =	simm.s32 $execute0_lowered;
	[smem:$0x3FD2] =	sst s25  }
0xa6: {  	s4 =	sshll.u32 s26, $0x1;
	_ =	strace $0x80000049;
	[dreg:$0x1] =	wrdreg $0xFFFFFFFF  }
0xa7: {  	s28 =	simm.s32 $_size_execute0_lowered;
	s2 =	sadd.s32 s2, s4;
	[dreg:$0x0] =	wrdreg $0x0  }
0xa8: {  	s4 =	sshll.u32 s28, $0x1;
	[dreg:$0x2] =	wrdreg s2  }
0xa9: {  	[dreg:$0x3] =	wrdreg s4  }
0xaa: {  	[dreg:$0x4] =	wrdreg $0xC0  }
0xab: {  	_ =	task [dreg:s6], $0x5FFFF  }
0xac: {  	[dreg:$0x1] =	wrdreg $0xFFFFFFFF  }
0xad: {  	[dreg:$0x0] =	wrdreg $0x60  }
0xae: {  	[dreg:$0x2] =	wrdreg s24  }
0xaf: {  	[dreg:$0x3] =	wrdreg $0x198200  }
0xb0: {  	[dreg:$0x4] =	wrdreg $0x9  }
0xb1: {  	_ =	task.clear_ibuf [dreg:s6], $0x5FFFF;
	_ =	strace $0x90000049  }
0xb2: {  	s29 =	simm.s32 $0x9;
	_ =	strace $0x8000004B  }
0xb3: {  	_ =	swait.ge [sflag:s29], $0x1  }
0xb4: {  	[sflag:s29] =	ssyncadd.s32 $0xFFFFFFFF  }
0xb5: {  	_ =	strace $0x9000004B  }
0xb6: {  	_ =	sfence  }
0xb7: {  	s30 =	sld [smem:$0x0];
	_ =	sdelay $0x2  }
0xb8: {  	s31 =	sshll.u32 s1, $0xD;
	s1 =	sshrl.u32 s1, $0x2  }
0xb9: {  	s3 =	sand.u32 $0x4000, s31;
	s1 =	sadd.s32 s1, s30  }
0xba: {  	s0 =	sor.u32 s3, s0;
	s1 =	sshll.u32 s1, $0x11  }
0xbb: {  	s0 =	sor.u32 s1, s0  }
0xbc: {  	s0 =	sadd.s32 $0x8F2B, s0  }
0xbd: {  	[sflag:s0] =	ssyncadd.remote.s32 $0x1  }
0xbe: {  	_ =	sfence.sel $0xFFFF  }
0xbf: {  	[dreg:$0x0] =	wrdreg $0xFFFFFFFF;
	(pc) =	sbr.abs _section_cstart, $3  }
0xc0: {  	[dreg:$0x1] =	wrdreg $0xFFFFFFFF  }
0xc1: {  	_ =	task.clear_ibuf [dreg:s6], $0x2FFFF;
	_ =	strace $0x9FFFFFFF  }
0xc2: {  	(tm) =	ssettm $0x7FFFFFFF  }
0xc3: {  	_ =	shalt  }
tec
execute0_lowered:
.L_overlay_start_1:
0x0: {  	(tag) =	ssettag $0x1  }
0x1: {  	s8 =	rddreg [dreg:$0x0]  }
0x2: {  	s1 =	srdreg.scid;
	s0 =	stileid.u32  }
0x3: {  	s1 =	sand.u32 $0x1, s1;
	s3 =	sshll.u32 s0, $0x1;
	s6 =	smul.u32 $0xA000, s0  }
0x4: {  	s2 =	rddreg [dreg:$0x1];
	s4 =	sor.u32 s1, s3  }
0x5: {  	s3 =	simm.s32 $0x0;
	s4 =	smul.u32 $0x4E2, s4;
	s5 =	sshrl.u32 s6, $0x4  }
0x6: {  	s7 =	smul.u32 $0xA0000, s1;
	[smem:$0x7FF] =	sst s3;
	s5 =	sadd.s32 s5, s8  }
0x7: {  	_ =	strace $0x8000004A;
	s4 =	sadd.s32 s4, s8;
	s5 =	sadd.s32 $0x17600, s5  }
0x8: {  	s7 =	sadd.s32 s6, s7;
	[dreg:$0x3] =	wrdreg s5;
	s22 =	sadd.s32 $0xD800, s4  }
0x9: {  	s7 =	sshrl.u32 s7, $0x4;
	[dreg:$0x4] =	wrdreg s22  }
0xa: {  	s23 =	sadd.s32 s7, s8;
	s4 =	sadd.s32 $0x3A00, s4;
	s24 =	rddreg [dreg:$0x3]  }
0xb: {  	[dreg:$0x5] =	wrdreg s4;
	s25 =	sadd.s32 $0x2B600, s23  }
0xc: {  	s5 =	simm.s32 $0x14820;
	s4 =	simm.s32 $0x3;
	[dreg:$0x6] =	wrdreg s25  }
0xd: {  	[tilespmem:s5], [sflag:$0x3] =	stream.linear.gather [hbm4b:s24+s3], $0x5000, $0x38;
	[tilespmem:$0x1E820] =	vst v63  }
0xe: {  	_ =	swait.ge [sflag:s4], $0x5000  }
0xf: {  	s6 =	sshrl.u32 s6, $0x1;
	[sflag:s4] =	ssyncset.done $0x0  }
0x10: {  	s6 =	sadd.s32 s6, s2;
	[sflag:s4] =	ssyncadd.s32 $0xFFFFB000  }
0x11: {  	[spmem:s6] =	stream.linear.scatter [tilespmem:s5], [sflag:$0x3], $0x5000, $0x38;
	[tilespmem:$0x1E820] =	vst v63  }
0x12: {  	_ =	swait.ge [sflag:s4], $0x5000  }
0x13: {  	[sflag:s4] =	ssyncset.done $0x0  }
0x14: {  	s26 =	rddreg [dreg:$0x4];
	[sflag:s4] =	ssyncadd.s32 $0xFFFFB000  }
0x15: {  	[tilespmem:s3], [sflag:$0x3] =	stream.linear.gather [hbm4b:s26+s3], $0x2710, $0x38;
	[tilespmem:$0x1E820] =	vst v63  }
0x16: {  	_ =	swait.ge [sflag:s4], $0x2710  }
0x17: {  	[sflag:s4] =	ssyncset.done $0x0  }
0x18: {  	s7 =	simm.s32 $0x2710;
	s9 =	rddreg [dreg:$0x5];
	[sflag:s4] =	ssyncadd.s32 $0xFFFFD8F0  }
0x19: {  	[tilespmem:s7], [sflag:$0x3] =	stream.linear.gather [hbm4b:s9+s3], $0x2710, $0x38;
	[tilespmem:$0x1E820] =	vst v63  }
0x1a: {  	_ =	swait.ge [sflag:s4], $0x2710  }
0x1b: {  	s10 =	simm.s32 $0x4E20;
	[sflag:s4] =	ssyncset.done $0x0  }
0x1c: {  	s8 =	sadd.s32 $0x21600, s8;
	s9 =	simm.s32 $0x3E8;
	[sflag:s4] =	ssyncadd.s32 $0xFFFFD8F0  }
0x1d: {  	[tilespmem:s10], [sflag:$0x1] =	stream.indirect.gather [hbm4b:s8+s9], $0x20, s3, s9, $0xb8;
	[tilespmem:$0x1E820] =	vst v63  }
0x1e: {  	s11 =	simm.s32 $0xCB20;
	s12 =	simm.s32 $0x1;
	[bflag:$0x0] =	sbarrier.arrive $0xFFFF  }
0x1f: {  	[tilespmem:s11], [sflag:$0x2] =	stream.indirect.gather [hbm4b:s8+s9], $0x20, s9, s9, $0xb8;
	[tilespmem:$0x1E820] =	vst v63  }
0x20: {  	_ =	swait.ge [sflag:s12], $0x7D00  }
0x21: {  	[sflag:s12] =	ssyncset.done $0x0  }
0x22: {  	[sflag:s12] =	ssyncadd.s32 $0xFFFF8300  }
0x23: {  	[spmem:s2] =	stream.indirect.scatter.add.bf16 [tilespmem:s10], [sflag:$0x3], $0x20, s7, s9, $0xb8;
	[tilespmem:$0x1E820] =	vst v63  }
0x24: {  	_ =	swait.ge [sflag:s4], $0x7D00  }
0x25: {  	[sflag:s4] =	ssyncset.done $0x0  }
0x26: {  	s13 =	simm.s32 $0x7D0;
	s14 =	simm.s32 $0x2;
	[sflag:s4] =	ssyncadd.s32 $0xFFFF8300  }
0x27: {  	[tilespmem:s10], [sflag:$0x1] =	stream.indirect.gather [hbm4b:s8+s9], $0x20, s13, s9, $0xb8;
	[tilespmem:$0x1E820] =	vst v63  }
0x28: {  	_ =	swait.ge [sflag:s14], $0x7D00  }
0x29: {  	[sflag:s14] =	ssyncset.done $0x0  }
0x2a: {  	s15 =	simm.s32 $0x2AF8;
	[sflag:s14] =	ssyncadd.s32 $0xFFFF8300  }
0x2b: {  	[spmem:s2] =	stream.indirect.scatter.add.bf16 [tilespmem:s11], [sflag:$0x3], $0x20, s15, s9, $0xb8;
	[tilespmem:$0x1E820] =	vst v63  }
0x2c: {  	_ =	swait.ge [sflag:s4], $0x7D00  }
0x2d: {  	[sflag:s4] =	ssyncset.done $0x0  }
0x2e: {  	s16 =	simm.s32 $0xBB8;
	[sflag:s4] =	ssyncadd.s32 $0xFFFF8300  }
0x2f: {  	[tilespmem:s11], [sflag:$0x2] =	stream.indirect.gather [hbm4b:s8+s9], $0x20, s16, s9, $0xb8;
	[tilespmem:$0x1E820] =	vst v63  }
0x30: {  	_ =	swait.ge [sflag:s12], $0x7D00  }
0x31: {  	[sflag:s12] =	ssyncset.done $0x0  }
0x32: {  	s17 =	simm.s32 $0x2EE0;
	[sflag:s12] =	ssyncadd.s32 $0xFFFF8300  }
0x33: {  	[spmem:s2] =	stream.indirect.scatter.add.bf16 [tilespmem:s10], [sflag:$0x3], $0x20, s17, s9, $0xb8;
	[tilespmem:$0x1E820] =	vst v63  }
0x34: {  	_ =	swait.ge [sflag:s4], $0x7D00  }
0x35: {  	[sflag:s4] =	ssyncset.done $0x0  }
0x36: {  	s18 =	simm.s32 $0xFA0;
	[sflag:s4] =	ssyncadd.s32 $0xFFFF8300  }
0x37: {  	[tilespmem:s10], [sflag:$0x1] =	stream.indirect.gather [hbm4b:s8+s9], $0x20, s18, s9, $0xb8;
	[tilespmem:$0x1E820] =	vst v63  }
0x38: {  	_ =	swait.ge [sflag:s14], $0x7D00  }
0x39: {  	[sflag:s14] =	ssyncset.done $0x0  }
0x3a: {  	s19 =	simm.s32 $0x32C8;
	[sflag:s14] =	ssyncadd.s32 $0xFFFF8300  }
0x3b: {  	[spmem:s2] =	stream.indirect.scatter.add.bf16 [tilespmem:s11], [sflag:$0x3], $0x20, s19, s9, $0xb8;
	[tilespmem:$0x1E820] =	vst v63  }
0x3c: {  	_ =	swait.ge [sflag:s4], $0x7D00  }
0x3d: {  	[sflag:s4] =	ssyncset.done $0x0  }
0x3e: {  	s20 =	simm.s32 $0x1388;
	[sflag:s4] =	ssyncadd.s32 $0xFFFF8300  }
0x3f: {  	[tilespmem:s11], [sflag:$0x2] =	stream.indirect.gather [hbm4b:s8+s9], $0x20, s20, s9, $0xb8;
	[tilespmem:$0x1E820] =	vst v63  }
0x40: {  	_ =	swait.ge [sflag:s12], $0x7D00  }
0x41: {  	[sflag:s12] =	ssyncset.done $0x0  }
0x42: {  	s21 =	simm.s32 $0x36B0;
	[sflag:s12] =	ssyncadd.s32 $0xFFFF8300  }
0x43: {  	[spmem:s2] =	stream.indirect.scatter.add.bf16 [tilespmem:s10], [sflag:$0x3], $0x20, s21, s9, $0xb8;
	[tilespmem:$0x1E820] =	vst v63  }
0x44: {  	_ =	swait.ge [sflag:s4], $0x7D00  }
0x45: {  	[sflag:s4] =	ssyncset.done $0x0  }
0x46: {  	s22 =	simm.s32 $0x1770;
	[sflag:s4] =	ssyncadd.s32 $0xFFFF8300  }
0x47: {  	[tilespmem:s10], [sflag:$0x1] =	stream.indirect.gather [hbm4b:s8+s9], $0x20, s22, s9, $0xb8;
	[tilespmem:$0x1E820] =	vst v63  }
0x48: {  	_ =	swait.ge [sflag:s14], $0x7D00  }
0x49: {  	[sflag:s14] =	ssyncset.done $0x0  }
0x4a: {  	s23 =	simm.s32 $0x3A98;
	[sflag:s14] =	ssyncadd.s32 $0xFFFF8300  }
0x4b: {  	[spmem:s2] =	stream.indirect.scatter.add.bf16 [tilespmem:s11], [sflag:$0x3], $0x20, s23, s9, $0xb8;
	[tilespmem:$0x1E820] =	vst v63  }
0x4c: {  	_ =	swait.ge [sflag:s4], $0x7D00  }
0x4d: {  	[sflag:s4] =	ssyncset.done $0x0  }
0x4e: {  	s24 =	simm.s32 $0x1B58;
	[sflag:s4] =	ssyncadd.s32 $0xFFFF8300  }
0x4f: {  	[tilespmem:s11], [sflag:$0x2] =	stream.indirect.gather [hbm4b:s8+s9], $0x20, s24, s9, $0xb8;
	[tilespmem:$0x1E820] =	vst v63  }
0x50: {  	_ =	swait.ge [sflag:s12], $0x7D00  }
0x51: {  	[sflag:s12] =	ssyncset.done $0x0  }
0x52: {  	s25 =	simm.s32 $0x3E80;
	[sflag:s12] =	ssyncadd.s32 $0xFFFF8300  }
0x53: {  	[spmem:s2] =	stream.indirect.scatter.add.bf16 [tilespmem:s10], [sflag:$0x3], $0x20, s25, s9, $0xb8;
	[tilespmem:$0x1E820] =	vst v63  }
0x54: {  	_ =	swait.ge [sflag:s4], $0x7D00  }
0x55: {  	[sflag:s4] =	ssyncset.done $0x0  }
0x56: {  	s26 =	simm.s32 $0x1F40;
	[sflag:s4] =	ssyncadd.s32 $0xFFFF8300  }
0x57: {  	[tilespmem:s10], [sflag:$0x1] =	stream.indirect.gather [hbm4b:s8+s9], $0x20, s26, s9, $0xb8;
	[tilespmem:$0x1E820] =	vst v63  }
0x58: {  	_ =	swait.ge [sflag:s14], $0x7D00  }
0x59: {  	[sflag:s14] =	ssyncset.done $0x0  }
0x5a: {  	s28 =	simm.s32 $0x4268;
	[sflag:s14] =	ssyncadd.s32 $0xFFFF8300  }
0x5b: {  	[spmem:s2] =	stream.indirect.scatter.add.bf16 [tilespmem:s11], [sflag:$0x3], $0x20, s28, s9, $0xb8;
	[tilespmem:$0x1E820] =	vst v63  }
0x5c: {  	_ =	swait.ge [sflag:s4], $0x7D00  }
0x5d: {  	[sflag:s4] =	ssyncset.done $0x0  }
0x5e: {  	s29 =	simm.s32 $0x2328;
	[sflag:s4] =	ssyncadd.s32 $0xFFFF8300  }
0x5f: {  	[tilespmem:s11], [sflag:$0x2] =	stream.indirect.gather [hbm4b:s8+s9], $0x20, s29, s9, $0xb8;
	[tilespmem:$0x1E820] =	vst v63  }
0x60: {  	_ =	swait.ge [sflag:s12], $0x7D00  }
0x61: {  	[sflag:s12] =	ssyncset.done $0x0  }
0x62: {  	s30 =	simm.s32 $0x4650;
	[sflag:s12] =	ssyncadd.s32 $0xFFFF8300  }
0x63: {  	[spmem:s2] =	stream.indirect.scatter.add.bf16 [tilespmem:s10], [sflag:$0x3], $0x20, s30, s9, $0xb8;
	[tilespmem:$0x1E820] =	vst v63  }
0x64: {  	_ =	swait.ge [sflag:s4], $0x7D00  }
0x65: {  	[sflag:s4] =	ssyncset.done $0x0  }
0x66: {  	[sflag:s4] =	ssyncadd.s32 $0xFFFF8300  }
0x67: {  	_ =	swait.ge [sflag:s14], $0x7D00  }
0x68: {  	[sflag:s14] =	ssyncset.done $0x0  }
0x69: {  	s31 =	simm.s32 $0x4A38;
	[sflag:s14] =	ssyncadd.s32 $0xFFFF8300  }
0x6a: {  	[spmem:s2] =	stream.indirect.scatter.add.bf16 [tilespmem:s11], [sflag:$0x3], $0x20, s31, s9, $0xb8;
	[tilespmem:$0x1E820] =	vst v63  }
0x6b: {  	_ =	swait.ge [sflag:s4], $0x7D00  }
0x6c: {  	[sflag:s4] =	ssyncset.done $0x0  }
0x6d: {  	[sflag:s4] =	ssyncadd.s32 $0xFFFF8300  }
0x6e: {  	[bflag:$0x0] =	sbarrier.arrive $0xFFFF  }
0x6f: {  	[tilespmem:s5], [sflag:$0x3] =	stream.linear.gather [spmem:s6], $0x5000, $0x38;
	[tilespmem:$0x1E820] =	vst v63  }
0x70: {  	_ =	swait.ge [sflag:s4], $0x5000  }
0x71: {  	s1 =	ssub.s32 $0x2, s1;
	s0 =	rddreg [dreg:$0x6]  }
0x72: {  	[dreg:$0x7] =	wrdreg s0;
	s0 =	sshrl.u32 s1, $0x1  }
0x73: {  	s0 =	ssub.s32 s1, s0  }
0x74: {  	s0 =	smax.u32 s0, $0x1  }
0x75: {  	p0 =	sne.s32 s0, $0x1  }
.Ltmp0:
0x76: {  	_ = 	snop;
	(pc) =	sbr.rel @!p0 .LBB2_2-.Ltmp0, $4  }
0x77: {  	[sflag:s4] =	ssyncset.done $0x0  }
0x78: {  	[sflag:s4] =	ssyncadd.s32 $0xFFFFB000;
	s1 =	rddreg [dreg:$0x7]  }
0x79: {  	[hbm4b:s1+s3] =	stream.linear.scatter [tilespmem:s5], [sflag:$0x3], $0x5000, $0x38;
	[tilespmem:$0x1E820] =	vst v63  }
0x7a: {  	s1 =	sadd.s32 $0xFFFFFFFF, s0;
	_ =	swait.ge [sflag:s4], $0x5000  }
.LBB2_1:
0x7b: {  	[sflag:s4] =	ssyncset.done $0x0  }
0x7c: {  	s0 =	rddreg [dreg:$0x3];
	[sflag:s4] =	ssyncadd.s32 $0xFFFFB000  }
0x7d: {  	[tilespmem:s5], [sflag:$0x3] =	stream.linear.gather [hbm4b:s0+s3], $0x5000, $0x38;
	[tilespmem:$0x1E820] =	vst v63  }
0x7e: {  	_ =	swait.ge [sflag:s4], $0x5000  }
0x7f: {  	[sflag:s4] =	ssyncset.done $0x0  }
0x80: {  	[sflag:s4] =	ssyncadd.s32 $0xFFFFB000  }
0x81: {  	[spmem:s6] =	stream.linear.scatter [tilespmem:s5], [sflag:$0x3], $0x5000, $0x38;
	[tilespmem:$0x1E820] =	vst v63  }
0x82: {  	_ =	swait.ge [sflag:s4], $0x5000  }
0x83: {  	[sflag:s4] =	ssyncset.done $0x0  }
0x84: {  	s0 =	rddreg [dreg:$0x4];
	[sflag:s4] =	ssyncadd.s32 $0xFFFFB000  }
0x85: {  	[tilespmem:s3], [sflag:$0x3] =	stream.linear.gather [hbm4b:s0+s3], $0x2710, $0x38;
	[tilespmem:$0x1E820] =	vst v63  }
0x86: {  	_ =	swait.ge [sflag:s4], $0x2710  }
0x87: {  	[sflag:s4] =	ssyncset.done $0x0  }
0x88: {  	s0 =	rddreg [dreg:$0x5];
	[sflag:s4] =	ssyncadd.s32 $0xFFFFD8F0  }
0x89: {  	[tilespmem:s7], [sflag:$0x3] =	stream.linear.gather [hbm4b:s0+s3], $0x2710, $0x38;
	[tilespmem:$0x1E820] =	vst v63  }
0x8a: {  	_ =	swait.ge [sflag:s4], $0x2710  }
0x8b: {  	[sflag:s4] =	ssyncset.done $0x0  }
0x8c: {  	[sflag:s4] =	ssyncadd.s32 $0xFFFFD8F0  }
0x8d: {  	[tilespmem:s10], [sflag:$0x1] =	stream.indirect.gather [hbm4b:s8+s9], $0x20, s3, s9, $0xb8;
	[tilespmem:$0x1E820] =	vst v63  }
0x8e: {  	[bflag:$0x0] =	sbarrier.arrive $0xFFFF  }
0x8f: {  	[tilespmem:s11], [sflag:$0x2] =	stream.indirect.gather [hbm4b:s8+s9], $0x20, s9, s9, $0xb8;
	[tilespmem:$0x1E820] =	vst v63  }
0x90: {  	_ =	swait.ge [sflag:s12], $0x7D00  }
0x91: {  	[sflag:s12] =	ssyncset.done $0x0  }
0x92: {  	[sflag:s12] =	ssyncadd.s32 $0xFFFF8300  }
0x93: {  	[spmem:s2] =	stream.indirect.scatter.add.bf16 [tilespmem:s10], [sflag:$0x3], $0x20, s7, s9, $0xb8;
	[tilespmem:$0x1E820] =	vst v63  }
0x94: {  	_ =	swait.ge [sflag:s4], $0x7D00  }
0x95: {  	[sflag:s4] =	ssyncset.done $0x0  }
0x96: {  	[sflag:s4] =	ssyncadd.s32 $0xFFFF8300  }
0x97: {  	[tilespmem:s10], [sflag:$0x1] =	stream.indirect.gather [hbm4b:s8+s9], $0x20, s13, s9, $0xb8;
	[tilespmem:$0x1E820] =	vst v63  }
0x98: {  	_ =	swait.ge [sflag:s14], $0x7D00  }
0x99: {  	[sflag:s14] =	ssyncset.done $0x0  }
0x9a: {  	[sflag:s14] =	ssyncadd.s32 $0xFFFF8300  }
0x9b: {  	[spmem:s2] =	stream.indirect.scatter.add.bf16 [tilespmem:s11], [sflag:$0x3], $0x20, s15, s9, $0xb8;
	[tilespmem:$0x1E820] =	vst v63  }
0x9c: {  	_ =	swait.ge [sflag:s4], $0x7D00  }
0x9d: {  	[sflag:s4] =	ssyncset.done $0x0  }
0x9e: {  	[sflag:s4] =	ssyncadd.s32 $0xFFFF8300  }
0x9f: {  	[tilespmem:s11], [sflag:$0x2] =	stream.indirect.gather [hbm4b:s8+s9], $0x20, s16, s9, $0xb8;
	[tilespmem:$0x1E820] =	vst v63  }
0xa0: {  	_ =	swait.ge [sflag:s12], $0x7D00  }
0xa1: {  	[sflag:s12] =	ssyncset.done $0x0  }
0xa2: {  	[sflag:s12] =	ssyncadd.s32 $0xFFFF8300  }
0xa3: {  	[spmem:s2] =	stream.indirect.scatter.add.bf16 [tilespmem:s10], [sflag:$0x3], $0x20, s17, s9, $0xb8;
	[tilespmem:$0x1E820] =	vst v63  }
0xa4: {  	_ =	swait.ge [sflag:s4], $0x7D00  }
0xa5: {  	[sflag:s4] =	ssyncset.done $0x0  }
0xa6: {  	[sflag:s4] =	ssyncadd.s32 $0xFFFF8300  }
0xa7: {  	[tilespmem:s10], [sflag:$0x1] =	stream.indirect.gather [hbm4b:s8+s9], $0x20, s18, s9, $0xb8;
	[tilespmem:$0x1E820] =	vst v63  }
0xa8: {  	_ =	swait.ge [sflag:s14], $0x7D00  }
0xa9: {  	[sflag:s14] =	ssyncset.done $0x0  }
0xaa: {  	[sflag:s14] =	ssyncadd.s32 $0xFFFF8300  }
0xab: {  	[spmem:s2] =	stream.indirect.scatter.add.bf16 [tilespmem:s11], [sflag:$0x3], $0x20, s19, s9, $0xb8;
	[tilespmem:$0x1E820] =	vst v63  }
0xac: {  	_ =	swait.ge [sflag:s4], $0x7D00  }
0xad: {  	[sflag:s4] =	ssyncset.done $0x0  }
0xae: {  	[sflag:s4] =	ssyncadd.s32 $0xFFFF8300  }
0xaf: {  	[tilespmem:s11], [sflag:$0x2] =	stream.indirect.gather [hbm4b:s8+s9], $0x20, s20, s9, $0xb8;
	[tilespmem:$0x1E820] =	vst v63  }
0xb0: {  	_ =	swait.ge [sflag:s12], $0x7D00  }
0xb1: {  	[sflag:s12] =	ssyncset.done $0x0  }
0xb2: {  	[sflag:s12] =	ssyncadd.s32 $0xFFFF8300  }
0xb3: {  	[spmem:s2] =	stream.indirect.scatter.add.bf16 [tilespmem:s10], [sflag:$0x3], $0x20, s21, s9, $0xb8;
	[tilespmem:$0x1E820] =	vst v63  }
0xb4: {  	_ =	swait.ge [sflag:s4], $0x7D00  }
0xb5: {  	[sflag:s4] =	ssyncset.done $0x0  }
0xb6: {  	[sflag:s4] =	ssyncadd.s32 $0xFFFF8300  }
0xb7: {  	[tilespmem:s10], [sflag:$0x1] =	stream.indirect.gather [hbm4b:s8+s9], $0x20, s22, s9, $0xb8;
	[tilespmem:$0x1E820] =	vst v63  }
0xb8: {  	_ =	swait.ge [sflag:s14], $0x7D00  }
0xb9: {  	[sflag:s14] =	ssyncset.done $0x0  }
0xba: {  	[sflag:s14] =	ssyncadd.s32 $0xFFFF8300  }
0xbb: {  	[spmem:s2] =	stream.indirect.scatter.add.bf16 [tilespmem:s11], [sflag:$0x3], $0x20, s23, s9, $0xb8;
	[tilespmem:$0x1E820] =	vst v63  }
0xbc: {  	_ =	swait.ge [sflag:s4], $0x7D00  }
0xbd: {  	[sflag:s4] =	ssyncset.done $0x0  }
0xbe: {  	[sflag:s4] =	ssyncadd.s32 $0xFFFF8300  }
0xbf: {  	[tilespmem:s11], [sflag:$0x2] =	stream.indirect.gather [hbm4b:s8+s9], $0x20, s24, s9, $0xb8;
	[tilespmem:$0x1E820] =	vst v63  }
0xc0: {  	_ =	swait.ge [sflag:s12], $0x7D00  }
0xc1: {  	[sflag:s12] =	ssyncset.done $0x0  }
0xc2: {  	[sflag:s12] =	ssyncadd.s32 $0xFFFF8300  }
0xc3: {  	[spmem:s2] =	stream.indirect.scatter.add.bf16 [tilespmem:s10], [sflag:$0x3], $0x20, s25, s9, $0xb8;
	[tilespmem:$0x1E820] =	vst v63  }
0xc4: {  	_ =	swait.ge [sflag:s4], $0x7D00  }
0xc5: {  	[sflag:s4] =	ssyncset.done $0x0  }
0xc6: {  	[sflag:s4] =	ssyncadd.s32 $0xFFFF8300  }
0xc7: {  	[tilespmem:s10], [sflag:$0x1] =	stream.indirect.gather [hbm4b:s8+s9], $0x20, s26, s9, $0xb8;
	[tilespmem:$0x1E820] =	vst v63  }
0xc8: {  	_ =	swait.ge [sflag:s14], $0x7D00  }
0xc9: {  	[sflag:s14] =	ssyncset.done $0x0  }
0xca: {  	[sflag:s14] =	ssyncadd.s32 $0xFFFF8300  }
0xcb: {  	[spmem:s2] =	stream.indirect.scatter.add.bf16 [tilespmem:s11], [sflag:$0x3], $0x20, s28, s9, $0xb8;
	[tilespmem:$0x1E820] =	vst v63  }
0xcc: {  	_ =	swait.ge [sflag:s4], $0x7D00  }
0xcd: {  	[sflag:s4] =	ssyncset.done $0x0  }
0xce: {  	[sflag:s4] =	ssyncadd.s32 $0xFFFF8300  }
0xcf: {  	[tilespmem:s11], [sflag:$0x2] =	stream.indirect.gather [hbm4b:s8+s9], $0x20, s29, s9, $0xb8;
	[tilespmem:$0x1E820] =	vst v63  }
0xd0: {  	_ =	swait.ge [sflag:s12], $0x7D00  }
0xd1: {  	[sflag:s12] =	ssyncset.done $0x0  }
0xd2: {  	[sflag:s12] =	ssyncadd.s32 $0xFFFF8300  }
0xd3: {  	[spmem:s2] =	stream.indirect.scatter.add.bf16 [tilespmem:s10], [sflag:$0x3], $0x20, s30, s9, $0xb8;
	[tilespmem:$0x1E820] =	vst v63  }
0xd4: {  	_ =	swait.ge [sflag:s4], $0x7D00  }
0xd5: {  	[sflag:s4] =	ssyncset.done $0x0  }
0xd6: {  	[sflag:s4] =	ssyncadd.s32 $0xFFFF8300  }
0xd7: {  	_ =	swait.ge [sflag:s14], $0x7D00  }
0xd8: {  	[sflag:s14] =	ssyncset.done $0x0  }
0xd9: {  	[sflag:s14] =	ssyncadd.s32 $0xFFFF8300  }
0xda: {  	[spmem:s2] =	stream.indirect.scatter.add.bf16 [tilespmem:s11], [sflag:$0x3], $0x20, s31, s9, $0xb8;
	[tilespmem:$0x1E820] =	vst v63  }
0xdb: {  	_ =	swait.ge [sflag:s4], $0x7D00  }
0xdc: {  	[sflag:s4] =	ssyncset.done $0x0  }
0xdd: {  	[sflag:s4] =	ssyncadd.s32 $0xFFFF8300  }
0xde: {  	p0 =	sne.s32 s1, $0x1;
	[bflag:$0x0] =	sbarrier.arrive $0xFFFF  }
0xdf: {  	[tilespmem:s5], [sflag:$0x3] =	stream.linear.gather [spmem:s6], $0x5000, $0x38;
	[tilespmem:$0x1E820] =	vst v63  }
.Ltmp1:
0xe0: {  	_ =	swait.ge [sflag:s4], $0x5000;
	(pc) =	sbr.rel @p0 .LBB2_1-.Ltmp1, $4  }
0xe1: {  	[sflag:s4] =	ssyncset.done $0x0  }
0xe2: {  	s0 =	rddreg [dreg:$0x6];
	[sflag:s4] =	ssyncadd.s32 $0xFFFFB000  }
0xe3: {  	[hbm4b:s0+s3] =	stream.linear.scatter [tilespmem:s5], [sflag:$0x3], $0x5000, $0x38;
	[tilespmem:$0x1E820] =	vst v63  }
0xe4: {  	s1 =	sadd.s32 $0xFFFFFFFF, s1;
	_ =	swait.ge [sflag:s4], $0x5000  }
.LBB2_2:
0xe5: {  	[sflag:s4] =	ssyncset.done $0x0  }
0xe6: {  	[sflag:s4] =	ssyncadd.s32 $0xFFFFB000  }
0xe7: {  	_ =	sfence.sel $0x180000  }
0xe8: {  	[bflag:$0x0] =	sbarrier.arrive $0xFFFF  }
0xe9: {  	_ =	strace $0x9000004A  }
0xea: {  	s0 =	stileid.u32;
	[bflag:$0x2] =	sbarrier.arrive $0xFFFF  }
0xeb: {  	p0 =	sne.s32 s0, $0x0;
	s0 =	rddreg [dreg:$0x2]  }
0xec: {  	s0 =	sadd.s32 @!p0 $0x100000, s0  }
0xed: {  	[sflag:s0] =	ssyncadd.tile.s32 @!p0 $0x1;
	_ =	shalt  }
.Lfunc_end2:
_tile_overlayer_lowered:
.L_overlay_start_2:
0xee: {  	(tag) =	ssettag $0x2  }
0xef: {  	s0 =	rddreg [dreg:$0x0];
	s2 =	stileid.u32  }
0xf0: {  	s1 =	rddreg [dreg:$0x1];
	p0 =	sne.s32 s2, $0x0  }
0xf1: {  	s3 =	rddreg [dreg:$0x2];
	[bflag:$0x3] =	sbarrier.arrive $0xFFFF;
	s2 =	simm.s32 @!p0 $0x1C03  }
0xf2: {  	[timem:s3], [sflag:s2] =	dma.local @!p0 [hbm:s0], s1  }
0xf3: {  	s0 =	simm.s32 @!p0 $0x3  }
0xf4: {  	_ =	swait.ge @!p0 [sflag:s0], s1  }
0xf5: {  	s1 =	ssub.s32 @!p0 $0x0, s1;
	[sflag:s0] =	ssyncset.done @!p0 $0x0  }
0xf6: {  	[sflag:s0] =	ssyncadd.s32 @!p0 s1  }
0xf7: {  	[bflag:$0x3] =	sbarrier.arrive $0xFFFF  }
0xf8: {  	_ =	shalt  }

// kernel: kernel.15.cloned.1.call-start
scs
__scs_entry_jumppad:
0x0: {  	(pc) =	sbr.rel $0x88, $3  }
0x1: {  	(tag) =	ssettag $0x0;
	lr =	simm.s32 $0x1  }
0x2: {  	[smem:$0x3F88] =	sst lr;
	_ =	strace $0xD0000000  }
0x3: {  	_ = 	snop  }
0x4: {  	_ = 	snop  }
0x5: {  	_ = 	snop  }
0x6: {  	_ = 	snop  }
0x7: {  	_ = 	snop  }
__scs_overlays_trampoline_lowered:
0x8: {  	[smem:$0x3F97] =	sst s0  }
0x9: {  	[smem:$0x3F98] =	sst s1  }
0xa: {  	[smem:$0x3F99] =	sst s2  }
0xb: {  	[smem:$0x3F9A] =	sst s3  }
0xc: {  	[smem:$0x3F9B] =	sst s4  }
0xd: {  	[smem:$0x3F9C] =	sst s5  }
0xe: {  	[smem:$0x3F9D] =	sst s6  }
0xf: {  	[smem:$0x3F9E] =	sst s7  }
0x10: {  	[smem:$0x3F9F] =	sst s8  }
0x11: {  	[smem:$0x3FA0] =	sst s9;
	s0 =	simm.s32 @!p0 $0x0  }
0x12: {  	s1 =	sld [smem:$0x3F86];
	s0 =	simm.s32 @p0 $0x1  }
0x13: {  	[smem:$0x3FA1] =	sst s0;
	s0 =	simm.s32 @!p1 $0x0  }
0x14: {  	s2 =	sld [smem:$0x3F85];
	s0 =	simm.s32 @p1 $0x1  }
0x15: {  	[smem:$0x3FA2] =	sst s0;
	s0 =	simm.s32 @!p2 $0x0  }
0x16: {  	s3 =	sld [smem:$0x3FDB];
	s0 =	simm.s32 @p2 $0x1  }
0x17: {  	s4 =	simm.s32 $0x1BF5;
	[smem:$0x3FA4] =	sst s0  }
0x18: {  	s0 =	sld [smem:$0x3F87];
	_ =	swait.ge [sflag:s4], $0x0  }
0x19: {  	s7 =	sld [smem:$0x3F88]  }
0x1a: {  	s8 =	sadd.s32 $0xFFFFE003, lr  }
0x1b: {  	s9 =	sadd.s32 $0xFFFFFEF7, lr;
	s5 =	simm.s32 $0xFFFFFFFF;
	p2 =	slt.u32 s8, $0xFFFFF086  }
0x1c: {  	p1 =	slt.u32 s9, $0xF7A;
	s5 =	simm.s32 @!p2 $0x0  }
0x1d: {  	s5 =	simm.s32 @p1 $0x1;
	p0 =	seq.s32 s7, s2  }
0x1e: {  	s7 =	smul.u32 @!p0 $0xF7A, s2;
	p2 =	seq.s32 @!p0 s5, $0x0  }
0x1f: {  	s9 =	smul.u32 $0xF7A, s1;
	s8 =	simm.s32 @!p0 $0x1BF5;
	p2 =	por !p2, p0  }
0x20: {  	[sflag:s8] =	ssyncset.s32 @!p0 $0xFFFFF086;
	s6 =	sadd.s32 @!p0 s3, s7;
	s7 =	simm.s32 @!p0 $0x108  }
0x21: {  	s3 =	sadd.s32 s3, s9;
	s6 =	sadd.s32 @!p0 $0x88, s6;
	s7 =	simm.s32 @p2 $0x1082  }
0x22: {  	[simem:s7], [sflag:s8] =	dma.local @!p0 [hbm:s6], $0xF7A  }
0x23: {  	s9 =	sor.u32 $0xD0000000, s2;
	s6 =	simm.s32 $0x108;
	_ =	swait.ge @!p0 [sflag:s8], $0x0  }
0x24: {  	s3 =	sadd.s32 $0x88, s3;
	s6 =	simm.s32 @!p1 $0x1082;
	[sflag:s4] =	ssyncset.s32 $0xFFFFF086  }
0x25: {  	[simem:s6], [sflag:s4] =	dma.local [hbm:s3], $0xF7A  }
0x26: {  	[smem:$0x3F88] =	sst s1;
	(tag) =	ssettag s2;
	_ =	strace s9  }
0x27: {  	s1 =	sld [smem:$0x3F98]  }
0x28: {  	s2 =	sld [smem:$0x3F99]  }
0x29: {  	s4 =	sld [smem:$0x3F9B]  }
0x2a: {  	p0 =	seq.s32 s5, $0x0;
	s5 =	sld [smem:$0x3F9C]  }
0x2b: {  	s6 =	sld [smem:$0x3F9D]  }
0x2c: {  	s7 =	sld [smem:$0x3F9E]  }
0x2d: {  	s3 =	simm.s32 $0x108;
	s8 =	sld [smem:$0x3F9F]  }
0x2e: {  	s3 =	simm.s32 @!p0 $0x1082;
	s9 =	sld [smem:$0x3FA0]  }
0x2f: {  	lr =	sadd.s32 s0, s3;
	s0 =	sld [smem:$0x3F97]  }
0x30: {  	s3 =	sld [smem:$0x3F9A]  }
0x31: {  	[smem:$0x3FA3] =	sst s10  }
0x32: {  	s10 =	sld [smem:$0x3FA1];
	_ =	sdelay $0x3  }
0x33: {  	p0 =	seq.s32 s10, $0x1;
	s10 =	sld [smem:$0x3FA3];
	_ =	sdelay $0x3  }
0x34: {  	[smem:$0x3FA3] =	sst s10  }
0x35: {  	s10 =	sld [smem:$0x3FA2];
	_ =	sdelay $0x3  }
0x36: {  	p1 =	seq.s32 s10, $0x1;
	s10 =	sld [smem:$0x3FA3];
	_ =	sdelay $0x3  }
0x37: {  	[smem:$0x3FA3] =	sst s10  }
0x38: {  	s10 =	sld [smem:$0x3FA4]  }
0x39: {  	_ = 	snop;
	(pc) =	sbr.ind lr, $3  }
0x3a: {  	_ = 	snop  }
0x3b: {  	_ = 	snop  }
0x3c: {  	p2 =	seq.s32 s10, $0x1;
	s10 =	sld [smem:$0x3FA3]  }
0x3d: {  	_ =	shalt  }
0x3e: {  	_ =	shalt  }
0x3f: {  	_ =	shalt  }
0x40: {  	_ =	shalt  }
0x41: {  	_ =	shalt  }
0x42: {  	_ =	shalt  }
0x43: {  	_ =	shalt  }
0x44: {  	_ =	shalt  }
0x45: {  	_ =	shalt  }
0x46: {  	_ =	shalt  }
0x47: {  	_ =	shalt  }
0x48: {  	_ =	shalt  }
0x49: {  	_ =	shalt  }
0x4a: {  	_ =	shalt  }
0x4b: {  	_ =	shalt  }
0x4c: {  	_ =	shalt  }
0x4d: {  	_ =	shalt  }
0x4e: {  	_ =	shalt  }
0x4f: {  	_ =	shalt  }
0x50: {  	_ =	shalt  }
0x51: {  	_ =	shalt  }
0x52: {  	_ =	shalt  }
0x53: {  	_ =	shalt  }
0x54: {  	_ =	shalt  }
0x55: {  	_ =	shalt  }
0x56: {  	_ =	shalt  }
0x57: {  	_ =	shalt  }
0x58: {  	_ =	shalt  }
0x59: {  	_ =	shalt  }
0x5a: {  	_ =	shalt  }
0x5b: {  	_ =	shalt  }
0x5c: {  	_ =	shalt  }
0x5d: {  	_ =	shalt  }
0x5e: {  	_ =	shalt  }
0x5f: {  	_ =	shalt  }
0x60: {  	_ =	shalt  }
0x61: {  	_ =	shalt  }
0x62: {  	_ =	shalt  }
0x63: {  	_ =	shalt  }
0x64: {  	_ =	shalt  }
0x65: {  	_ =	shalt  }
0x66: {  	_ =	shalt  }
0x67: {  	_ =	shalt  }
0x68: {  	_ =	shalt  }
0x69: {  	_ =	shalt  }
0x6a: {  	_ =	shalt  }
0x6b: {  	_ =	shalt  }
0x6c: {  	_ =	shalt  }
0x6d: {  	_ =	shalt  }
0x6e: {  	_ =	shalt  }
0x6f: {  	_ =	shalt  }
0x70: {  	_ =	shalt  }
0x71: {  	_ =	shalt  }
0x72: {  	_ =	shalt  }
0x73: {  	_ =	shalt  }
0x74: {  	_ =	shalt  }
0x75: {  	_ =	shalt  }
0x76: {  	_ =	shalt  }
0x77: {  	_ =	shalt  }
0x78: {  	_ =	shalt  }
0x79: {  	_ =	shalt  }
0x7a: {  	_ =	shalt  }
0x7b: {  	_ =	shalt  }
0x7c: {  	_ =	shalt  }
0x7d: {  	_ =	shalt  }
0x7e: {  	_ =	shalt  }
0x7f: {  	_ =	shalt  }
0x80: {  	_ =	shalt  }
0x81: {  	_ =	shalt  }
0x82: {  	_ =	shalt  }
0x83: {  	_ =	shalt  }
0x84: {  	_ =	shalt  }
0x85: {  	_ =	shalt  }
0x86: {  	_ =	shalt  }
0x87: {  	_ =	shalt  }
.Lfunc_end0:
.L_simem_size_0:
called_computation.2_lowered:
.L_overlay_start_0:
0x88: {  	s2 =	sld [smem:$0x3FD9]  }
0x89: {  	s3 =	sld [smem:$0x3FFE];
	_ =	sdelay $0x1  }
0x8a: {  	s1 =	srdreg.scid  }
0x8b: {  	s0 =	sand.u32 $0x1, s1  }
0x8c: {  	s16 =	sshll.u32 s0, $0xA;
	s2 =	sadd.s32 s3, s2  }
0x8d: {  	s2 =	sadd.s32 s2, s16  }
0x8e: {  	[smem:$0x3FAF] =	sst s2  }
0x8f: {  	_ = 	snop  }
0x90: {  	(tm) =	ssettm $0x1  }
0x91: {  	s17 =	sld [smem:$0x3FFB];
	_ =	sdelay $0x3  }
0x92: {  	_ =	strace s17  }
0x93: {  	s2 =	sld [smem:$0x3FFC];
	_ =	sdelay $0x3  }
0x94: {  	_ =	strace s2  }
0x95: {  	s2 =	sld [smem:$0x3FFD];
	_ =	sdelay $0x3  }
0x96: {  	_ =	strace s2  }
0x97: {  	_ =	strace $0x8FFFFFFF  }
0x98: {  	s18 =	sld [smem:$0x3FDB];
	_ =	sdelay $0x1  }
0x99: {  	s19 =	simm.s32 $_scs_section_size  }
0x9a: {  	s4 =	simm.s32 $_size__tile_overlayer_lowered;
	s5 =	simm.s32 $_tile_overlayer_lowered  }
0x9b: {  	s22 =	simm.s32 $0x1BFF;
	s21 =	sshll.u32 s5, $0x1;
	s2 =	sadd.s32 s19, s18  }
0x9c: {  	s6 =	simm.s32 $0x0;
	s20 =	sshll.u32 s4, $0x1;
	s4 =	sadd.s32 s21, s2  }
0x9d: {  	[timem:s6], [sflag:s22] =	dma.local [hbm:s4], s20  }
0x9e: {  	_ =	swait.ge [sflag:s22], s20  }
0x9f: {  	s3 =	ssub.s32 $0x0, s20;
	[sflag:s22] =	ssyncset.done $0x0  }
0xa0: {  	[sflag:s22] =	ssyncadd.s32 s3;
	_ =	sdelay $0x1  }
0xa1: {  	s23 =	simm.s32 $0x1B8B  }
0xa2: {  	_ =	swait.ge [sflag:s23], $0x1  }
0xa3: {  	[sflag:s23] =	ssyncset.done $0x0  }
0xa4: {  	s25 =	simm.s32 $0x1B8E;
	s24 =	sld [smem:$0x3FFE];
	[sflag:s23] =	ssyncadd.s32 $0xFFFFFFFF  }
0xa5: {  	s26 =	simm.s32 $execute0_lowered;
	[smem:$0x3FD2] =	sst s25  }
0xa6: {  	s4 =	sshll.u32 s26, $0x1;
	_ =	strace $0x8000004C;
	[dreg:$0x1] =	wrdreg $0xFFFFFFFF  }
0xa7: {  	s28 =	simm.s32 $_size_execute0_lowered;
	s2 =	sadd.s32 s2, s4;
	[dreg:$0x0] =	wrdreg $0x0  }
0xa8: {  	s4 =	sshll.u32 s28, $0x1;
	[dreg:$0x2] =	wrdreg s2  }
0xa9: {  	[dreg:$0x3] =	wrdreg s4  }
0xaa: {  	[dreg:$0x4] =	wrdreg $0xC0  }
0xab: {  	_ =	task [dreg:s6], $0x5FFFF  }
0xac: {  	[dreg:$0x1] =	wrdreg $0xFFFFFFFF  }
0xad: {  	[dreg:$0x0] =	wrdreg $0x60  }
0xae: {  	[dreg:$0x2] =	wrdreg s24  }
0xaf: {  	[dreg:$0x3] =	wrdreg $0x198200  }
0xb0: {  	[dreg:$0x4] =	wrdreg $0x9  }
0xb1: {  	_ =	task.clear_ibuf [dreg:s6], $0x5FFFF;
	_ =	strace $0x9000004C  }
0xb2: {  	s29 =	simm.s32 $0x9;
	_ =	strace $0x8000004E  }
0xb3: {  	_ =	swait.ge [sflag:s29], $0x1  }
0xb4: {  	[sflag:s29] =	ssyncadd.s32 $0xFFFFFFFF  }
0xb5: {  	_ =	strace $0x9000004E  }
0xb6: {  	_ =	sfence  }
0xb7: {  	s30 =	sld [smem:$0x0];
	_ =	sdelay $0x2  }
0xb8: {  	s31 =	sshll.u32 s1, $0xD;
	s1 =	sshrl.u32 s1, $0x2  }
0xb9: {  	s3 =	sand.u32 $0x4000, s31;
	s1 =	sadd.s32 s1, s30  }
0xba: {  	s0 =	sor.u32 s3, s0;
	s1 =	sshll.u32 s1, $0x11  }
0xbb: {  	s0 =	sor.u32 s1, s0  }
0xbc: {  	s0 =	sadd.s32 $0x8F2B, s0  }
0xbd: {  	[sflag:s0] =	ssyncadd.remote.s32 $0x1  }
0xbe: {  	_ =	sfence.sel $0xFFFF  }
0xbf: {  	[dreg:$0x0] =	wrdreg $0xFFFFFFFF;
	(pc) =	sbr.abs _section_cstart, $3  }
0xc0: {  	[dreg:$0x1] =	wrdreg $0xFFFFFFFF  }
0xc1: {  	_ =	task.clear_ibuf [dreg:s6], $0x2FFFF;
	_ =	strace $0x9FFFFFFF  }
0xc2: {  	(tm) =	ssettm $0x7FFFFFFF  }
0xc3: {  	_ =	shalt  }
tec
execute0_lowered:
.L_overlay_start_1:
0x0: {  	(tag) =	ssettag $0x1  }
0x1: {  	s8 =	rddreg [dreg:$0x0]  }
0x2: {  	s1 =	srdreg.scid;
	s0 =	stileid.u32  }
0x3: {  	s1 =	sand.u32 $0x1, s1;
	s3 =	sshll.u32 s0, $0x1;
	s6 =	smul.u32 $0xA000, s0  }
0x4: {  	s2 =	rddreg [dreg:$0x1];
	s4 =	sor.u32 s1, s3  }
0x5: {  	s3 =	simm.s32 $0x0;
	s4 =	smul.u32 $0x4E2, s4;
	s5 =	sshrl.u32 s6, $0x4  }
0x6: {  	s7 =	smul.u32 $0xA0000, s1;
	[smem:$0x7FF] =	sst s3;
	s5 =	sadd.s32 s5, s8  }
0x7: {  	_ =	strace $0x8000004D;
	s4 =	sadd.s32 s4, s8;
	s5 =	sadd.s32 $0x17600, s5  }
0x8: {  	s7 =	sadd.s32 s6, s7;
	[dreg:$0x3] =	wrdreg s5;
	s22 =	sadd.s32 $0xD800, s4  }
0x9: {  	s7 =	sshrl.u32 s7, $0x4;
	[dreg:$0x4] =	wrdreg s22  }
0xa: {  	s23 =	sadd.s32 s7, s8;
	s4 =	sadd.s32 $0x3A00, s4;
	s24 =	rddreg [dreg:$0x3]  }
0xb: {  	[dreg:$0x5] =	wrdreg s4;
	s25 =	sadd.s32 $0x2B600, s23  }
0xc: {  	s5 =	simm.s32 $0x14820;
	s4 =	simm.s32 $0x3;
	[dreg:$0x6] =	wrdreg s25  }
0xd: {  	[tilespmem:s5], [sflag:$0x3] =	stream.linear.gather [hbm4b:s24+s3], $0x5000, $0x38;
	[tilespmem:$0x1E820] =	vst v63  }
0xe: {  	_ =	swait.ge [sflag:s4], $0x5000  }
0xf: {  	s6 =	sshrl.u32 s6, $0x1;
	[sflag:s4] =	ssyncset.done $0x0  }
0x10: {  	s6 =	sadd.s32 s6, s2;
	[sflag:s4] =	ssyncadd.s32 $0xFFFFB000  }
0x11: {  	[spmem:s6] =	stream.linear.scatter [tilespmem:s5], [sflag:$0x3], $0x5000, $0x38;
	[tilespmem:$0x1E820] =	vst v63  }
0x12: {  	_ =	swait.ge [sflag:s4], $0x5000  }
0x13: {  	[sflag:s4] =	ssyncset.done $0x0  }
0x14: {  	s26 =	rddreg [dreg:$0x4];
	[sflag:s4] =	ssyncadd.s32 $0xFFFFB000  }
0x15: {  	[tilespmem:s3], [sflag:$0x3] =	stream.linear.gather [hbm4b:s26+s3], $0x2710, $0x38;
	[tilespmem:$0x1E820] =	vst v63  }
0x16: {  	_ =	swait.ge [sflag:s4], $0x2710  }
0x17: {  	[sflag:s4] =	ssyncset.done $0x0  }
0x18: {  	s7 =	simm.s32 $0x2710;
	s9 =	rddreg [dreg:$0x5];
	[sflag:s4] =	ssyncadd.s32 $0xFFFFD8F0  }
0x19: {  	[tilespmem:s7], [sflag:$0x3] =	stream.linear.gather [hbm4b:s9+s3], $0x2710, $0x38;
	[tilespmem:$0x1E820] =	vst v63  }
0x1a: {  	_ =	swait.ge [sflag:s4], $0x2710  }
0x1b: {  	s10 =	simm.s32 $0x4E20;
	[sflag:s4] =	ssyncset.done $0x0  }
0x1c: {  	s8 =	sadd.s32 $0x21600, s8;
	s9 =	simm.s32 $0x3E8;
	[sflag:s4] =	ssyncadd.s32 $0xFFFFD8F0  }
0x1d: {  	[tilespmem:s10], [sflag:$0x1] =	stream.indirect.gather [hbm4b:s8+s9], $0x20, s3, s9, $0xb8;
	[tilespmem:$0x1E820] =	vst v63  }
0x1e: {  	s11 =	simm.s32 $0xCB20;
	s12 =	simm.s32 $0x1;
	[bflag:$0x0] =	sbarrier.arrive $0xFFFF  }
0x1f: {  	[tilespmem:s11], [sflag:$0x2] =	stream.indirect.gather [hbm4b:s8+s9], $0x20, s9, s9, $0xb8;
	[tilespmem:$0x1E820] =	vst v63  }
0x20: {  	_ =	swait.ge [sflag:s12], $0x7D00  }
0x21: {  	[sflag:s12] =	ssyncset.done $0x0  }
0x22: {  	[sflag:s12] =	ssyncadd.s32 $0xFFFF8300  }
0x23: {  	[spmem:s2] =	stream.indirect.scatter.add.bf16 [tilespmem:s10], [sflag:$0x3], $0x20, s7, s9, $0xb8;
	[tilespmem:$0x1E820] =	vst v63  }
0x24: {  	_ =	swait.ge [sflag:s4], $0x7D00  }
0x25: {  	[sflag:s4] =	ssyncset.done $0x0  }
0x26: {  	s13 =	simm.s32 $0x7D0;
	s14 =	simm.s32 $0x2;
	[sflag:s4] =	ssyncadd.s32 $0xFFFF8300  }
0x27: {  	[tilespmem:s10], [sflag:$0x1] =	stream.indirect.gather [hbm4b:s8+s9], $0x20, s13, s9, $0xb8;
	[tilespmem:$0x1E820] =	vst v63  }
0x28: {  	_ =	swait.ge [sflag:s14], $0x7D00  }
0x29: {  	[sflag:s14] =	ssyncset.done $0x0  }
0x2a: {  	s15 =	simm.s32 $0x2AF8;
	[sflag:s14] =	ssyncadd.s32 $0xFFFF8300  }
0x2b: {  	[spmem:s2] =	stream.indirect.scatter.add.bf16 [tilespmem:s11], [sflag:$0x3], $0x20, s15, s9, $0xb8;
	[tilespmem:$0x1E820] =	vst v63  }
0x2c: {  	_ =	swait.ge [sflag:s4], $0x7D00  }
0x2d: {  	[sflag:s4] =	ssyncset.done $0x0  }
0x2e: {  	s16 =	simm.s32 $0xBB8;
	[sflag:s4] =	ssyncadd.s32 $0xFFFF8300  }
0x2f: {  	[tilespmem:s11], [sflag:$0x2] =	stream.indirect.gather [hbm4b:s8+s9], $0x20, s16, s9, $0xb8;
	[tilespmem:$0x1E820] =	vst v63  }
0x30: {  	_ =	swait.ge [sflag:s12], $0x7D00  }
0x31: {  	[sflag:s12] =	ssyncset.done $0x0  }
0x32: {  	s17 =	simm.s32 $0x2EE0;
	[sflag:s12] =	ssyncadd.s32 $0xFFFF8300  }
0x33: {  	[spmem:s2] =	stream.indirect.scatter.add.bf16 [tilespmem:s10], [sflag:$0x3], $0x20, s17, s9, $0xb8;
	[tilespmem:$0x1E820] =	vst v63  }
0x34: {  	_ =	swait.ge [sflag:s4], $0x7D00  }
0x35: {  	[sflag:s4] =	ssyncset.done $0x0  }
0x36: {  	s18 =	simm.s32 $0xFA0;
	[sflag:s4] =	ssyncadd.s32 $0xFFFF8300  }
0x37: {  	[tilespmem:s10], [sflag:$0x1] =	stream.indirect.gather [hbm4b:s8+s9], $0x20, s18, s9, $0xb8;
	[tilespmem:$0x1E820] =	vst v63  }
0x38: {  	_ =	swait.ge [sflag:s14], $0x7D00  }
0x39: {  	[sflag:s14] =	ssyncset.done $0x0  }
0x3a: {  	s19 =	simm.s32 $0x32C8;
	[sflag:s14] =	ssyncadd.s32 $0xFFFF8300  }
0x3b: {  	[spmem:s2] =	stream.indirect.scatter.add.bf16 [tilespmem:s11], [sflag:$0x3], $0x20, s19, s9, $0xb8;
	[tilespmem:$0x1E820] =	vst v63  }
0x3c: {  	_ =	swait.ge [sflag:s4], $0x7D00  }
0x3d: {  	[sflag:s4] =	ssyncset.done $0x0  }
0x3e: {  	s20 =	simm.s32 $0x1388;
	[sflag:s4] =	ssyncadd.s32 $0xFFFF8300  }
0x3f: {  	[tilespmem:s11], [sflag:$0x2] =	stream.indirect.gather [hbm4b:s8+s9], $0x20, s20, s9, $0xb8;
	[tilespmem:$0x1E820] =	vst v63  }
0x40: {  	_ =	swait.ge [sflag:s12], $0x7D00  }
0x41: {  	[sflag:s12] =	ssyncset.done $0x0  }
0x42: {  	s21 =	simm.s32 $0x36B0;
	[sflag:s12] =	ssyncadd.s32 $0xFFFF8300  }
0x43: {  	[spmem:s2] =	stream.indirect.scatter.add.bf16 [tilespmem:s10], [sflag:$0x3], $0x20, s21, s9, $0xb8;
	[tilespmem:$0x1E820] =	vst v63  }
0x44: {  	_ =	swait.ge [sflag:s4], $0x7D00  }
0x45: {  	[sflag:s4] =	ssyncset.done $0x0  }
0x46: {  	s22 =	simm.s32 $0x1770;
	[sflag:s4] =	ssyncadd.s32 $0xFFFF8300  }
0x47: {  	[tilespmem:s10], [sflag:$0x1] =	stream.indirect.gather [hbm4b:s8+s9], $0x20, s22, s9, $0xb8;
	[tilespmem:$0x1E820] =	vst v63  }
0x48: {  	_ =	swait.ge [sflag:s14], $0x7D00  }
0x49: {  	[sflag:s14] =	ssyncset.done $0x0  }
0x4a: {  	s23 =	simm.s32 $0x3A98;
	[sflag:s14] =	ssyncadd.s32 $0xFFFF8300  }
0x4b: {  	[spmem:s2] =	stream.indirect.scatter.add.bf16 [tilespmem:s11], [sflag:$0x3], $0x20, s23, s9, $0xb8;
	[tilespmem:$0x1E820] =	vst v63  }
0x4c: {  	_ =	swait.ge [sflag:s4], $0x7D00  }
0x4d: {  	[sflag:s4] =	ssyncset.done $0x0  }
0x4e: {  	s24 =	simm.s32 $0x1B58;
	[sflag:s4] =	ssyncadd.s32 $0xFFFF8300  }
0x4f: {  	[tilespmem:s11], [sflag:$0x2] =	stream.indirect.gather [hbm4b:s8+s9], $0x20, s24, s9, $0xb8;
	[tilespmem:$0x1E820] =	vst v63  }
0x50: {  	_ =	swait.ge [sflag:s12], $0x7D00  }
0x51: {  	[sflag:s12] =	ssyncset.done $0x0  }
0x52: {  	s25 =	simm.s32 $0x3E80;
	[sflag:s12] =	ssyncadd.s32 $0xFFFF8300  }
0x53: {  	[spmem:s2] =	stream.indirect.scatter.add.bf16 [tilespmem:s10], [sflag:$0x3], $0x20, s25, s9, $0xb8;
	[tilespmem:$0x1E820] =	vst v63  }
0x54: {  	_ =	swait.ge [sflag:s4], $0x7D00  }
0x55: {  	[sflag:s4] =	ssyncset.done $0x0  }
0x56: {  	s26 =	simm.s32 $0x1F40;
	[sflag:s4] =	ssyncadd.s32 $0xFFFF8300  }
0x57: {  	[tilespmem:s10], [sflag:$0x1] =	stream.indirect.gather [hbm4b:s8+s9], $0x20, s26, s9, $0xb8;
	[tilespmem:$0x1E820] =	vst v63  }
0x58: {  	_ =	swait.ge [sflag:s14], $0x7D00  }
0x59: {  	[sflag:s14] =	ssyncset.done $0x0  }
0x5a: {  	s28 =	simm.s32 $0x4268;
	[sflag:s14] =	ssyncadd.s32 $0xFFFF8300  }
0x5b: {  	[spmem:s2] =	stream.indirect.scatter.add.bf16 [tilespmem:s11], [sflag:$0x3], $0x20, s28, s9, $0xb8;
	[tilespmem:$0x1E820] =	vst v63  }
0x5c: {  	_ =	swait.ge [sflag:s4], $0x7D00  }
0x5d: {  	[sflag:s4] =	ssyncset.done $0x0  }
0x5e: {  	s29 =	simm.s32 $0x2328;
	[sflag:s4] =	ssyncadd.s32 $0xFFFF8300  }
0x5f: {  	[tilespmem:s11], [sflag:$0x2] =	stream.indirect.gather [hbm4b:s8+s9], $0x20, s29, s9, $0xb8;
	[tilespmem:$0x1E820] =	vst v63  }
0x60: {  	_ =	swait.ge [sflag:s12], $0x7D00  }
0x61: {  	[sflag:s12] =	ssyncset.done $0x0  }
0x62: {  	s30 =	simm.s32 $0x4650;
	[sflag:s12] =	ssyncadd.s32 $0xFFFF8300  }
0x63: {  	[spmem:s2] =	stream.indirect.scatter.add.bf16 [tilespmem:s10], [sflag:$0x3], $0x20, s30, s9, $0xb8;
	[tilespmem:$0x1E820] =	vst v63  }
0x64: {  	_ =	swait.ge [sflag:s4], $0x7D00  }
0x65: {  	[sflag:s4] =	ssyncset.done $0x0  }
0x66: {  	[sflag:s4] =	ssyncadd.s32 $0xFFFF8300  }
0x67: {  	_ =	swait.ge [sflag:s14], $0x7D00  }
0x68: {  	[sflag:s14] =	ssyncset.done $0x0  }
0x69: {  	s31 =	simm.s32 $0x4A38;
	[sflag:s14] =	ssyncadd.s32 $0xFFFF8300  }
0x6a: {  	[spmem:s2] =	stream.indirect.scatter.add.bf16 [tilespmem:s11], [sflag:$0x3], $0x20, s31, s9, $0xb8;
	[tilespmem:$0x1E820] =	vst v63  }
0x6b: {  	_ =	swait.ge [sflag:s4], $0x7D00  }
0x6c: {  	[sflag:s4] =	ssyncset.done $0x0  }
0x6d: {  	[sflag:s4] =	ssyncadd.s32 $0xFFFF8300  }
0x6e: {  	[bflag:$0x0] =	sbarrier.arrive $0xFFFF  }
0x6f: {  	[tilespmem:s5], [sflag:$0x3] =	stream.linear.gather [spmem:s6], $0x5000, $0x38;
	[tilespmem:$0x1E820] =	vst v63  }
0x70: {  	_ =	swait.ge [sflag:s4], $0x5000  }
0x71: {  	s1 =	ssub.s32 $0x2, s1;
	s0 =	rddreg [dreg:$0x6]  }
0x72: {  	[dreg:$0x7] =	wrdreg s0;
	s0 =	sshrl.u32 s1, $0x1  }
0x73: {  	s0 =	ssub.s32 s1, s0  }
0x74: {  	s0 =	smax.u32 s0, $0x1  }
0x75: {  	p0 =	sne.s32 s0, $0x1  }
.Ltmp0:
0x76: {  	_ = 	snop;
	(pc) =	sbr.rel @!p0 .LBB2_2-.Ltmp0, $4  }
0x77: {  	[sflag:s4] =	ssyncset.done $0x0  }
0x78: {  	[sflag:s4] =	ssyncadd.s32 $0xFFFFB000;
	s1 =	rddreg [dreg:$0x7]  }
0x79: {  	[hbm4b:s1+s3] =	stream.linear.scatter [tilespmem:s5], [sflag:$0x3], $0x5000, $0x38;
	[tilespmem:$0x1E820] =	vst v63  }
0x7a: {  	s1 =	sadd.s32 $0xFFFFFFFF, s0;
	_ =	swait.ge [sflag:s4], $0x5000  }
.LBB2_1:
0x7b: {  	[sflag:s4] =	ssyncset.done $0x0  }
0x7c: {  	s0 =	rddreg [dreg:$0x3];
	[sflag:s4] =	ssyncadd.s32 $0xFFFFB000  }
0x7d: {  	[tilespmem:s5], [sflag:$0x3] =	stream.linear.gather [hbm4b:s0+s3], $0x5000, $0x38;
	[tilespmem:$0x1E820] =	vst v63  }
0x7e: {  	_ =	swait.ge [sflag:s4], $0x5000  }
0x7f: {  	[sflag:s4] =	ssyncset.done $0x0  }
0x80: {  	[sflag:s4] =	ssyncadd.s32 $0xFFFFB000  }
0x81: {  	[spmem:s6] =	stream.linear.scatter [tilespmem:s5], [sflag:$0x3], $0x5000, $0x38;
	[tilespmem:$0x1E820] =	vst v63  }
0x82: {  	_ =	swait.ge [sflag:s4], $0x5000  }
0x83: {  	[sflag:s4] =	ssyncset.done $0x0  }
0x84: {  	s0 =	rddreg [dreg:$0x4];
	[sflag:s4] =	ssyncadd.s32 $0xFFFFB000  }
0x85: {  	[tilespmem:s3], [sflag:$0x3] =	stream.linear.gather [hbm4b:s0+s3], $0x2710, $0x38;
	[tilespmem:$0x1E820] =	vst v63  }
0x86: {  	_ =	swait.ge [sflag:s4], $0x2710  }
0x87: {  	[sflag:s4] =	ssyncset.done $0x0  }
0x88: {  	s0 =	rddreg [dreg:$0x5];
	[sflag:s4] =	ssyncadd.s32 $0xFFFFD8F0  }
0x89: {  	[tilespmem:s7], [sflag:$0x3] =	stream.linear.gather [hbm4b:s0+s3], $0x2710, $0x38;
	[tilespmem:$0x1E820] =	vst v63  }
0x8a: {  	_ =	swait.ge [sflag:s4], $0x2710  }
0x8b: {  	[sflag:s4] =	ssyncset.done $0x0  }
0x8c: {  	[sflag:s4] =	ssyncadd.s32 $0xFFFFD8F0  }
0x8d: {  	[tilespmem:s10], [sflag:$0x1] =	stream.indirect.gather [hbm4b:s8+s9], $0x20, s3, s9, $0xb8;
	[tilespmem:$0x1E820] =	vst v63  }
0x8e: {  	[bflag:$0x0] =	sbarrier.arrive $0xFFFF  }
0x8f: {  	[tilespmem:s11], [sflag:$0x2] =	stream.indirect.gather [hbm4b:s8+s9], $0x20, s9, s9, $0xb8;
	[tilespmem:$0x1E820] =	vst v63  }
0x90: {  	_ =	swait.ge [sflag:s12], $0x7D00  }
0x91: {  	[sflag:s12] =	ssyncset.done $0x0  }
0x92: {  	[sflag:s12] =	ssyncadd.s32 $0xFFFF8300  }
0x93: {  	[spmem:s2] =	stream.indirect.scatter.add.bf16 [tilespmem:s10], [sflag:$0x3], $0x20, s7, s9, $0xb8;
	[tilespmem:$0x1E820] =	vst v63  }
0x94: {  	_ =	swait.ge [sflag:s4], $0x7D00  }
0x95: {  	[sflag:s4] =	ssyncset.done $0x0  }
0x96: {  	[sflag:s4] =	ssyncadd.s32 $0xFFFF8300  }
0x97: {  	[tilespmem:s10], [sflag:$0x1] =	stream.indirect.gather [hbm4b:s8+s9], $0x20, s13, s9, $0xb8;
	[tilespmem:$0x1E820] =	vst v63  }
0x98: {  	_ =	swait.ge [sflag:s14], $0x7D00  }
0x99: {  	[sflag:s14] =	ssyncset.done $0x0  }
0x9a: {  	[sflag:s14] =	ssyncadd.s32 $0xFFFF8300  }
0x9b: {  	[spmem:s2] =	stream.indirect.scatter.add.bf16 [tilespmem:s11], [sflag:$0x3], $0x20, s15, s9, $0xb8;
	[tilespmem:$0x1E820] =	vst v63  }
0x9c: {  	_ =	swait.ge [sflag:s4], $0x7D00  }
0x9d: {  	[sflag:s4] =	ssyncset.done $0x0  }
0x9e: {  	[sflag:s4] =	ssyncadd.s32 $0xFFFF8300  }
0x9f: {  	[tilespmem:s11], [sflag:$0x2] =	stream.indirect.gather [hbm4b:s8+s9], $0x20, s16, s9, $0xb8;
	[tilespmem:$0x1E820] =	vst v63  }
0xa0: {  	_ =	swait.ge [sflag:s12], $0x7D00  }
0xa1: {  	[sflag:s12] =	ssyncset.done $0x0  }
0xa2: {  	[sflag:s12] =	ssyncadd.s32 $0xFFFF8300  }
0xa3: {  	[spmem:s2] =	stream.indirect.scatter.add.bf16 [tilespmem:s10], [sflag:$0x3], $0x20, s17, s9, $0xb8;
	[tilespmem:$0x1E820] =	vst v63  }
0xa4: {  	_ =	swait.ge [sflag:s4], $0x7D00  }
0xa5: {  	[sflag:s4] =	ssyncset.done $0x0  }
0xa6: {  	[sflag:s4] =	ssyncadd.s32 $0xFFFF8300  }
0xa7: {  	[tilespmem:s10], [sflag:$0x1] =	stream.indirect.gather [hbm4b:s8+s9], $0x20, s18, s9, $0xb8;
	[tilespmem:$0x1E820] =	vst v63  }
0xa8: {  	_ =	swait.ge [sflag:s14], $0x7D00  }
0xa9: {  	[sflag:s14] =	ssyncset.done $0x0  }
0xaa: {  	[sflag:s14] =	ssyncadd.s32 $0xFFFF8300  }
0xab: {  	[spmem:s2] =	stream.indirect.scatter.add.bf16 [tilespmem:s11], [sflag:$0x3], $0x20, s19, s9, $0xb8;
	[tilespmem:$0x1E820] =	vst v63  }
0xac: {  	_ =	swait.ge [sflag:s4], $0x7D00  }
0xad: {  	[sflag:s4] =	ssyncset.done $0x0  }
0xae: {  	[sflag:s4] =	ssyncadd.s32 $0xFFFF8300  }
0xaf: {  	[tilespmem:s11], [sflag:$0x2] =	stream.indirect.gather [hbm4b:s8+s9], $0x20, s20, s9, $0xb8;
	[tilespmem:$0x1E820] =	vst v63  }
0xb0: {  	_ =	swait.ge [sflag:s12], $0x7D00  }
0xb1: {  	[sflag:s12] =	ssyncset.done $0x0  }
0xb2: {  	[sflag:s12] =	ssyncadd.s32 $0xFFFF8300  }
0xb3: {  	[spmem:s2] =	stream.indirect.scatter.add.bf16 [tilespmem:s10], [sflag:$0x3], $0x20, s21, s9, $0xb8;
	[tilespmem:$0x1E820] =	vst v63  }
0xb4: {  	_ =	swait.ge [sflag:s4], $0x7D00  }
0xb5: {  	[sflag:s4] =	ssyncset.done $0x0  }
0xb6: {  	[sflag:s4] =	ssyncadd.s32 $0xFFFF8300  }
0xb7: {  	[tilespmem:s10], [sflag:$0x1] =	stream.indirect.gather [hbm4b:s8+s9], $0x20, s22, s9, $0xb8;
	[tilespmem:$0x1E820] =	vst v63  }
0xb8: {  	_ =	swait.ge [sflag:s14], $0x7D00  }
0xb9: {  	[sflag:s14] =	ssyncset.done $0x0  }
0xba: {  	[sflag:s14] =	ssyncadd.s32 $0xFFFF8300  }
0xbb: {  	[spmem:s2] =	stream.indirect.scatter.add.bf16 [tilespmem:s11], [sflag:$0x3], $0x20, s23, s9, $0xb8;
	[tilespmem:$0x1E820] =	vst v63  }
0xbc: {  	_ =	swait.ge [sflag:s4], $0x7D00  }
0xbd: {  	[sflag:s4] =	ssyncset.done $0x0  }
0xbe: {  	[sflag:s4] =	ssyncadd.s32 $0xFFFF8300  }
0xbf: {  	[tilespmem:s11], [sflag:$0x2] =	stream.indirect.gather [hbm4b:s8+s9], $0x20, s24, s9, $0xb8;
	[tilespmem:$0x1E820] =	vst v63  }
0xc0: {  	_ =	swait.ge [sflag:s12], $0x7D00  }
0xc1: {  	[sflag:s12] =	ssyncset.done $0x0  }
0xc2: {  	[sflag:s12] =	ssyncadd.s32 $0xFFFF8300  }
0xc3: {  	[spmem:s2] =	stream.indirect.scatter.add.bf16 [tilespmem:s10], [sflag:$0x3], $0x20, s25, s9, $0xb8;
	[tilespmem:$0x1E820] =	vst v63  }
0xc4: {  	_ =	swait.ge [sflag:s4], $0x7D00  }
0xc5: {  	[sflag:s4] =	ssyncset.done $0x0  }
0xc6: {  	[sflag:s4] =	ssyncadd.s32 $0xFFFF8300  }
0xc7: {  	[tilespmem:s10], [sflag:$0x1] =	stream.indirect.gather [hbm4b:s8+s9], $0x20, s26, s9, $0xb8;
	[tilespmem:$0x1E820] =	vst v63  }
0xc8: {  	_ =	swait.ge [sflag:s14], $0x7D00  }
0xc9: {  	[sflag:s14] =	ssyncset.done $0x0  }
0xca: {  	[sflag:s14] =	ssyncadd.s32 $0xFFFF8300  }
0xcb: {  	[spmem:s2] =	stream.indirect.scatter.add.bf16 [tilespmem:s11], [sflag:$0x3], $0x20, s28, s9, $0xb8;
	[tilespmem:$0x1E820] =	vst v63  }
0xcc: {  	_ =	swait.ge [sflag:s4], $0x7D00  }
0xcd: {  	[sflag:s4] =	ssyncset.done $0x0  }
0xce: {  	[sflag:s4] =	ssyncadd.s32 $0xFFFF8300  }
0xcf: {  	[tilespmem:s11], [sflag:$0x2] =	stream.indirect.gather [hbm4b:s8+s9], $0x20, s29, s9, $0xb8;
	[tilespmem:$0x1E820] =	vst v63  }
0xd0: {  	_ =	swait.ge [sflag:s12], $0x7D00  }
0xd1: {  	[sflag:s12] =	ssyncset.done $0x0  }
0xd2: {  	[sflag:s12] =	ssyncadd.s32 $0xFFFF8300  }
0xd3: {  	[spmem:s2] =	stream.indirect.scatter.add.bf16 [tilespmem:s10], [sflag:$0x3], $0x20, s30, s9, $0xb8;
	[tilespmem:$0x1E820] =	vst v63  }
0xd4: {  	_ =	swait.ge [sflag:s4], $0x7D00  }
0xd5: {  	[sflag:s4] =	ssyncset.done $0x0  }
0xd6: {  	[sflag:s4] =	ssyncadd.s32 $0xFFFF8300  }
0xd7: {  	_ =	swait.ge [sflag:s14], $0x7D00  }
0xd8: {  	[sflag:s14] =	ssyncset.done $0x0  }
0xd9: {  	[sflag:s14] =	ssyncadd.s32 $0xFFFF8300  }
0xda: {  	[spmem:s2] =	stream.indirect.scatter.add.bf16 [tilespmem:s11], [sflag:$0x3], $0x20, s31, s9, $0xb8;
	[tilespmem:$0x1E820] =	vst v63  }
0xdb: {  	_ =	swait.ge [sflag:s4], $0x7D00  }
0xdc: {  	[sflag:s4] =	ssyncset.done $0x0  }
0xdd: {  	[sflag:s4] =	ssyncadd.s32 $0xFFFF8300  }
0xde: {  	p0 =	sne.s32 s1, $0x1;
	[bflag:$0x0] =	sbarrier.arrive $0xFFFF  }
0xdf: {  	[tilespmem:s5], [sflag:$0x3] =	stream.linear.gather [spmem:s6], $0x5000, $0x38;
	[tilespmem:$0x1E820] =	vst v63  }
.Ltmp1:
0xe0: {  	_ =	swait.ge [sflag:s4], $0x5000;
	(pc) =	sbr.rel @p0 .LBB2_1-.Ltmp1, $4  }
0xe1: {  	[sflag:s4] =	ssyncset.done $0x0  }
0xe2: {  	s0 =	rddreg [dreg:$0x6];
	[sflag:s4] =	ssyncadd.s32 $0xFFFFB000  }
0xe3: {  	[hbm4b:s0+s3] =	stream.linear.scatter [tilespmem:s5], [sflag:$0x3], $0x5000, $0x38;
	[tilespmem:$0x1E820] =	vst v63  }
0xe4: {  	s1 =	sadd.s32 $0xFFFFFFFF, s1;
	_ =	swait.ge [sflag:s4], $0x5000  }
.LBB2_2:
0xe5: {  	[sflag:s4] =	ssyncset.done $0x0  }
0xe6: {  	[sflag:s4] =	ssyncadd.s32 $0xFFFFB000  }
0xe7: {  	_ =	sfence.sel $0x180000  }
0xe8: {  	[bflag:$0x0] =	sbarrier.arrive $0xFFFF  }
0xe9: {  	_ =	strace $0x9000004D  }
0xea: {  	s0 =	stileid.u32;
	[bflag:$0x2] =	sbarrier.arrive $0xFFFF  }
0xeb: {  	p0 =	sne.s32 s0, $0x0;
	s0 =	rddreg [dreg:$0x2]  }
0xec: {  	s0 =	sadd.s32 @!p0 $0x100000, s0  }
0xed: {  	[sflag:s0] =	ssyncadd.tile.s32 @!p0 $0x1;
	_ =	shalt  }
.Lfunc_end2:
_tile_overlayer_lowered:
.L_overlay_start_2:
0xee: {  	(tag) =	ssettag $0x2  }
0xef: {  	s0 =	rddreg [dreg:$0x0];
	s2 =	stileid.u32  }
0xf0: {  	s1 =	rddreg [dreg:$0x1];
	p0 =	sne.s32 s2, $0x0  }
0xf1: {  	s3 =	rddreg [dreg:$0x2];
	[bflag:$0x3] =	sbarrier.arrive $0xFFFF;
	s2 =	simm.s32 @!p0 $0x1C03  }
0xf2: {  	[timem:s3], [sflag:s2] =	dma.local @!p0 [hbm:s0], s1  }
0xf3: {  	s0 =	simm.s32 @!p0 $0x3  }
0xf4: {  	_ =	swait.ge @!p0 [sflag:s0], s1  }
0xf5: {  	s1 =	ssub.s32 @!p0 $0x0, s1;
	[sflag:s0] =	ssyncset.done @!p0 $0x0  }
0xf6: {  	[sflag:s0] =	ssyncadd.s32 @!p0 s1  }
0xf7: {  	[bflag:$0x3] =	sbarrier.arrive $0xFFFF  }
0xf8: {  	_ =	shalt  }

// kernel: kernel.9.cloned.1.call-start
scs
__scs_entry_jumppad:
0x0: {  	(pc) =	sbr.rel $0x88, $3  }
0x1: {  	(tag) =	ssettag $0x0;
	lr =	simm.s32 $0x1  }
0x2: {  	[smem:$0x3F88] =	sst lr;
	_ =	strace $0xD0000000  }
0x3: {  	_ = 	snop  }
0x4: {  	_ = 	snop  }
0x5: {  	_ = 	snop  }
0x6: {  	_ = 	snop  }
0x7: {  	_ = 	snop  }
__scs_overlays_trampoline_lowered:
0x8: {  	[smem:$0x3F97] =	sst s0  }
0x9: {  	[smem:$0x3F98] =	sst s1  }
0xa: {  	[smem:$0x3F99] =	sst s2  }
0xb: {  	[smem:$0x3F9A] =	sst s3  }
0xc: {  	[smem:$0x3F9B] =	sst s4  }
0xd: {  	[smem:$0x3F9C] =	sst s5  }
0xe: {  	[smem:$0x3F9D] =	sst s6  }
0xf: {  	[smem:$0x3F9E] =	sst s7  }
0x10: {  	[smem:$0x3F9F] =	sst s8  }
0x11: {  	[smem:$0x3FA0] =	sst s9;
	s0 =	simm.s32 @!p0 $0x0  }
0x12: {  	s1 =	sld [smem:$0x3F86];
	s0 =	simm.s32 @p0 $0x1  }
0x13: {  	[smem:$0x3FA1] =	sst s0;
	s0 =	simm.s32 @!p1 $0x0  }
0x14: {  	s2 =	sld [smem:$0x3F85];
	s0 =	simm.s32 @p1 $0x1  }
0x15: {  	[smem:$0x3FA2] =	sst s0;
	s0 =	simm.s32 @!p2 $0x0  }
0x16: {  	s3 =	sld [smem:$0x3FDB];
	s0 =	simm.s32 @p2 $0x1  }
0x17: {  	s4 =	simm.s32 $0x1BF5;
	[smem:$0x3FA4] =	sst s0  }
0x18: {  	s0 =	sld [smem:$0x3F87];
	_ =	swait.ge [sflag:s4], $0x0  }
0x19: {  	s7 =	sld [smem:$0x3F88]  }
0x1a: {  	s8 =	sadd.s32 $0xFFFFE003, lr  }
0x1b: {  	s9 =	sadd.s32 $0xFFFFFEF7, lr;
	s5 =	simm.s32 $0xFFFFFFFF;
	p2 =	slt.u32 s8, $0xFFFFF086  }
0x1c: {  	p1 =	slt.u32 s9, $0xF7A;
	s5 =	simm.s32 @!p2 $0x0  }
0x1d: {  	s5 =	simm.s32 @p1 $0x1;
	p0 =	seq.s32 s7, s2  }
0x1e: {  	s7 =	smul.u32 @!p0 $0xF7A, s2;
	p2 =	seq.s32 @!p0 s5, $0x0  }
0x1f: {  	s9 =	smul.u32 $0xF7A, s1;
	s8 =	simm.s32 @!p0 $0x1BF5;
	p2 =	por !p2, p0  }
0x20: {  	[sflag:s8] =	ssyncset.s32 @!p0 $0xFFFFF086;
	s6 =	sadd.s32 @!p0 s3, s7;
	s7 =	simm.s32 @!p0 $0x108  }
0x21: {  	s3 =	sadd.s32 s3, s9;
	s6 =	sadd.s32 @!p0 $0x88, s6;
	s7 =	simm.s32 @p2 $0x1082  }
0x22: {  	[simem:s7], [sflag:s8] =	dma.local @!p0 [hbm:s6], $0xF7A  }
0x23: {  	s9 =	sor.u32 $0xD0000000, s2;
	s6 =	simm.s32 $0x108;
	_ =	swait.ge @!p0 [sflag:s8], $0x0  }
0x24: {  	s3 =	sadd.s32 $0x88, s3;
	s6 =	simm.s32 @!p1 $0x1082;
	[sflag:s4] =	ssyncset.s32 $0xFFFFF086  }
0x25: {  	[simem:s6], [sflag:s4] =	dma.local [hbm:s3], $0xF7A  }
0x26: {  	[smem:$0x3F88] =	sst s1;
	(tag) =	ssettag s2;
	_ =	strace s9  }
0x27: {  	s1 =	sld [smem:$0x3F98]  }
0x28: {  	s2 =	sld [smem:$0x3F99]  }
0x29: {  	s4 =	sld [smem:$0x3F9B]  }
0x2a: {  	p0 =	seq.s32 s5, $0x0;
	s5 =	sld [smem:$0x3F9C]  }
0x2b: {  	s6 =	sld [smem:$0x3F9D]  }
0x2c: {  	s7 =	sld [smem:$0x3F9E]  }
0x2d: {  	s3 =	simm.s32 $0x108;
	s8 =	sld [smem:$0x3F9F]  }
0x2e: {  	s3 =	simm.s32 @!p0 $0x1082;
	s9 =	sld [smem:$0x3FA0]  }
0x2f: {  	lr =	sadd.s32 s0, s3;
	s0 =	sld [smem:$0x3F97]  }
0x30: {  	s3 =	sld [smem:$0x3F9A]  }
0x31: {  	[smem:$0x3FA3] =	sst s10  }
0x32: {  	s10 =	sld [smem:$0x3FA1];
	_ =	sdelay $0x3  }
0x33: {  	p0 =	seq.s32 s10, $0x1;
	s10 =	sld [smem:$0x3FA3];
	_ =	sdelay $0x3  }
0x34: {  	[smem:$0x3FA3] =	sst s10  }
0x35: {  	s10 =	sld [smem:$0x3FA2];
	_ =	sdelay $0x3  }
0x36: {  	p1 =	seq.s32 s10, $0x1;
	s10 =	sld [smem:$0x3FA3];
	_ =	sdelay $0x3  }
0x37: {  	[smem:$0x3FA3] =	sst s10  }
0x38: {  	s10 =	sld [smem:$0x3FA4]  }
0x39: {  	_ = 	snop;
	(pc) =	sbr.ind lr, $3  }
0x3a: {  	_ = 	snop  }
0x3b: {  	_ = 	snop  }
0x3c: {  	p2 =	seq.s32 s10, $0x1;
	s10 =	sld [smem:$0x3FA3]  }
0x3d: {  	_ =	shalt  }
0x3e: {  	_ =	shalt  }
0x3f: {  	_ =	shalt  }
0x40: {  	_ =	shalt  }
0x41: {  	_ =	shalt  }
0x42: {  	_ =	shalt  }
0x43: {  	_ =	shalt  }
0x44: {  	_ =	shalt  }
0x45: {  	_ =	shalt  }
0x46: {  	_ =	shalt  }
0x47: {  	_ =	shalt  }
0x48: {  	_ =	shalt  }
0x49: {  	_ =	shalt  }
0x4a: {  	_ =	shalt  }
0x4b: {  	_ =	shalt  }
0x4c: {  	_ =	shalt  }
0x4d: {  	_ =	shalt  }
0x4e: {  	_ =	shalt  }
0x4f: {  	_ =	shalt  }
0x50: {  	_ =	shalt  }
0x51: {  	_ =	shalt  }
0x52: {  	_ =	shalt  }
0x53: {  	_ =	shalt  }
0x54: {  	_ =	shalt  }
0x55: {  	_ =	shalt  }
0x56: {  	_ =	shalt  }
0x57: {  	_ =	shalt  }
0x58: {  	_ =	shalt  }
0x59: {  	_ =	shalt  }
0x5a: {  	_ =	shalt  }
0x5b: {  	_ =	shalt  }
0x5c: {  	_ =	shalt  }
0x5d: {  	_ =	shalt  }
0x5e: {  	_ =	shalt  }
0x5f: {  	_ =	shalt  }
0x60: {  	_ =	shalt  }
0x61: {  	_ =	shalt  }
0x62: {  	_ =	shalt  }
0x63: {  	_ =	shalt  }
0x64: {  	_ =	shalt  }
0x65: {  	_ =	shalt  }
0x66: {  	_ =	shalt  }
0x67: {  	_ =	shalt  }
0x68: {  	_ =	shalt  }
0x69: {  	_ =	shalt  }
0x6a: {  	_ =	shalt  }
0x6b: {  	_ =	shalt  }
0x6c: {  	_ =	shalt  }
0x6d: {  	_ =	shalt  }
0x6e: {  	_ =	shalt  }
0x6f: {  	_ =	shalt  }
0x70: {  	_ =	shalt  }
0x71: {  	_ =	shalt  }
0x72: {  	_ =	shalt  }
0x73: {  	_ =	shalt  }
0x74: {  	_ =	shalt  }
0x75: {  	_ =	shalt  }
0x76: {  	_ =	shalt  }
0x77: {  	_ =	shalt  }
0x78: {  	_ =	shalt  }
0x79: {  	_ =	shalt  }
0x7a: {  	_ =	shalt  }
0x7b: {  	_ =	shalt  }
0x7c: {  	_ =	shalt  }
0x7d: {  	_ =	shalt  }
0x7e: {  	_ =	shalt  }
0x7f: {  	_ =	shalt  }
0x80: {  	_ =	shalt  }
0x81: {  	_ =	shalt  }
0x82: {  	_ =	shalt  }
0x83: {  	_ =	shalt  }
0x84: {  	_ =	shalt  }
0x85: {  	_ =	shalt  }
0x86: {  	_ =	shalt  }
0x87: {  	_ =	shalt  }
.Lfunc_end0:
.L_simem_size_0:
called_computation_lowered:
.L_overlay_start_0:
0x88: {  	s2 =	sld [smem:$0x3FD9]  }
0x89: {  	s3 =	sld [smem:$0x3FFE];
	_ =	sdelay $0x1  }
0x8a: {  	s1 =	srdreg.scid  }
0x8b: {  	s0 =	sand.u32 $0x1, s1  }
0x8c: {  	s16 =	sshll.u32 s0, $0xA;
	s2 =	sadd.s32 s3, s2  }
0x8d: {  	s2 =	sadd.s32 s2, s16  }
0x8e: {  	[smem:$0x3FAF] =	sst s2  }
0x8f: {  	_ = 	snop  }
0x90: {  	(tm) =	ssettm $0x1  }
0x91: {  	s17 =	sld [smem:$0x3FFB];
	_ =	sdelay $0x3  }
0x92: {  	_ =	strace s17  }
0x93: {  	s2 =	sld [smem:$0x3FFC];
	_ =	sdelay $0x3  }
0x94: {  	_ =	strace s2  }
0x95: {  	s2 =	sld [smem:$0x3FFD];
	_ =	sdelay $0x3  }
0x96: {  	_ =	strace s2  }
0x97: {  	_ =	strace $0x8FFFFFFF  }
0x98: {  	s18 =	sld [smem:$0x3FDB];
	_ =	sdelay $0x1  }
0x99: {  	s19 =	simm.s32 $_scs_section_size  }
0x9a: {  	s4 =	simm.s32 $_size__tile_overlayer_lowered;
	s5 =	simm.s32 $_tile_overlayer_lowered  }
0x9b: {  	s22 =	simm.s32 $0x1BFF;
	s21 =	sshll.u32 s5, $0x1;
	s2 =	sadd.s32 s19, s18  }
0x9c: {  	s6 =	simm.s32 $0x0;
	s20 =	sshll.u32 s4, $0x1;
	s4 =	sadd.s32 s21, s2  }
0x9d: {  	[timem:s6], [sflag:s22] =	dma.local [hbm:s4], s20  }
0x9e: {  	_ =	swait.ge [sflag:s22], s20  }
0x9f: {  	s3 =	ssub.s32 $0x0, s20;
	[sflag:s22] =	ssyncset.done $0x0  }
0xa0: {  	[sflag:s22] =	ssyncadd.s32 s3;
	_ =	sdelay $0x1  }
0xa1: {  	s23 =	simm.s32 $0x1B8B  }
0xa2: {  	_ =	swait.ge [sflag:s23], $0x1  }
0xa3: {  	[sflag:s23] =	ssyncset.done $0x0  }
0xa4: {  	s25 =	simm.s32 $0x1B8E;
	s24 =	sld [smem:$0x3FFE];
	[sflag:s23] =	ssyncadd.s32 $0xFFFFFFFF  }
0xa5: {  	s26 =	simm.s32 $execute0_lowered;
	[smem:$0x3FD2] =	sst s25  }
0xa6: {  	s4 =	sshll.u32 s26, $0x1;
	_ =	strace $0x80000046;
	[dreg:$0x1] =	wrdreg $0xFFFFFFFF  }
0xa7: {  	s28 =	simm.s32 $_size_execute0_lowered;
	s2 =	sadd.s32 s2, s4;
	[dreg:$0x0] =	wrdreg $0x0  }
0xa8: {  	s4 =	sshll.u32 s28, $0x1;
	[dreg:$0x2] =	wrdreg s2  }
0xa9: {  	[dreg:$0x3] =	wrdreg s4  }
0xaa: {  	[dreg:$0x4] =	wrdreg $0xC0  }
0xab: {  	_ =	task [dreg:s6], $0x5FFFF  }
0xac: {  	[dreg:$0x1] =	wrdreg $0xFFFFFFFF  }
0xad: {  	[dreg:$0x0] =	wrdreg $0x60  }
0xae: {  	[dreg:$0x2] =	wrdreg s24  }
0xaf: {  	[dreg:$0x3] =	wrdreg $0x198200  }
0xb0: {  	[dreg:$0x4] =	wrdreg $0x9  }
0xb1: {  	_ =	task.clear_ibuf [dreg:s6], $0x5FFFF;
	_ =	strace $0x90000046  }
0xb2: {  	s29 =	simm.s32 $0x9;
	_ =	strace $0x80000048  }
0xb3: {  	_ =	swait.ge [sflag:s29], $0x1  }
0xb4: {  	[sflag:s29] =	ssyncadd.s32 $0xFFFFFFFF  }
0xb5: {  	_ =	strace $0x90000048  }
0xb6: {  	_ =	sfence  }
0xb7: {  	s30 =	sld [smem:$0x0];
	_ =	sdelay $0x2  }
0xb8: {  	s31 =	sshll.u32 s1, $0xD;
	s1 =	sshrl.u32 s1, $0x2  }
0xb9: {  	s3 =	sand.u32 $0x4000, s31;
	s1 =	sadd.s32 s1, s30  }
0xba: {  	s0 =	sor.u32 s3, s0;
	s1 =	sshll.u32 s1, $0x11  }
0xbb: {  	s0 =	sor.u32 s1, s0  }
0xbc: {  	s0 =	sadd.s32 $0x8F2B, s0  }
0xbd: {  	[sflag:s0] =	ssyncadd.remote.s32 $0x1  }
0xbe: {  	_ =	sfence.sel $0xFFFF  }
0xbf: {  	[dreg:$0x0] =	wrdreg $0xFFFFFFFF;
	(pc) =	sbr.abs _section_cstart, $3  }
0xc0: {  	[dreg:$0x1] =	wrdreg $0xFFFFFFFF  }
0xc1: {  	_ =	task.clear_ibuf [dreg:s6], $0x2FFFF;
	_ =	strace $0x9FFFFFFF  }
0xc2: {  	(tm) =	ssettm $0x7FFFFFFF  }
0xc3: {  	_ =	shalt  }
tec
execute0_lowered:
.L_overlay_start_1:
0x0: {  	(tag) =	ssettag $0x1  }
0x1: {  	s8 =	rddreg [dreg:$0x0]  }
0x2: {  	s1 =	srdreg.scid;
	s0 =	stileid.u32  }
0x3: {  	s1 =	sand.u32 $0x1, s1;
	s3 =	sshll.u32 s0, $0x1;
	s6 =	smul.u32 $0xA000, s0  }
0x4: {  	s2 =	rddreg [dreg:$0x1];
	s4 =	sor.u32 s1, s3  }
0x5: {  	s3 =	simm.s32 $0x0;
	s4 =	smul.u32 $0x4E2, s4;
	s5 =	sshrl.u32 s6, $0x4  }
0x6: {  	s7 =	smul.u32 $0xA0000, s1;
	[smem:$0x7FF] =	sst s3;
	s5 =	sadd.s32 s5, s8  }
0x7: {  	_ =	strace $0x80000047;
	s4 =	sadd.s32 s4, s8;
	s5 =	sadd.s32 $0x17600, s5  }
0x8: {  	s7 =	sadd.s32 s6, s7;
	[dreg:$0x3] =	wrdreg s5;
	s22 =	sadd.s32 $0xD800, s4  }
0x9: {  	s7 =	sshrl.u32 s7, $0x4;
	[dreg:$0x4] =	wrdreg s22  }
0xa: {  	s23 =	sadd.s32 s7, s8;
	s4 =	sadd.s32 $0x3A00, s4;
	s24 =	rddreg [dreg:$0x3]  }
0xb: {  	[dreg:$0x5] =	wrdreg s4;
	s25 =	sadd.s32 $0x2B600, s23  }
0xc: {  	s5 =	simm.s32 $0x14820;
	s4 =	simm.s32 $0x3;
	[dreg:$0x6] =	wrdreg s25  }
0xd: {  	[tilespmem:s5], [sflag:$0x3] =	stream.linear.gather [hbm4b:s24+s3], $0x5000, $0x38;
	[tilespmem:$0x1E820] =	vst v63  }
0xe: {  	_ =	swait.ge [sflag:s4], $0x5000  }
0xf: {  	s6 =	sshrl.u32 s6, $0x1;
	[sflag:s4] =	ssyncset.done $0x0  }
0x10: {  	s6 =	sadd.s32 s6, s2;
	[sflag:s4] =	ssyncadd.s32 $0xFFFFB000  }
0x11: {  	[spmem:s6] =	stream.linear.scatter [tilespmem:s5], [sflag:$0x3], $0x5000, $0x38;
	[tilespmem:$0x1E820] =	vst v63  }
0x12: {  	_ =	swait.ge [sflag:s4], $0x5000  }
0x13: {  	[sflag:s4] =	ssyncset.done $0x0  }
0x14: {  	s26 =	rddreg [dreg:$0x4];
	[sflag:s4] =	ssyncadd.s32 $0xFFFFB000  }
0x15: {  	[tilespmem:s3], [sflag:$0x3] =	stream.linear.gather [hbm4b:s26+s3], $0x2710, $0x38;
	[tilespmem:$0x1E820] =	vst v63  }
0x16: {  	_ =	swait.ge [sflag:s4], $0x2710  }
0x17: {  	[sflag:s4] =	ssyncset.done $0x0  }
0x18: {  	s7 =	simm.s32 $0x2710;
	s9 =	rddreg [dreg:$0x5];
	[sflag:s4] =	ssyncadd.s32 $0xFFFFD8F0  }
0x19: {  	[tilespmem:s7], [sflag:$0x3] =	stream.linear.gather [hbm4b:s9+s3], $0x2710, $0x38;
	[tilespmem:$0x1E820] =	vst v63  }
0x1a: {  	_ =	swait.ge [sflag:s4], $0x2710  }
0x1b: {  	s10 =	simm.s32 $0x4E20;
	[sflag:s4] =	ssyncset.done $0x0  }
0x1c: {  	s8 =	sadd.s32 $0x21600, s8;
	s9 =	simm.s32 $0x3E8;
	[sflag:s4] =	ssyncadd.s32 $0xFFFFD8F0  }
0x1d: {  	[tilespmem:s10], [sflag:$0x1] =	stream.indirect.gather [hbm4b:s8+s9], $0x20, s3, s9, $0xb8;
	[tilespmem:$0x1E820] =	vst v63  }
0x1e: {  	s11 =	simm.s32 $0xCB20;
	s12 =	simm.s32 $0x1;
	[bflag:$0x0] =	sbarrier.arrive $0xFFFF  }
0x1f: {  	[tilespmem:s11], [sflag:$0x2] =	stream.indirect.gather [hbm4b:s8+s9], $0x20, s9, s9, $0xb8;
	[tilespmem:$0x1E820] =	vst v63  }
0x20: {  	_ =	swait.ge [sflag:s12], $0x7D00  }
0x21: {  	[sflag:s12] =	ssyncset.done $0x0  }
0x22: {  	[sflag:s12] =	ssyncadd.s32 $0xFFFF8300  }
0x23: {  	[spmem:s2] =	stream.indirect.scatter.add.bf16 [tilespmem:s10], [sflag:$0x3], $0x20, s7, s9, $0xb8;
	[tilespmem:$0x1E820] =	vst v63  }
0x24: {  	_ =	swait.ge [sflag:s4], $0x7D00  }
0x25: {  	[sflag:s4] =	ssyncset.done $0x0  }
0x26: {  	s13 =	simm.s32 $0x7D0;
	s14 =	simm.s32 $0x2;
	[sflag:s4] =	ssyncadd.s32 $0xFFFF8300  }
0x27: {  	[tilespmem:s10], [sflag:$0x1] =	stream.indirect.gather [hbm4b:s8+s9], $0x20, s13, s9, $0xb8;
	[tilespmem:$0x1E820] =	vst v63  }
0x28: {  	_ =	swait.ge [sflag:s14], $0x7D00  }
0x29: {  	[sflag:s14] =	ssyncset.done $0x0  }
0x2a: {  	s15 =	simm.s32 $0x2AF8;
	[sflag:s14] =	ssyncadd.s32 $0xFFFF8300  }
0x2b: {  	[spmem:s2] =	stream.indirect.scatter.add.bf16 [tilespmem:s11], [sflag:$0x3], $0x20, s15, s9, $0xb8;
	[tilespmem:$0x1E820] =	vst v63  }
0x2c: {  	_ =	swait.ge [sflag:s4], $0x7D00  }
0x2d: {  	[sflag:s4] =	ssyncset.done $0x0  }
0x2e: {  	s16 =	simm.s32 $0xBB8;
	[sflag:s4] =	ssyncadd.s32 $0xFFFF8300  }
0x2f: {  	[tilespmem:s11], [sflag:$0x2] =	stream.indirect.gather [hbm4b:s8+s9], $0x20, s16, s9, $0xb8;
	[tilespmem:$0x1E820] =	vst v63  }
0x30: {  	_ =	swait.ge [sflag:s12], $0x7D00  }
0x31: {  	[sflag:s12] =	ssyncset.done $0x0  }
0x32: {  	s17 =	simm.s32 $0x2EE0;
	[sflag:s12] =	ssyncadd.s32 $0xFFFF8300  }
0x33: {  	[spmem:s2] =	stream.indirect.scatter.add.bf16 [tilespmem:s10], [sflag:$0x3], $0x20, s17, s9, $0xb8;
	[tilespmem:$0x1E820] =	vst v63  }
0x34: {  	_ =	swait.ge [sflag:s4], $0x7D00  }
0x35: {  	[sflag:s4] =	ssyncset.done $0x0  }
0x36: {  	s18 =	simm.s32 $0xFA0;
	[sflag:s4] =	ssyncadd.s32 $0xFFFF8300  }
0x37: {  	[tilespmem:s10], [sflag:$0x1] =	stream.indirect.gather [hbm4b:s8+s9], $0x20, s18, s9, $0xb8;
	[tilespmem:$0x1E820] =	vst v63  }
0x38: {  	_ =	swait.ge [sflag:s14], $0x7D00  }
0x39: {  	[sflag:s14] =	ssyncset.done $0x0  }
0x3a: {  	s19 =	simm.s32 $0x32C8;
	[sflag:s14] =	ssyncadd.s32 $0xFFFF8300  }
0x3b: {  	[spmem:s2] =	stream.indirect.scatter.add.bf16 [tilespmem:s11], [sflag:$0x3], $0x20, s19, s9, $0xb8;
	[tilespmem:$0x1E820] =	vst v63  }
0x3c: {  	_ =	swait.ge [sflag:s4], $0x7D00  }
0x3d: {  	[sflag:s4] =	ssyncset.done $0x0  }
0x3e: {  	s20 =	simm.s32 $0x1388;
	[sflag:s4] =	ssyncadd.s32 $0xFFFF8300  }
0x3f: {  	[tilespmem:s11], [sflag:$0x2] =	stream.indirect.gather [hbm4b:s8+s9], $0x20, s20, s9, $0xb8;
	[tilespmem:$0x1E820] =	vst v63  }
0x40: {  	_ =	swait.ge [sflag:s12], $0x7D00  }
0x41: {  	[sflag:s12] =	ssyncset.done $0x0  }
0x42: {  	s21 =	simm.s32 $0x36B0;
	[sflag:s12] =	ssyncadd.s32 $0xFFFF8300  }
0x43: {  	[spmem:s2] =	stream.indirect.scatter.add.bf16 [tilespmem:s10], [sflag:$0x3], $0x20, s21, s9, $0xb8;
	[tilespmem:$0x1E820] =	vst v63  }
0x44: {  	_ =	swait.ge [sflag:s4], $0x7D00  }
0x45: {  	[sflag:s4] =	ssyncset.done $0x0  }
0x46: {  	s22 =	simm.s32 $0x1770;
	[sflag:s4] =	ssyncadd.s32 $0xFFFF8300  }
0x47: {  	[tilespmem:s10], [sflag:$0x1] =	stream.indirect.gather [hbm4b:s8+s9], $0x20, s22, s9, $0xb8;
	[tilespmem:$0x1E820] =	vst v63  }
0x48: {  	_ =	swait.ge [sflag:s14], $0x7D00  }
0x49: {  	[sflag:s14] =	ssyncset.done $0x0  }
0x4a: {  	s23 =	simm.s32 $0x3A98;
	[sflag:s14] =	ssyncadd.s32 $0xFFFF8300  }
0x4b: {  	[spmem:s2] =	stream.indirect.scatter.add.bf16 [tilespmem:s11], [sflag:$0x3], $0x20, s23, s9, $0xb8;
	[tilespmem:$0x1E820] =	vst v63  }
0x4c: {  	_ =	swait.ge [sflag:s4], $0x7D00  }
0x4d: {  	[sflag:s4] =	ssyncset.done $0x0  }
0x4e: {  	s24 =	simm.s32 $0x1B58;
	[sflag:s4] =	ssyncadd.s32 $0xFFFF8300  }
0x4f: {  	[tilespmem:s11], [sflag:$0x2] =	stream.indirect.gather [hbm4b:s8+s9], $0x20, s24, s9, $0xb8;
	[tilespmem:$0x1E820] =	vst v63  }
0x50: {  	_ =	swait.ge [sflag:s12], $0x7D00  }
0x51: {  	[sflag:s12] =	ssyncset.done $0x0  }
0x52: {  	s25 =	simm.s32 $0x3E80;
	[sflag:s12] =	ssyncadd.s32 $0xFFFF8300  }
0x53: {  	[spmem:s2] =	stream.indirect.scatter.add.bf16 [tilespmem:s10], [sflag:$0x3], $0x20, s25, s9, $0xb8;
	[tilespmem:$0x1E820] =	vst v63  }
0x54: {  	_ =	swait.ge [sflag:s4], $0x7D00  }
0x55: {  	[sflag:s4] =	ssyncset.done $0x0  }
0x56: {  	s26 =	simm.s32 $0x1F40;
	[sflag:s4] =	ssyncadd.s32 $0xFFFF8300  }
0x57: {  	[tilespmem:s10], [sflag:$0x1] =	stream.indirect.gather [hbm4b:s8+s9], $0x20, s26, s9, $0xb8;
	[tilespmem:$0x1E820] =	vst v63  }
0x58: {  	_ =	swait.ge [sflag:s14], $0x7D00  }
0x59: {  	[sflag:s14] =	ssyncset.done $0x0  }
0x5a: {  	s28 =	simm.s32 $0x4268;
	[sflag:s14] =	ssyncadd.s32 $0xFFFF8300  }
0x5b: {  	[spmem:s2] =	stream.indirect.scatter.add.bf16 [tilespmem:s11], [sflag:$0x3], $0x20, s28, s9, $0xb8;
	[tilespmem:$0x1E820] =	vst v63  }
0x5c: {  	_ =	swait.ge [sflag:s4], $0x7D00  }
0x5d: {  	[sflag:s4] =	ssyncset.done $0x0  }
0x5e: {  	s29 =	simm.s32 $0x2328;
	[sflag:s4] =	ssyncadd.s32 $0xFFFF8300  }
0x5f: {  	[tilespmem:s11], [sflag:$0x2] =	stream.indirect.gather [hbm4b:s8+s9], $0x20, s29, s9, $0xb8;
	[tilespmem:$0x1E820] =	vst v63  }
0x60: {  	_ =	swait.ge [sflag:s12], $0x7D00  }
0x61: {  	[sflag:s12] =	ssyncset.done $0x0  }
0x62: {  	s30 =	simm.s32 $0x4650;
	[sflag:s12] =	ssyncadd.s32 $0xFFFF8300  }
0x63: {  	[spmem:s2] =	stream.indirect.scatter.add.bf16 [tilespmem:s10], [sflag:$0x3], $0x20, s30, s9, $0xb8;
	[tilespmem:$0x1E820] =	vst v63  }
0x64: {  	_ =	swait.ge [sflag:s4], $0x7D00  }
0x65: {  	[sflag:s4] =	ssyncset.done $0x0  }
0x66: {  	[sflag:s4] =	ssyncadd.s32 $0xFFFF8300  }
0x67: {  	_ =	swait.ge [sflag:s14], $0x7D00  }
0x68: {  	[sflag:s14] =	ssyncset.done $0x0  }
0x69: {  	s31 =	simm.s32 $0x4A38;
	[sflag:s14] =	ssyncadd.s32 $0xFFFF8300  }
0x6a: {  	[spmem:s2] =	stream.indirect.scatter.add.bf16 [tilespmem:s11], [sflag:$0x3], $0x20, s31, s9, $0xb8;
	[tilespmem:$0x1E820] =	vst v63  }
0x6b: {  	_ =	swait.ge [sflag:s4], $0x7D00  }
0x6c: {  	[sflag:s4] =	ssyncset.done $0x0  }
0x6d: {  	[sflag:s4] =	ssyncadd.s32 $0xFFFF8300  }
0x6e: {  	[bflag:$0x0] =	sbarrier.arrive $0xFFFF  }
0x6f: {  	[tilespmem:s5], [sflag:$0x3] =	stream.linear.gather [spmem:s6], $0x5000, $0x38;
	[tilespmem:$0x1E820] =	vst v63  }
0x70: {  	_ =	swait.ge [sflag:s4], $0x5000  }
0x71: {  	s1 =	ssub.s32 $0x2, s1;
	s0 =	rddreg [dreg:$0x6]  }
0x72: {  	[dreg:$0x7] =	wrdreg s0;
	s0 =	sshrl.u32 s1, $0x1  }
0x73: {  	s0 =	ssub.s32 s1, s0  }
0x74: {  	s0 =	smax.u32 s0, $0x1  }
0x75: {  	p0 =	sne.s32 s0, $0x1  }
.Ltmp0:
0x76: {  	_ = 	snop;
	(pc) =	sbr.rel @!p0 .LBB2_2-.Ltmp0, $4  }
0x77: {  	[sflag:s4] =	ssyncset.done $0x0  }
0x78: {  	[sflag:s4] =	ssyncadd.s32 $0xFFFFB000;
	s1 =	rddreg [dreg:$0x7]  }
0x79: {  	[hbm4b:s1+s3] =	stream.linear.scatter [tilespmem:s5], [sflag:$0x3], $0x5000, $0x38;
	[tilespmem:$0x1E820] =	vst v63  }
0x7a: {  	s1 =	sadd.s32 $0xFFFFFFFF, s0;
	_ =	swait.ge [sflag:s4], $0x5000  }
.LBB2_1:
0x7b: {  	[sflag:s4] =	ssyncset.done $0x0  }
0x7c: {  	s0 =	rddreg [dreg:$0x3];
	[sflag:s4] =	ssyncadd.s32 $0xFFFFB000  }
0x7d: {  	[tilespmem:s5], [sflag:$0x3] =	stream.linear.gather [hbm4b:s0+s3], $0x5000, $0x38;
	[tilespmem:$0x1E820] =	vst v63  }
0x7e: {  	_ =	swait.ge [sflag:s4], $0x5000  }
0x7f: {  	[sflag:s4] =	ssyncset.done $0x0  }
0x80: {  	[sflag:s4] =	ssyncadd.s32 $0xFFFFB000  }
0x81: {  	[spmem:s6] =	stream.linear.scatter [tilespmem:s5], [sflag:$0x3], $0x5000, $0x38;
	[tilespmem:$0x1E820] =	vst v63  }
0x82: {  	_ =	swait.ge [sflag:s4], $0x5000  }
0x83: {  	[sflag:s4] =	ssyncset.done $0x0  }
0x84: {  	s0 =	rddreg [dreg:$0x4];
	[sflag:s4] =	ssyncadd.s32 $0xFFFFB000  }
0x85: {  	[tilespmem:s3], [sflag:$0x3] =	stream.linear.gather [hbm4b:s0+s3], $0x2710, $0x38;
	[tilespmem:$0x1E820] =	vst v63  }
0x86: {  	_ =	swait.ge [sflag:s4], $0x2710  }
0x87: {  	[sflag:s4] =	ssyncset.done $0x0  }
0x88: {  	s0 =	rddreg [dreg:$0x5];
	[sflag:s4] =	ssyncadd.s32 $0xFFFFD8F0  }
0x89: {  	[tilespmem:s7], [sflag:$0x3] =	stream.linear.gather [hbm4b:s0+s3], $0x2710, $0x38;
	[tilespmem:$0x1E820] =	vst v63  }
0x8a: {  	_ =	swait.ge [sflag:s4], $0x2710  }
0x8b: {  	[sflag:s4] =	ssyncset.done $0x0  }
0x8c: {  	[sflag:s4] =	ssyncadd.s32 $0xFFFFD8F0  }
0x8d: {  	[tilespmem:s10], [sflag:$0x1] =	stream.indirect.gather [hbm4b:s8+s9], $0x20, s3, s9, $0xb8;
	[tilespmem:$0x1E820] =	vst v63  }
0x8e: {  	[bflag:$0x0] =	sbarrier.arrive $0xFFFF  }
0x8f: {  	[tilespmem:s11], [sflag:$0x2] =	stream.indirect.gather [hbm4b:s8+s9], $0x20, s9, s9, $0xb8;
	[tilespmem:$0x1E820] =	vst v63  }
0x90: {  	_ =	swait.ge [sflag:s12], $0x7D00  }
0x91: {  	[sflag:s12] =	ssyncset.done $0x0  }
0x92: {  	[sflag:s12] =	ssyncadd.s32 $0xFFFF8300  }
0x93: {  	[spmem:s2] =	stream.indirect.scatter.add.bf16 [tilespmem:s10], [sflag:$0x3], $0x20, s7, s9, $0xb8;
	[tilespmem:$0x1E820] =	vst v63  }
0x94: {  	_ =	swait.ge [sflag:s4], $0x7D00  }
0x95: {  	[sflag:s4] =	ssyncset.done $0x0  }
0x96: {  	[sflag:s4] =	ssyncadd.s32 $0xFFFF8300  }
0x97: {  	[tilespmem:s10], [sflag:$0x1] =	stream.indirect.gather [hbm4b:s8+s9], $0x20, s13, s9, $0xb8;
	[tilespmem:$0x1E820] =	vst v63  }
0x98: {  	_ =	swait.ge [sflag:s14], $0x7D00  }
0x99: {  	[sflag:s14] =	ssyncset.done $0x0  }
0x9a: {  	[sflag:s14] =	ssyncadd.s32 $0xFFFF8300  }
0x9b: {  	[spmem:s2] =	stream.indirect.scatter.add.bf16 [tilespmem:s11], [sflag:$0x3], $0x20, s15, s9, $0xb8;
	[tilespmem:$0x1E820] =	vst v63  }
0x9c: {  	_ =	swait.ge [sflag:s4], $0x7D00  }
0x9d: {  	[sflag:s4] =	ssyncset.done $0x0  }
0x9e: {  	[sflag:s4] =	ssyncadd.s32 $0xFFFF8300  }
0x9f: {  	[tilespmem:s11], [sflag:$0x2] =	stream.indirect.gather [hbm4b:s8+s9], $0x20, s16, s9, $0xb8;
	[tilespmem:$0x1E820] =	vst v63  }
0xa0: {  	_ =	swait.ge [sflag:s12], $0x7D00  }
0xa1: {  	[sflag:s12] =	ssyncset.done $0x0  }
0xa2: {  	[sflag:s12] =	ssyncadd.s32 $0xFFFF8300  }
0xa3: {  	[spmem:s2] =	stream.indirect.scatter.add.bf16 [tilespmem:s10], [sflag:$0x3], $0x20, s17, s9, $0xb8;
	[tilespmem:$0x1E820] =	vst v63  }
0xa4: {  	_ =	swait.ge [sflag:s4], $0x7D00  }
0xa5: {  	[sflag:s4] =	ssyncset.done $0x0  }
0xa6: {  	[sflag:s4] =	ssyncadd.s32 $0xFFFF8300  }
0xa7: {  	[tilespmem:s10], [sflag:$0x1] =	stream.indirect.gather [hbm4b:s8+s9], $0x20, s18, s9, $0xb8;
	[tilespmem:$0x1E820] =	vst v63  }
0xa8: {  	_ =	swait.ge [sflag:s14], $0x7D00  }
0xa9: {  	[sflag:s14] =	ssyncset.done $0x0  }
0xaa: {  	[sflag:s14] =	ssyncadd.s32 $0xFFFF8300  }
0xab: {  	[spmem:s2] =	stream.indirect.scatter.add.bf16 [tilespmem:s11], [sflag:$0x3], $0x20, s19, s9, $0xb8;
	[tilespmem:$0x1E820] =	vst v63  }
0xac: {  	_ =	swait.ge [sflag:s4], $0x7D00  }
0xad: {  	[sflag:s4] =	ssyncset.done $0x0  }
0xae: {  	[sflag:s4] =	ssyncadd.s32 $0xFFFF8300  }
0xaf: {  	[tilespmem:s11], [sflag:$0x2] =	stream.indirect.gather [hbm4b:s8+s9], $0x20, s20, s9, $0xb8;
	[tilespmem:$0x1E820] =	vst v63  }
0xb0: {  	_ =	swait.ge [sflag:s12], $0x7D00  }
0xb1: {  	[sflag:s12] =	ssyncset.done $0x0  }
0xb2: {  	[sflag:s12] =	ssyncadd.s32 $0xFFFF8300  }
0xb3: {  	[spmem:s2] =	stream.indirect.scatter.add.bf16 [tilespmem:s10], [sflag:$0x3], $0x20, s21, s9, $0xb8;
	[tilespmem:$0x1E820] =	vst v63  }
0xb4: {  	_ =	swait.ge [sflag:s4], $0x7D00  }
0xb5: {  	[sflag:s4] =	ssyncset.done $0x0  }
0xb6: {  	[sflag:s4] =	ssyncadd.s32 $0xFFFF8300  }
0xb7: {  	[tilespmem:s10], [sflag:$0x1] =	stream.indirect.gather [hbm4b:s8+s9], $0x20, s22, s9, $0xb8;
	[tilespmem:$0x1E820] =	vst v63  }
0xb8: {  	_ =	swait.ge [sflag:s14], $0x7D00  }
0xb9: {  	[sflag:s14] =	ssyncset.done $0x0  }
0xba: {  	[sflag:s14] =	ssyncadd.s32 $0xFFFF8300  }
0xbb: {  	[spmem:s2] =	stream.indirect.scatter.add.bf16 [tilespmem:s11], [sflag:$0x3], $0x20, s23, s9, $0xb8;
	[tilespmem:$0x1E820] =	vst v63  }
0xbc: {  	_ =	swait.ge [sflag:s4], $0x7D00  }
0xbd: {  	[sflag:s4] =	ssyncset.done $0x0  }
0xbe: {  	[sflag:s4] =	ssyncadd.s32 $0xFFFF8300  }
0xbf: {  	[tilespmem:s11], [sflag:$0x2] =	stream.indirect.gather [hbm4b:s8+s9], $0x20, s24, s9, $0xb8;
	[tilespmem:$0x1E820] =	vst v63  }
0xc0: {  	_ =	swait.ge [sflag:s12], $0x7D00  }
0xc1: {  	[sflag:s12] =	ssyncset.done $0x0  }
0xc2: {  	[sflag:s12] =	ssyncadd.s32 $0xFFFF8300  }
0xc3: {  	[spmem:s2] =	stream.indirect.scatter.add.bf16 [tilespmem:s10], [sflag:$0x3], $0x20, s25, s9, $0xb8;
	[tilespmem:$0x1E820] =	vst v63  }
0xc4: {  	_ =	swait.ge [sflag:s4], $0x7D00  }
0xc5: {  	[sflag:s4] =	ssyncset.done $0x0  }
0xc6: {  	[sflag:s4] =	ssyncadd.s32 $0xFFFF8300  }
0xc7: {  	[tilespmem:s10], [sflag:$0x1] =	stream.indirect.gather [hbm4b:s8+s9], $0x20, s26, s9, $0xb8;
	[tilespmem:$0x1E820] =	vst v63  }
0xc8: {  	_ =	swait.ge [sflag:s14], $0x7D00  }
0xc9: {  	[sflag:s14] =	ssyncset.done $0x0  }
0xca: {  	[sflag:s14] =	ssyncadd.s32 $0xFFFF8300  }
0xcb: {  	[spmem:s2] =	stream.indirect.scatter.add.bf16 [tilespmem:s11], [sflag:$0x3], $0x20, s28, s9, $0xb8;
	[tilespmem:$0x1E820] =	vst v63  }
0xcc: {  	_ =	swait.ge [sflag:s4], $0x7D00  }
0xcd: {  	[sflag:s4] =	ssyncset.done $0x0  }
0xce: {  	[sflag:s4] =	ssyncadd.s32 $0xFFFF8300  }
0xcf: {  	[tilespmem:s11], [sflag:$0x2] =	stream.indirect.gather [hbm4b:s8+s9], $0x20, s29, s9, $0xb8;
	[tilespmem:$0x1E820] =	vst v63  }
0xd0: {  	_ =	swait.ge [sflag:s12], $0x7D00  }
0xd1: {  	[sflag:s12] =	ssyncset.done $0x0  }
0xd2: {  	[sflag:s12] =	ssyncadd.s32 $0xFFFF8300  }
0xd3: {  	[spmem:s2] =	stream.indirect.scatter.add.bf16 [tilespmem:s10], [sflag:$0x3], $0x20, s30, s9, $0xb8;
	[tilespmem:$0x1E820] =	vst v63  }
0xd4: {  	_ =	swait.ge [sflag:s4], $0x7D00  }
0xd5: {  	[sflag:s4] =	ssyncset.done $0x0  }
0xd6: {  	[sflag:s4] =	ssyncadd.s32 $0xFFFF8300  }
0xd7: {  	_ =	swait.ge [sflag:s14], $0x7D00  }
0xd8: {  	[sflag:s14] =	ssyncset.done $0x0  }
0xd9: {  	[sflag:s14] =	ssyncadd.s32 $0xFFFF8300  }
0xda: {  	[spmem:s2] =	stream.indirect.scatter.add.bf16 [tilespmem:s11], [sflag:$0x3], $0x20, s31, s9, $0xb8;
	[tilespmem:$0x1E820] =	vst v63  }
0xdb: {  	_ =	swait.ge [sflag:s4], $0x7D00  }
0xdc: {  	[sflag:s4] =	ssyncset.done $0x0  }
0xdd: {  	[sflag:s4] =	ssyncadd.s32 $0xFFFF8300  }
0xde: {  	p0 =	sne.s32 s1, $0x1;
	[bflag:$0x0] =	sbarrier.arrive $0xFFFF  }
0xdf: {  	[tilespmem:s5], [sflag:$0x3] =	stream.linear.gather [spmem:s6], $0x5000, $0x38;
	[tilespmem:$0x1E820] =	vst v63  }
.Ltmp1:
0xe0: {  	_ =	swait.ge [sflag:s4], $0x5000;
	(pc) =	sbr.rel @p0 .LBB2_1-.Ltmp1, $4  }
0xe1: {  	[sflag:s4] =	ssyncset.done $0x0  }
0xe2: {  	s0 =	rddreg [dreg:$0x6];
	[sflag:s4] =	ssyncadd.s32 $0xFFFFB000  }
0xe3: {  	[hbm4b:s0+s3] =	stream.linear.scatter [tilespmem:s5], [sflag:$0x3], $0x5000, $0x38;
	[tilespmem:$0x1E820] =	vst v63  }
0xe4: {  	s1 =	sadd.s32 $0xFFFFFFFF, s1;
	_ =	swait.ge [sflag:s4], $0x5000  }
.LBB2_2:
0xe5: {  	[sflag:s4] =	ssyncset.done $0x0  }
0xe6: {  	[sflag:s4] =	ssyncadd.s32 $0xFFFFB000  }
0xe7: {  	_ =	sfence.sel $0x180000  }
0xe8: {  	[bflag:$0x0] =	sbarrier.arrive $0xFFFF  }
0xe9: {  	_ =	strace $0x90000047  }
0xea: {  	s0 =	stileid.u32;
	[bflag:$0x2] =	sbarrier.arrive $0xFFFF  }
0xeb: {  	p0 =	sne.s32 s0, $0x0;
	s0 =	rddreg [dreg:$0x2]  }
0xec: {  	s0 =	sadd.s32 @!p0 $0x100000, s0  }
0xed: {  	[sflag:s0] =	ssyncadd.tile.s32 @!p0 $0x1;
	_ =	shalt  }
.Lfunc_end2:
_tile_overlayer_lowered:
.L_overlay_start_2:
0xee: {  	(tag) =	ssettag $0x2  }
0xef: {  	s0 =	rddreg [dreg:$0x0];
	s2 =	stileid.u32  }
0xf0: {  	s1 =	rddreg [dreg:$0x1];
	p0 =	sne.s32 s2, $0x0  }
0xf1: {  	s3 =	rddreg [dreg:$0x2];
	[bflag:$0x3] =	sbarrier.arrive $0xFFFF;
	s2 =	simm.s32 @!p0 $0x1C03  }
0xf2: {  	[timem:s3], [sflag:s2] =	dma.local @!p0 [hbm:s0], s1  }
0xf3: {  	s0 =	simm.s32 @!p0 $0x3  }
0xf4: {  	_ =	swait.ge @!p0 [sflag:s0], s1  }
0xf5: {  	s1 =	ssub.s32 @!p0 $0x0, s1;
	[sflag:s0] =	ssyncset.done @!p0 $0x0  }
0xf6: {  	[sflag:s0] =	ssyncadd.s32 @!p0 s1  }
0xf7: {  	[bflag:$0x3] =	sbarrier.arrive $0xFFFF  }
0xf8: {  	_ =	shalt  }

</sc_bundles>
